<compile_context>
chip_gen: v7x
topology: tpu7x:2x2x1
jax: 0.10.2.dev20260603
libtpu: 0.0.44.dev20260713+nightly
codegen_flags: <defaults>
</compile_context>

<pallas_src>
import functools

import jax
import jax.numpy as jnp
from jax import lax
from jax.experimental import pallas as pl
from jax.experimental.pallas import tpu as pltpu
from jax.experimental.pallas import tpu_sc as plsc

N = 10000
NP = 10240
E = 640000
NC = 2
NS = 16
NW = NC * NS
E_PER_TILE = E // NW
CH = 4000
N_CHUNKS = E_PER_TILE // CH
N_PER_TILE = NP // NS
FD = 8


def _mesh():
    return plsc.VectorSubcoreMesh(core_axis_name="c", subcore_axis_name="s")


_SC_PARAMS = pltpu.CompilerParams(use_tc_tiling_on_sc=False)


@functools.partial(
    pl.kernel,
    out_type=jax.ShapeDtypeStruct((NC, NP, FD), jnp.float32),
    mesh=_mesh(),
    compiler_params=_SC_PARAMS,
    scratch_types=[
        pltpu.VMEM_SHARED((NP, FD), jnp.float32),
        pltpu.VMEM((CH,), jnp.int32),
        pltpu.VMEM((CH,), jnp.int32),
        pltpu.VMEM((CH, FD), jnp.float32),
        pltpu.SemaphoreType.DMA,
        pltpu.SemaphoreType.DMA,
    ],
)
def _sc_degree(ei_hbm, ones_hbm, zeros_hbm, out_hbm,
               acc_sp, idx0, idx1, ones_v, ssem0, ssem1):
    cid = lax.axis_index("c")
    sid = lax.axis_index("s")
    wid = cid * NS + sid
    rbase = sid * N_PER_TILE
    ebase = wid * E_PER_TILE
    pltpu.sync_copy(zeros_hbm.at[pl.ds(rbase, N_PER_TILE)],
                    acc_sp.at[pl.ds(rbase, N_PER_TILE)])
    pltpu.sync_copy(ones_hbm, ones_v)
    plsc.subcore_barrier()

    idx = [idx0, idx1]
    ssem = [ssem0, ssem1]
    shandle = [None, None]

    pltpu.sync_copy(ei_hbm.at[1, pl.ds(ebase, CH)], idx[0])
    for k in range(N_CHUNKS):
        cur = k % 2
        nxt = (k + 1) % 2
        if k + 1 < N_CHUNKS:
            if k >= 1:
                shandle[nxt].wait()
            pltpu.sync_copy(
                ei_hbm.at[1, pl.ds(ebase + (k + 1) * CH, CH)], idx[nxt])
        shandle[cur] = pltpu.async_copy(
            ones_v, acc_sp.at[idx[cur]], ssem[cur], add=True)
    shandle[(N_CHUNKS - 1) % 2].wait()
    if N_CHUNKS >= 2:
        shandle[(N_CHUNKS - 2) % 2].wait()

    plsc.subcore_barrier()
    pltpu.sync_copy(acc_sp.at[pl.ds(rbase, N_PER_TILE)],
                    out_hbm.at[cid, pl.ds(rbase, N_PER_TILE)])


def _make_msgpass(f):
    ch = 2000 if f == 16 else 5000
    nch = E_PER_TILE // ch

    @functools.partial(
        pl.kernel,
        out_type=jax.ShapeDtypeStruct((NC, NP, f), jnp.float32),
        mesh=_mesh(),
        compiler_params=_SC_PARAMS,
        scratch_types=[
            pltpu.VMEM_SHARED((NP, f), jnp.float32),
            pltpu.VMEM_SHARED((NP, f), jnp.float32),
            pltpu.VMEM((2, ch), jnp.int32),
            pltpu.VMEM((2, ch), jnp.int32),
            pltpu.VMEM((ch, f), jnp.float32),
            pltpu.VMEM((ch, f), jnp.float32),
            pltpu.SemaphoreType.DMA,
            pltpu.SemaphoreType.DMA,
            pltpu.SemaphoreType.DMA,
            pltpu.SemaphoreType.DMA,
        ],
    )
    def _msgpass(g_hbm, ei_hbm, zeros_hbm, out_hbm,
                 g_sp, acc_sp, idx0, idx1, msgs0, msgs1,
                 gsem0, gsem1, ssem0, ssem1):
        cid = lax.axis_index("c")
        sid = lax.axis_index("s")
        wid = cid * NS + sid
        rbase = sid * N_PER_TILE
        ebase = wid * E_PER_TILE
        pltpu.sync_copy(zeros_hbm.at[pl.ds(rbase, N_PER_TILE)],
                        acc_sp.at[pl.ds(rbase, N_PER_TILE)])
        pltpu.sync_copy(g_hbm.at[pl.ds(rbase, N_PER_TILE)],
                        g_sp.at[pl.ds(rbase, N_PER_TILE)])
        plsc.subcore_barrier()

        idx = [idx0, idx1]
        msgs = [msgs0, msgs1]
        gsem = [gsem0, gsem1]
        ssem = [ssem0, ssem1]
        ghandle = [None, None]
        shandle = [None, None]

        pltpu.sync_copy(ei_hbm.at[:, pl.ds(ebase, ch)], idx[0])
        ghandle[0] = pltpu.async_copy(g_sp.at[idx[0].at[0]], msgs[0], gsem[0])
        for k in range(nch):
            cur = k % 2
            nxt = (k + 1) % 2
            if k + 1 < nch:
                if k >= 1:
                    shandle[nxt].wait()
                pltpu.sync_copy(
                    ei_hbm.at[:, pl.ds(ebase + (k + 1) * ch, ch)], idx[nxt])
            ghandle[cur].wait()
            if k + 1 < nch:
                ghandle[nxt] = pltpu.async_copy(
                    g_sp.at[idx[nxt].at[0]], msgs[nxt], gsem[nxt])
            shandle[cur] = pltpu.async_copy(
                msgs[cur], acc_sp.at[idx[cur].at[1]], ssem[cur], add=True)
        shandle[(nch - 1) % 2].wait()
        if nch >= 2:
            shandle[(nch - 2) % 2].wait()

        plsc.subcore_barrier()
        pltpu.sync_copy(acc_sp.at[pl.ds(rbase, N_PER_TILE)],
                        out_hbm.at[cid, pl.ds(rbase, N_PER_TILE)])

    return _msgpass


_msgpass16 = _make_msgpass(16)
_msgpass8 = _make_msgpass(8)


def _tc1_body(x_ref, w1_ref, degp_ref, g1_ref, dinv_ref):
    deg8 = degp_ref[0] + degp_ref[1] + 1.0
    dinv8 = lax.rsqrt(deg8)
    dinv16 = jnp.concatenate([dinv8, dinv8], axis=-1)
    h = jnp.dot(x_ref[...], w1_ref[...], preferred_element_type=jnp.float32)
    g1_ref[:N] = dinv16[:N] * h
    g1_ref[N:] = jnp.zeros((NP - N, 16), jnp.float32)
    dinv_ref[...] = dinv16


def _tc2_body(acc_ref, g1_ref, dinv_ref, b1_ref, w2_ref, g2_ref):
    s = acc_ref[0] + acc_ref[1] + g1_ref[...]
    h1 = jnp.maximum(dinv_ref[...] * s + b1_ref[...], 0.0)
    h2 = jnp.dot(h1, w2_ref[...], preferred_element_type=jnp.float32)
    g2_ref[...] = dinv_ref[:, :8] * h2


def _tc3_body(acc_ref, g2_ref, dinv_ref, b2_ref, wfcs_ref, bfc_ref, out_ref):
    s = acc_ref[0] + acc_ref[1] + g2_ref[...]
    h = jnp.maximum(dinv_ref[:, :8] * s + b2_ref[...], 0.0)
    prod = h[None, :, :] * wfcs_ref[...]
    sums = jnp.sum(prod, axis=(1, 2))
    out_ref[...] = sums.reshape(1, 2) + bfc_ref[...]


def kernel(x, edge_index, w1, b1, w2, b2, wfc, bfc):
    ones_d = jnp.ones((CH, FD), jnp.float32)
    zeros8 = jnp.zeros((NP, FD), jnp.float32)
    zeros16 = jnp.zeros((NP, 16), jnp.float32)

    degp = _sc_degree(edge_index, ones_d, zeros8)

    g1, dinv16 = pl.pallas_call(
        _tc1_body,
        out_shape=(jax.ShapeDtypeStruct((NP, 16), jnp.float32),
                   jax.ShapeDtypeStruct((NP, 16), jnp.float32)),
    )(x, w1, degp)

    acc1 = _msgpass16(g1, edge_index, zeros16)

    g2 = pl.pallas_call(
        _tc2_body,
        out_shape=jax.ShapeDtypeStruct((NP, 8), jnp.float32),
    )(acc1, g1, dinv16, b1.reshape(1, 16), w2)

    acc2 = _msgpass8(g2, edge_index, zeros8)

    wfcs = jnp.pad(wfc.reshape(N, 8, 2).transpose(2, 0, 1),
                   ((0, 0), (0, NP - N), (0, 0)))
    out = pl.pallas_call(
        _tc3_body,
        out_shape=jax.ShapeDtypeStruct((1, 2), jnp.float32),
    )(acc2, g2, dinv16, b2.reshape(1, 8), wfcs, bfc.reshape(1, 2))
    return out

# --- scband reference (transcript-rebuilt; emitter-appended) ---
"""Pipeline reference for scband-simple-gcn-18330920419812 (READ-ONLY COPY).

The authoritative reference and input builder live on the scoring server;
editing this copy changes nothing except your own understanding.
"""

import jax, jax.numpy as jnp
import numpy as np

NUM_NODES = 10000
NUM_EDGES = 640000
D_FEAT = 128
HID1 = 16
HID2 = 8
NUM_CLASSES = 2


def setup_inputs(seed: int = 0) -> dict:
    key = jax.random.key(seed)
    ks = jax.random.split(key, 8)
    x = jax.random.normal(ks[0], (NUM_NODES, D_FEAT), dtype=jnp.float32)
    edge_index = jax.random.randint(ks[1], (2, NUM_EDGES), 0, NUM_NODES, dtype=jnp.int32)
    w1 = 0.1 * jax.random.normal(ks[2], (D_FEAT, HID1), dtype=jnp.float32)
    b1 = jnp.zeros((HID1,), dtype=jnp.float32)
    w2 = 0.1 * jax.random.normal(ks[3], (HID1, HID2), dtype=jnp.float32)
    b2 = jnp.zeros((HID2,), dtype=jnp.float32)
    wfc = 0.01 * jax.random.normal(ks[4], (NUM_NODES * HID2, NUM_CLASSES), dtype=jnp.float32)
    bfc = jnp.zeros((NUM_CLASSES,), dtype=jnp.float32)
    return {"x": x, "edge_index": edge_index, "w1": w1, "b1": b1, "w2": w2, "b2": b2, "wfc": wfc, "bfc": bfc}


def _gcn_conv(x, edge_index, w, b):
    # PyG GCNConv: linear transform, then symmetric-normalized aggregation with self-loops, then bias
    h = x @ w
    row = edge_index[0]
    col = edge_index[1]
    loop = jnp.arange(NUM_NODES, dtype=edge_index.dtype)
    row = jnp.concatenate([row, loop])
    col = jnp.concatenate([col, loop])
    deg = jnp.zeros((NUM_NODES,), dtype=h.dtype).at[col].add(1.0)
    dinv = jnp.where(deg > 0, jax.lax.rsqrt(jnp.maximum(deg, 1e-12)), 0.0)
    norm = dinv[row] * dinv[col]
    msg = h[row] * norm[:, None]
    out = jnp.zeros_like(h).at[col].add(msg)
    return out + b


def reference(x, edge_index, w1, b1, w2, b2, wfc, bfc):
    h = jax.nn.relu(_gcn_conv(x, edge_index, w1, b1))
    # dropout is identity in eval mode
    h = jax.nn.relu(_gcn_conv(h, edge_index, w2, b2))
    h = h.reshape(1, -1)  # batch_size = num_graphs = 1
    out = h @ wfc + bfc
    return out

if __name__ == "__main__":
    import jax
    _d = setup_inputs()
    print(jax.jit(kernel)(*tuple(_d.values())))

</pallas_src>

<mosaic_0001>
#map = affine_map<(d0, d1) -> (0, 0)>
#map1 = affine_map<(d0, d1) -> (0, 0, 0)>
module attributes {stable_mosaic.version = 14 : i64} {
  func.func @_sc_degree(%arg0: i32, %arg1: i32, %arg2: memref<2x640000xi32, #tpu.memory_space<hbm>>, %arg3: memref<4000x8xf32, #tpu.memory_space<hbm>>, %arg4: memref<10240x8xf32, #tpu.memory_space<hbm>>, %arg5: memref<2x10240x8xf32, #tpu.memory_space<hbm>>, %arg6: memref<10240x8xf32, #tpu.memory_space<vmem_shared>>, %arg7: memref<4000xi32, #tpu.memory_space<vmem>>, %arg8: memref<4000xi32, #tpu.memory_space<vmem>>, %arg9: memref<4000x8xf32, #tpu.memory_space<vmem>>, %arg10: memref<!tpu.dma_semaphore, #tpu.memory_space<semaphore_mem>>, %arg11: memref<!tpu.dma_semaphore, #tpu.memory_space<semaphore_mem>>) attributes {dimension_semantics = [#tpu.dimension_semantics<core_parallel>, #tpu.dimension_semantics<subcore_parallel>], iteration_bounds = array<i64: 2, 16>, scalar_prefetch = 0 : i64, scratch_operands = 6 : i64, tpu.core_type = #tpu.core_type<sc_vector_subcore>, window_params = [{transform_indices = #map}, {transform_indices = #map}, {transform_indices = #map}, {transform_indices = #map1}]} {
    %mul3A = arith.constant 16 : i32
    %mul3A_0 = arith.muli %arg0, %mul3A : i32
    %add3A = arith.addi %mul3A_0, %arg1 : i32
    %mul3A_1 = arith.constant 640 : i32
    %mul3A_2 = arith.muli %arg1, %mul3A_1 : i32
    %mul3A_3 = arith.constant 20000 : i32
    %mul3A_4 = arith.muli %add3A, %mul3A_3 : i32
    "tpu.region"() ({
      %run_scoped3A_46 = tpu.sem_alloc : memref<!tpu.dma_semaphore, #tpu.memory_space<semaphore_mem>>
      %dma_start3A_47 = arith.constant 0 : i32
      %dma_start3A_48 = tpu.memref_slice %arg6[%mul3A_2, %dma_start3A_47] : memref<10240x8xf32, #tpu.memory_space<vmem_shared>> -> memref<640x8xf32, #tpu.memory_space<vmem_shared>>
      %dma_start3A_49 = arith.constant 0 : i32
      %dma_start3A_50 = tpu.memref_slice %arg4[%mul3A_2, %dma_start3A_49] : memref<10240x8xf32, #tpu.memory_space<hbm>> -> memref<640x8xf32, #tpu.memory_space<hbm>>
      tpu.enqueue_dma source(%dma_start3A_50 : memref<640x8xf32, #tpu.memory_space<hbm>>) target(%dma_start3A_48 : memref<640x8xf32, #tpu.memory_space<vmem_shared>>) target_semaphore(%run_scoped3A_46 : memref<!tpu.dma_semaphore, #tpu.memory_space<semaphore_mem>>)
      %dma_wait3A_51 = arith.constant 0 : i32
      %dma_wait3A_52 = tpu.memref_slice %arg6[%mul3A_2, %dma_wait3A_51] : memref<10240x8xf32, #tpu.memory_space<vmem_shared>> -> memref<640x8xf32, #tpu.memory_space<vmem_shared>>
      %dma_wait3A_53 = arith.constant 0 : i32
      %dma_wait3A_54 = tpu.memref_slice %arg4[%mul3A_2, %dma_wait3A_53] : memref<10240x8xf32, #tpu.memory_space<hbm>> -> memref<640x8xf32, #tpu.memory_space<hbm>>
      tpu.wait_dma2 semaphore(%run_scoped3A_46 : memref<!tpu.dma_semaphore, #tpu.memory_space<semaphore_mem>>) src(%dma_wait3A_54 : memref<640x8xf32, #tpu.memory_space<hbm>>) dst(%dma_wait3A_52 : memref<640x8xf32, #tpu.memory_space<vmem_shared>>)
      tpu.yield
    }) : () -> ()
    "tpu.region"() ({
      %run_scoped3A_46 = tpu.sem_alloc : memref<!tpu.dma_semaphore, #tpu.memory_space<semaphore_mem>>
      tpu.enqueue_dma source(%arg3 : memref<4000x8xf32, #tpu.memory_space<hbm>>) target(%arg9 : memref<4000x8xf32, #tpu.memory_space<vmem>>) target_semaphore(%run_scoped3A_46 : memref<!tpu.dma_semaphore, #tpu.memory_space<semaphore_mem>>)
      tpu.wait_dma2 semaphore(%run_scoped3A_46 : memref<!tpu.dma_semaphore, #tpu.memory_space<semaphore_mem>>) src(%arg3 : memref<4000x8xf32, #tpu.memory_space<hbm>>) dst(%arg9 : memref<4000x8xf32, #tpu.memory_space<vmem>>)
      tpu.yield
    }) : () -> ()
    %barrier3A = arith.constant 0 : index
    tpu.barrier barrier_id(%barrier3A)
    %run_scoped3A = arith.constant 1 : i32
    "tpu.region"() ({
      %run_scoped3A_46 = tpu.sem_alloc : memref<!tpu.dma_semaphore, #tpu.memory_space<semaphore_mem>>
      %dma_start3A_47 = tpu.memref_slice %arg2[%run_scoped3A, %mul3A_4] : memref<2x640000xi32, #tpu.memory_space<hbm>> -> memref<1x4000xi32, #tpu.memory_space<hbm>>
      %dma_start3A_48 = tpu.memref_squeeze %dma_start3A_47 : memref<1x4000xi32, #tpu.memory_space<hbm>> -> memref<4000xi32, #tpu.memory_space<hbm>>
      %dma_start3A_49 = tpu.memref_slice %arg2[%run_scoped3A, %mul3A_4] : memref<2x640000xi32, #tpu.memory_space<hbm>> -> memref<1x4000xi32, #tpu.memory_space<hbm>>
      %dma_start3A_50 = tpu.memref_squeeze %dma_start3A_49 : memref<1x4000xi32, #tpu.memory_space<hbm>> -> memref<4000xi32, #tpu.memory_space<hbm>>
      tpu.enqueue_dma source(%dma_start3A_50 : memref<4000xi32, #tpu.memory_space<hbm>>) target(%arg7 : memref<4000xi32, #tpu.memory_space<vmem>>) target_semaphore(%run_scoped3A_46 : memref<!tpu.dma_semaphore, #tpu.memory_space<semaphore_mem>>)
      %dma_wait3A_51 = tpu.memref_slice %arg2[%run_scoped3A, %mul3A_4] : memref<2x640000xi32, #tpu.memory_space<hbm>> -> memref<1x4000xi32, #tpu.memory_space<hbm>>
      %dma_wait3A_52 = tpu.memref_squeeze %dma_wait3A_51 : memref<1x4000xi32, #tpu.memory_space<hbm>> -> memref<4000xi32, #tpu.memory_space<hbm>>
      %dma_wait3A_53 = tpu.memref_slice %arg2[%run_scoped3A, %mul3A_4] : memref<2x640000xi32, #tpu.memory_space<hbm>> -> memref<1x4000xi32, #tpu.memory_space<hbm>>
      %dma_wait3A_54 = tpu.memref_squeeze %dma_wait3A_53 : memref<1x4000xi32, #tpu.memory_space<hbm>> -> memref<4000xi32, #tpu.memory_space<hbm>>
      tpu.wait_dma2 semaphore(%run_scoped3A_46 : memref<!tpu.dma_semaphore, #tpu.memory_space<semaphore_mem>>) src(%dma_wait3A_54 : memref<4000xi32, #tpu.memory_space<hbm>>) dst(%arg7 : memref<4000xi32, #tpu.memory_space<vmem>>)
      tpu.yield
    }) : () -> ()
    %add3A_5 = arith.constant 4000 : i32
    %add3A_6 = arith.addi %mul3A_4, %add3A_5 : i32
    %run_scoped3A_7 = arith.constant 1 : i32
    "tpu.region"() ({
      %run_scoped3A_46 = tpu.sem_alloc : memref<!tpu.dma_semaphore, #tpu.memory_space<semaphore_mem>>
      %dma_start3A_47 = tpu.memref_slice %arg2[%run_scoped3A_7, %add3A_6] : memref<2x640000xi32, #tpu.memory_space<hbm>> -> memref<1x4000xi32, #tpu.memory_space<hbm>>
      %dma_start3A_48 = tpu.memref_squeeze %dma_start3A_47 : memref<1x4000xi32, #tpu.memory_space<hbm>> -> memref<4000xi32, #tpu.memory_space<hbm>>
      %dma_start3A_49 = tpu.memref_slice %arg2[%run_scoped3A_7, %add3A_6] : memref<2x640000xi32, #tpu.memory_space<hbm>> -> memref<1x4000xi32, #tpu.memory_space<hbm>>
      %dma_start3A_50 = tpu.memref_squeeze %dma_start3A_49 : memref<1x4000xi32, #tpu.memory_space<hbm>> -> memref<4000xi32, #tpu.memory_space<hbm>>
      tpu.enqueue_dma source(%dma_start3A_50 : memref<4000xi32, #tpu.memory_space<hbm>>) target(%arg8 : memref<4000xi32, #tpu.memory_space<vmem>>) target_semaphore(%run_scoped3A_46 : memref<!tpu.dma_semaphore, #tpu.memory_space<semaphore_mem>>)
      %dma_wait3A_51 = tpu.memref_slice %arg2[%run_scoped3A_7, %add3A_6] : memref<2x640000xi32, #tpu.memory_space<hbm>> -> memref<1x4000xi32, #tpu.memory_space<hbm>>
      %dma_wait3A_52 = tpu.memref_squeeze %dma_wait3A_51 : memref<1x4000xi32, #tpu.memory_space<hbm>> -> memref<4000xi32, #tpu.memory_space<hbm>>
      %dma_wait3A_53 = tpu.memref_slice %arg2[%run_scoped3A_7, %add3A_6] : memref<2x640000xi32, #tpu.memory_space<hbm>> -> memref<1x4000xi32, #tpu.memory_space<hbm>>
      %dma_wait3A_54 = tpu.memref_squeeze %dma_wait3A_53 : memref<1x4000xi32, #tpu.memory_space<hbm>> -> memref<4000xi32, #tpu.memory_space<hbm>>
      tpu.wait_dma2 semaphore(%run_scoped3A_46 : memref<!tpu.dma_semaphore, #tpu.memory_space<semaphore_mem>>) src(%dma_wait3A_54 : memref<4000xi32, #tpu.memory_space<hbm>>) dst(%arg8 : memref<4000xi32, #tpu.memory_space<vmem>>)
      tpu.yield
    }) : () -> ()
    %dma_start3A = arith.constant 0 : i32
    %dma_start3A_8 = arith.constant 0 : i32
    %dma_start3A_9 = tpu.memref_slice %arg6[%dma_start3A, %dma_start3A_8] : memref<10240x8xf32, #tpu.memory_space<vmem_shared>> -> memref<10240x8xf32, #tpu.memory_space<vmem_shared>>
    tpu.enqueue_indirect_dma source(%arg9 : memref<4000x8xf32, #tpu.memory_space<vmem>>) target(%dma_start3A_9 : memref<10240x8xf32, #tpu.memory_space<vmem_shared>>) offsets(%arg7 : memref<4000xi32, #tpu.memory_space<vmem>>) semaphore(%arg10 : memref<!tpu.dma_semaphore, #tpu.memory_space<semaphore_mem>>) {add = true}
    %dma_wait3A = arith.constant 0 : i32
    %dma_wait3A_10 = arith.constant 0 : i32
    %dma_wait3A_11 = tpu.memref_slice %arg6[%dma_wait3A, %dma_wait3A_10] : memref<10240x8xf32, #tpu.memory_space<vmem_shared>> -> memref<10240x8xf32, #tpu.memory_space<vmem_shared>>
    tpu.wait_indirect_dma semaphore(%arg10 : memref<!tpu.dma_semaphore, #tpu.memory_space<semaphore_mem>>) src(%arg9 : memref<4000x8xf32, #tpu.memory_space<vmem>>) dst(%dma_wait3A_11 : memref<10240x8xf32, #tpu.memory_space<vmem_shared>>)
    %add3A_12 = arith.constant 8000 : i32
    %add3A_13 = arith.addi %mul3A_4, %add3A_12 : i32
    %run_scoped3A_14 = arith.constant 1 : i32
    "tpu.region"() ({
      %run_scoped3A_46 = tpu.sem_alloc : memref<!tpu.dma_semaphore, #tpu.memory_space<semaphore_mem>>
      %dma_start3A_47 = tpu.memref_slice %arg2[%run_scoped3A_14, %add3A_13] : memref<2x640000xi32, #tpu.memory_space<hbm>> -> memref<1x4000xi32, #tpu.memory_space<hbm>>
      %dma_start3A_48 = tpu.memref_squeeze %dma_start3A_47 : memref<1x4000xi32, #tpu.memory_space<hbm>> -> memref<4000xi32, #tpu.memory_space<hbm>>
      %dma_start3A_49 = tpu.memref_slice %arg2[%run_scoped3A_14, %add3A_13] : memref<2x640000xi32, #tpu.memory_space<hbm>> -> memref<1x4000xi32, #tpu.memory_space<hbm>>
      %dma_start3A_50 = tpu.memref_squeeze %dma_start3A_49 : memref<1x4000xi32, #tpu.memory_space<hbm>> -> memref<4000xi32, #tpu.memory_space<hbm>>
      tpu.enqueue_dma source(%dma_start3A_50 : memref<4000xi32, #tpu.memory_space<hbm>>) target(%arg7 : memref<4000xi32, #tpu.memory_space<vmem>>) target_semaphore(%run_scoped3A_46 : memref<!tpu.dma_semaphore, #tpu.memory_space<semaphore_mem>>)
      %dma_wait3A_51 = tpu.memref_slice %arg2[%run_scoped3A_14, %add3A_13] : memref<2x640000xi32, #tpu.memory_space<hbm>> -> memref<1x4000xi32, #tpu.memory_space<hbm>>
      %dma_wait3A_52 = tpu.memref_squeeze %dma_wait3A_51 : memref<1x4000xi32, #tpu.memory_space<hbm>> -> memref<4000xi32, #tpu.memory_space<hbm>>
      %dma_wait3A_53 = tpu.memref_slice %arg2[%run_scoped3A_14, %add3A_13] : memref<2x640000xi32, #tpu.memory_space<hbm>> -> memref<1x4000xi32, #tpu.memory_space<hbm>>
      %dma_wait3A_54 = tpu.memref_squeeze %dma_wait3A_53 : memref<1x4000xi32, #tpu.memory_space<hbm>> -> memref<4000xi32, #tpu.memory_space<hbm>>
      tpu.wait_dma2 semaphore(%run_scoped3A_46 : memref<!tpu.dma_semaphore, #tpu.memory_space<semaphore_mem>>) src(%dma_wait3A_54 : memref<4000xi32, #tpu.memory_space<hbm>>) dst(%arg7 : memref<4000xi32, #tpu.memory_space<vmem>>)
      tpu.yield
    }) : () -> ()
    %dma_start3A_15 = arith.constant 0 : i32
    %dma_start3A_16 = arith.constant 0 : i32
    %dma_start3A_17 = tpu.memref_slice %arg6[%dma_start3A_15, %dma_start3A_16] : memref<10240x8xf32, #tpu.memory_space<vmem_shared>> -> memref<10240x8xf32, #tpu.memory_space<vmem_shared>>
    tpu.enqueue_indirect_dma source(%arg9 : memref<4000x8xf32, #tpu.memory_space<vmem>>) target(%dma_start3A_17 : memref<10240x8xf32, #tpu.memory_space<vmem_shared>>) offsets(%arg8 : memref<4000xi32, #tpu.memory_space<vmem>>) semaphore(%arg11 : memref<!tpu.dma_semaphore, #tpu.memory_space<semaphore_mem>>) {add = true}
    %dma_wait3A_18 = arith.constant 0 : i32
    %dma_wait3A_19 = arith.constant 0 : i32
    %dma_wait3A_20 = tpu.memref_slice %arg6[%dma_wait3A_18, %dma_wait3A_19] : memref<10240x8xf32, #tpu.memory_space<vmem_shared>> -> memref<10240x8xf32, #tpu.memory_space<vmem_shared>>
    tpu.wait_indirect_dma semaphore(%arg11 : memref<!tpu.dma_semaphore, #tpu.memory_space<semaphore_mem>>) src(%arg9 : memref<4000x8xf32, #tpu.memory_space<vmem>>) dst(%dma_wait3A_20 : memref<10240x8xf32, #tpu.memory_space<vmem_shared>>)
    %add3A_21 = arith.constant 12000 : i32
    %add3A_22 = arith.addi %mul3A_4, %add3A_21 : i32
    %run_scoped3A_23 = arith.constant 1 : i32
    "tpu.region"() ({
      %run_scoped3A_46 = tpu.sem_alloc : memref<!tpu.dma_semaphore, #tpu.memory_space<semaphore_mem>>
      %dma_start3A_47 = tpu.memref_slice %arg2[%run_scoped3A_23, %add3A_22] : memref<2x640000xi32, #tpu.memory_space<hbm>> -> memref<1x4000xi32, #tpu.memory_space<hbm>>
      %dma_start3A_48 = tpu.memref_squeeze %dma_start3A_47 : memref<1x4000xi32, #tpu.memory_space<hbm>> -> memref<4000xi32, #tpu.memory_space<hbm>>
      %dma_start3A_49 = tpu.memref_slice %arg2[%run_scoped3A_23, %add3A_22] : memref<2x640000xi32, #tpu.memory_space<hbm>> -> memref<1x4000xi32, #tpu.memory_space<hbm>>
      %dma_start3A_50 = tpu.memref_squeeze %dma_start3A_49 : memref<1x4000xi32, #tpu.memory_space<hbm>> -> memref<4000xi32, #tpu.memory_space<hbm>>
      tpu.enqueue_dma source(%dma_start3A_50 : memref<4000xi32, #tpu.memory_space<hbm>>) target(%arg8 : memref<4000xi32, #tpu.memory_space<vmem>>) target_semaphore(%run_scoped3A_46 : memref<!tpu.dma_semaphore, #tpu.memory_space<semaphore_mem>>)
      %dma_wait3A_51 = tpu.memref_slice %arg2[%run_scoped3A_23, %add3A_22] : memref<2x640000xi32, #tpu.memory_space<hbm>> -> memref<1x4000xi32, #tpu.memory_space<hbm>>
      %dma_wait3A_52 = tpu.memref_squeeze %dma_wait3A_51 : memref<1x4000xi32, #tpu.memory_space<hbm>> -> memref<4000xi32, #tpu.memory_space<hbm>>
      %dma_wait3A_53 = tpu.memref_slice %arg2[%run_scoped3A_23, %add3A_22] : memref<2x640000xi32, #tpu.memory_space<hbm>> -> memref<1x4000xi32, #tpu.memory_space<hbm>>
      %dma_wait3A_54 = tpu.memref_squeeze %dma_wait3A_53 : memref<1x4000xi32, #tpu.memory_space<hbm>> -> memref<4000xi32, #tpu.memory_space<hbm>>
      tpu.wait_dma2 semaphore(%run_scoped3A_46 : memref<!tpu.dma_semaphore, #tpu.memory_space<semaphore_mem>>) src(%dma_wait3A_54 : memref<4000xi32, #tpu.memory_space<hbm>>) dst(%arg8 : memref<4000xi32, #tpu.memory_space<vmem>>)
      tpu.yield
    }) : () -> ()
    %dma_start3A_24 = arith.constant 0 : i32
    %dma_start3A_25 = arith.constant 0 : i32
    %dma_start3A_26 = tpu.memref_slice %arg6[%dma_start3A_24, %dma_start3A_25] : memref<10240x8xf32, #tpu.memory_space<vmem_shared>> -> memref<10240x8xf32, #tpu.memory_space<vmem_shared>>
    tpu.enqueue_indirect_dma source(%arg9 : memref<4000x8xf32, #tpu.memory_space<vmem>>) target(%dma_start3A_26 : memref<10240x8xf32, #tpu.memory_space<vmem_shared>>) offsets(%arg7 : memref<4000xi32, #tpu.memory_space<vmem>>) semaphore(%arg10 : memref<!tpu.dma_semaphore, #tpu.memory_space<semaphore_mem>>) {add = true}
    %dma_wait3A_27 = arith.constant 0 : i32
    %dma_wait3A_28 = arith.constant 0 : i32
    %dma_wait3A_29 = tpu.memref_slice %arg6[%dma_wait3A_27, %dma_wait3A_28] : memref<10240x8xf32, #tpu.memory_space<vmem_shared>> -> memref<10240x8xf32, #tpu.memory_space<vmem_shared>>
    tpu.wait_indirect_dma semaphore(%arg10 : memref<!tpu.dma_semaphore, #tpu.memory_space<semaphore_mem>>) src(%arg9 : memref<4000x8xf32, #tpu.memory_space<vmem>>) dst(%dma_wait3A_29 : memref<10240x8xf32, #tpu.memory_space<vmem_shared>>)
    %add3A_30 = arith.constant 16000 : i32
    %add3A_31 = arith.addi %mul3A_4, %add3A_30 : i32
    %run_scoped3A_32 = arith.constant 1 : i32
    "tpu.region"() ({
      %run_scoped3A_46 = tpu.sem_alloc : memref<!tpu.dma_semaphore, #tpu.memory_space<semaphore_mem>>
      %dma_start3A_47 = tpu.memref_slice %arg2[%run_scoped3A_32, %add3A_31] : memref<2x640000xi32, #tpu.memory_space<hbm>> -> memref<1x4000xi32, #tpu.memory_space<hbm>>
      %dma_start3A_48 = tpu.memref_squeeze %dma_start3A_47 : memref<1x4000xi32, #tpu.memory_space<hbm>> -> memref<4000xi32, #tpu.memory_space<hbm>>
      %dma_start3A_49 = tpu.memref_slice %arg2[%run_scoped3A_32, %add3A_31] : memref<2x640000xi32, #tpu.memory_space<hbm>> -> memref<1x4000xi32, #tpu.memory_space<hbm>>
      %dma_start3A_50 = tpu.memref_squeeze %dma_start3A_49 : memref<1x4000xi32, #tpu.memory_space<hbm>> -> memref<4000xi32, #tpu.memory_space<hbm>>
      tpu.enqueue_dma source(%dma_start3A_50 : memref<4000xi32, #tpu.memory_space<hbm>>) target(%arg7 : memref<4000xi32, #tpu.memory_space<vmem>>) target_semaphore(%run_scoped3A_46 : memref<!tpu.dma_semaphore, #tpu.memory_space<semaphore_mem>>)
      %dma_wait3A_51 = tpu.memref_slice %arg2[%run_scoped3A_32, %add3A_31] : memref<2x640000xi32, #tpu.memory_space<hbm>> -> memref<1x4000xi32, #tpu.memory_space<hbm>>
      %dma_wait3A_52 = tpu.memref_squeeze %dma_wait3A_51 : memref<1x4000xi32, #tpu.memory_space<hbm>> -> memref<4000xi32, #tpu.memory_space<hbm>>
      %dma_wait3A_53 = tpu.memref_slice %arg2[%run_scoped3A_32, %add3A_31] : memref<2x640000xi32, #tpu.memory_space<hbm>> -> memref<1x4000xi32, #tpu.memory_space<hbm>>
      %dma_wait3A_54 = tpu.memref_squeeze %dma_wait3A_53 : memref<1x4000xi32, #tpu.memory_space<hbm>> -> memref<4000xi32, #tpu.memory_space<hbm>>
      tpu.wait_dma2 semaphore(%run_scoped3A_46 : memref<!tpu.dma_semaphore, #tpu.memory_space<semaphore_mem>>) src(%dma_wait3A_54 : memref<4000xi32, #tpu.memory_space<hbm>>) dst(%arg7 : memref<4000xi32, #tpu.memory_space<vmem>>)
      tpu.yield
    }) : () -> ()
    %dma_start3A_33 = arith.constant 0 : i32
    %dma_start3A_34 = arith.constant 0 : i32
    %dma_start3A_35 = tpu.memref_slice %arg6[%dma_start3A_33, %dma_start3A_34] : memref<10240x8xf32, #tpu.memory_space<vmem_shared>> -> memref<10240x8xf32, #tpu.memory_space<vmem_shared>>
    tpu.enqueue_indirect_dma source(%arg9 : memref<4000x8xf32, #tpu.memory_space<vmem>>) target(%dma_start3A_35 : memref<10240x8xf32, #tpu.memory_space<vmem_shared>>) offsets(%arg8 : memref<4000xi32, #tpu.memory_space<vmem>>) semaphore(%arg11 : memref<!tpu.dma_semaphore, #tpu.memory_space<semaphore_mem>>) {add = true}
    %dma_start3A_36 = arith.constant 0 : i32
    %dma_start3A_37 = arith.constant 0 : i32
    %dma_start3A_38 = tpu.memref_slice %arg6[%dma_start3A_36, %dma_start3A_37] : memref<10240x8xf32, #tpu.memory_space<vmem_shared>> -> memref<10240x8xf32, #tpu.memory_space<vmem_shared>>
    tpu.enqueue_indirect_dma source(%arg9 : memref<4000x8xf32, #tpu.memory_space<vmem>>) target(%dma_start3A_38 : memref<10240x8xf32, #tpu.memory_space<vmem_shared>>) offsets(%arg7 : memref<4000xi32, #tpu.memory_space<vmem>>) semaphore(%arg10 : memref<!tpu.dma_semaphore, #tpu.memory_space<semaphore_mem>>) {add = true}
    %dma_wait3A_39 = arith.constant 0 : i32
    %dma_wait3A_40 = arith.constant 0 : i32
    %dma_wait3A_41 = tpu.memref_slice %arg6[%dma_wait3A_39, %dma_wait3A_40] : memref<10240x8xf32, #tpu.memory_space<vmem_shared>> -> memref<10240x8xf32, #tpu.memory_space<vmem_shared>>
    tpu.wait_indirect_dma semaphore(%arg10 : memref<!tpu.dma_semaphore, #tpu.memory_space<semaphore_mem>>) src(%arg9 : memref<4000x8xf32, #tpu.memory_space<vmem>>) dst(%dma_wait3A_41 : memref<10240x8xf32, #tpu.memory_space<vmem_shared>>)
    %dma_wait3A_42 = arith.constant 0 : i32
    %dma_wait3A_43 = arith.constant 0 : i32
    %dma_wait3A_44 = tpu.memref_slice %arg6[%dma_wait3A_42, %dma_wait3A_43] : memref<10240x8xf32, #tpu.memory_space<vmem_shared>> -> memref<10240x8xf32, #tpu.memory_space<vmem_shared>>
    tpu.wait_indirect_dma semaphore(%arg11 : memref<!tpu.dma_semaphore, #tpu.memory_space<semaphore_mem>>) src(%arg9 : memref<4000x8xf32, #tpu.memory_space<vmem>>) dst(%dma_wait3A_44 : memref<10240x8xf32, #tpu.memory_space<vmem_shared>>)
    %barrier3A_45 = arith.constant 0 : index
    tpu.barrier barrier_id(%barrier3A_45)
    "tpu.region"() ({
      %run_scoped3A_46 = tpu.sem_alloc : memref<!tpu.dma_semaphore, #tpu.memory_space<semaphore_mem>>
      %dma_start3A_47 = arith.constant 0 : i32
      %dma_start3A_48 = tpu.memref_slice %arg5[%arg0, %mul3A_2, %dma_start3A_47] : memref<2x10240x8xf32, #tpu.memory_space<hbm>> -> memref<1x640x8xf32, #tpu.memory_space<hbm>>
      %dma_start3A_49 = tpu.memref_squeeze %dma_start3A_48 : memref<1x640x8xf32, #tpu.memory_space<hbm>> -> memref<640x8xf32, #tpu.memory_space<hbm>>
      %dma_start3A_50 = arith.constant 0 : i32
      %dma_start3A_51 = tpu.memref_slice %arg6[%mul3A_2, %dma_start3A_50] : memref<10240x8xf32, #tpu.memory_space<vmem_shared>> -> memref<640x8xf32, #tpu.memory_space<vmem_shared>>
      tpu.enqueue_dma source(%dma_start3A_51 : memref<640x8xf32, #tpu.memory_space<vmem_shared>>) target(%dma_start3A_49 : memref<640x8xf32, #tpu.memory_space<hbm>>) target_semaphore(%run_scoped3A_46 : memref<!tpu.dma_semaphore, #tpu.memory_space<semaphore_mem>>)
      %dma_wait3A_52 = arith.constant 0 : i32
      %dma_wait3A_53 = tpu.memref_slice %arg5[%arg0, %mul3A_2, %dma_wait3A_52] : memref<2x10240x8xf32, #tpu.memory_space<hbm>> -> memref<1x640x8xf32, #tpu.memory_space<hbm>>
      %dma_wait3A_54 = tpu.memref_squeeze %dma_wait3A_53 : memref<1x640x8xf32, #tpu.memory_space<hbm>> -> memref<640x8xf32, #tpu.memory_space<hbm>>
      %dma_wait3A_55 = arith.constant 0 : i32
      %dma_wait3A_56 = tpu.memref_slice %arg6[%mul3A_2, %dma_wait3A_55] : memref<10240x8xf32, #tpu.memory_space<vmem_shared>> -> memref<640x8xf32, #tpu.memory_space<vmem_shared>>
      tpu.wait_dma2 semaphore(%run_scoped3A_46 : memref<!tpu.dma_semaphore, #tpu.memory_space<semaphore_mem>>) src(%dma_wait3A_56 : memref<640x8xf32, #tpu.memory_space<vmem_shared>>) dst(%dma_wait3A_54 : memref<640x8xf32, #tpu.memory_space<hbm>>)
      tpu.yield
    }) : () -> ()
    return
  }
}

#map = affine_map<(d0, d1) -> (0, 0)>
#map1 = affine_map<(d0, d1) -> (0, 0, 0)>
module attributes {stable_mosaic.version = 14 : i64} {
  func.func @_msgpass(%arg0: i32, %arg1: i32, %arg2: memref<10240x16xf32, #tpu.memory_space<hbm>>, %arg3: memref<2x640000xi32, #tpu.memory_space<hbm>>, %arg4: memref<10240x16xf32, #tpu.memory_space<hbm>>, %arg5: memref<2x10240x16xf32, #tpu.memory_space<hbm>>, %arg6: memref<10240x16xf32, #tpu.memory_space<vmem_shared>>, %arg7: memref<10240x16xf32, #tpu.memory_space<vmem_shared>>, %arg8: memref<2x2000xi32, #tpu.memory_space<vmem>>, %arg9: memref<2x2000xi32, #tpu.memory_space<vmem>>, %arg10: memref<2000x16xf32, #tpu.memory_space<vmem>>, %arg11: memref<2000x16xf32, #tpu.memory_space<vmem>>, %arg12: memref<!tpu.dma_semaphore, #tpu.memory_space<semaphore_mem>>, %arg13: memref<!tpu.dma_semaphore, #tpu.memory_space<semaphore_mem>>, %arg14: memref<!tpu.dma_semaphore, #tpu.memory_space<semaphore_mem>>, %arg15: memref<!tpu.dma_semaphore, #tpu.memory_space<semaphore_mem>>) attributes {dimension_semantics = [#tpu.dimension_semantics<core_parallel>, #tpu.dimension_semantics<subcore_parallel>], iteration_bounds = array<i64: 2, 16>, scalar_prefetch = 0 : i64, scratch_operands = 10 : i64, tpu.core_type = #tpu.core_type<sc_vector_subcore>, window_params = [{transform_indices = #map}, {transform_indices = #map}, {transform_indices = #map}, {transform_indices = #map1}]} {
    %mul3A = arith.constant 16 : i32
    %mul3A_0 = arith.muli %arg0, %mul3A : i32
    %add3A = arith.addi %mul3A_0, %arg1 : i32
    %mul3A_1 = arith.constant 640 : i32
    %mul3A_2 = arith.muli %arg1, %mul3A_1 : i32
    %mul3A_3 = arith.constant 20000 : i32
    %mul3A_4 = arith.muli %add3A, %mul3A_3 : i32
    "tpu.region"() ({
      %run_scoped3A = tpu.sem_alloc : memref<!tpu.dma_semaphore, #tpu.memory_space<semaphore_mem>>
      %dma_start3A_302 = arith.constant 0 : i32
      %dma_start3A_303 = tpu.memref_slice %arg7[%mul3A_2, %dma_start3A_302] : memref<10240x16xf32, #tpu.memory_space<vmem_shared>> -> memref<640x16xf32, #tpu.memory_space<vmem_shared>>
      %dma_start3A_304 = arith.constant 0 : i32
      %dma_start3A_305 = tpu.memref_slice %arg4[%mul3A_2, %dma_start3A_304] : memref<10240x16xf32, #tpu.memory_space<hbm>> -> memref<640x16xf32, #tpu.memory_space<hbm>>
      tpu.enqueue_dma source(%dma_start3A_305 : memref<640x16xf32, #tpu.memory_space<hbm>>) target(%dma_start3A_303 : memref<640x16xf32, #tpu.memory_space<vmem_shared>>) target_semaphore(%run_scoped3A : memref<!tpu.dma_semaphore, #tpu.memory_space<semaphore_mem>>)
      %dma_wait3A_306 = arith.constant 0 : i32
      %dma_wait3A_307 = tpu.memref_slice %arg7[%mul3A_2, %dma_wait3A_306] : memref<10240x16xf32, #tpu.memory_space<vmem_shared>> -> memref<640x16xf32, #tpu.memory_space<vmem_shared>>
      %dma_wait3A_308 = arith.constant 0 : i32
      %dma_wait3A_309 = tpu.memref_slice %arg4[%mul3A_2, %dma_wait3A_308] : memref<10240x16xf32, #tpu.memory_space<hbm>> -> memref<640x16xf32, #tpu.memory_space<hbm>>
      tpu.wait_dma2 semaphore(%run_scoped3A : memref<!tpu.dma_semaphore, #tpu.memory_space<semaphore_mem>>) src(%dma_wait3A_309 : memref<640x16xf32, #tpu.memory_space<hbm>>) dst(%dma_wait3A_307 : memref<640x16xf32, #tpu.memory_space<vmem_shared>>)
      tpu.yield
    }) : () -> ()
    "tpu.region"() ({
      %run_scoped3A = tpu.sem_alloc : memref<!tpu.dma_semaphore, #tpu.memory_space<semaphore_mem>>
      %dma_start3A_302 = arith.constant 0 : i32
      %dma_start3A_303 = tpu.memref_slice %arg6[%mul3A_2, %dma_start3A_302] : memref<10240x16xf32, #tpu.memory_space<vmem_shared>> -> memref<640x16xf32, #tpu.memory_space<vmem_shared>>
      %dma_start3A_304 = arith.constant 0 : i32
      %dma_start3A_305 = tpu.memref_slice %arg2[%mul3A_2, %dma_start3A_304] : memref<10240x16xf32, #tpu.memory_space<hbm>> -> memref<640x16xf32, #tpu.memory_space<hbm>>
      tpu.enqueue_dma source(%dma_start3A_305 : memref<640x16xf32, #tpu.memory_space<hbm>>) target(%dma_start3A_303 : memref<640x16xf32, #tpu.memory_space<vmem_shared>>) target_semaphore(%run_scoped3A : memref<!tpu.dma_semaphore, #tpu.memory_space<semaphore_mem>>)
      %dma_wait3A_306 = arith.constant 0 : i32
      %dma_wait3A_307 = tpu.memref_slice %arg6[%mul3A_2, %dma_wait3A_306] : memref<10240x16xf32, #tpu.memory_space<vmem_shared>> -> memref<640x16xf32, #tpu.memory_space<vmem_shared>>
      %dma_wait3A_308 = arith.constant 0 : i32
      %dma_wait3A_309 = tpu.memref_slice %arg2[%mul3A_2, %dma_wait3A_308] : memref<10240x16xf32, #tpu.memory_space<hbm>> -> memref<640x16xf32, #tpu.memory_space<hbm>>
      tpu.wait_dma2 semaphore(%run_scoped3A : memref<!tpu.dma_semaphore, #tpu.memory_space<semaphore_mem>>) src(%dma_wait3A_309 : memref<640x16xf32, #tpu.memory_space<hbm>>) dst(%dma_wait3A_307 : memref<640x16xf32, #tpu.memory_space<vmem_shared>>)
      tpu.yield
    }) : () -> ()
    %barrier3A = arith.constant 0 : index
    tpu.barrier barrier_id(%barrier3A)
    "tpu.region"() ({
      %run_scoped3A = tpu.sem_alloc : memref<!tpu.dma_semaphore, #tpu.memory_space<semaphore_mem>>
      %dma_start3A_302 = arith.constant 0 : i32
      %dma_start3A_303 = tpu.memref_slice %arg3[%dma_start3A_302, %mul3A_4] : memref<2x640000xi32, #tpu.memory_space<hbm>> -> memref<2x2000xi32, #tpu.memory_space<hbm>>
      %dma_start3A_304 = arith.constant 0 : i32
      %dma_start3A_305 = tpu.memref_slice %arg3[%dma_start3A_304, %mul3A_4] : memref<2x640000xi32, #tpu.memory_space<hbm>> -> memref<2x2000xi32, #tpu.memory_space<hbm>>
      tpu.enqueue_dma source(%dma_start3A_305 : memref<2x2000xi32, #tpu.memory_space<hbm>>) target(%arg8 : memref<2x2000xi32, #tpu.memory_space<vmem>>) target_semaphore(%run_scoped3A : memref<!tpu.dma_semaphore, #tpu.memory_space<semaphore_mem>>)
      %dma_wait3A_306 = arith.constant 0 : i32
      %dma_wait3A_307 = tpu.memref_slice %arg3[%dma_wait3A_306, %mul3A_4] : memref<2x640000xi32, #tpu.memory_space<hbm>> -> memref<2x2000xi32, #tpu.memory_space<hbm>>
      %dma_wait3A_308 = arith.constant 0 : i32
      %dma_wait3A_309 = tpu.memref_slice %arg3[%dma_wait3A_308, %mul3A_4] : memref<2x640000xi32, #tpu.memory_space<hbm>> -> memref<2x2000xi32, #tpu.memory_space<hbm>>
      tpu.wait_dma2 semaphore(%run_scoped3A : memref<!tpu.dma_semaphore, #tpu.memory_space<semaphore_mem>>) src(%dma_wait3A_309 : memref<2x2000xi32, #tpu.memory_space<hbm>>) dst(%arg8 : memref<2x2000xi32, #tpu.memory_space<vmem>>)
      tpu.yield
    }) : () -> ()
    %dma_start3A = arith.constant 0 : i32
    %dma_start3A_5 = arith.constant 0 : i32
    %dma_start3A_6 = tpu.memref_slice %arg8[%dma_start3A, %dma_start3A_5] : memref<2x2000xi32, #tpu.memory_space<vmem>> -> memref<1x2000xi32, #tpu.memory_space<vmem>>
    %dma_start3A_7 = tpu.memref_squeeze %dma_start3A_6 : memref<1x2000xi32, #tpu.memory_space<vmem>> -> memref<2000xi32, #tpu.memory_space<vmem>>
    %dma_start3A_8 = arith.constant 0 : i32
    %dma_start3A_9 = arith.constant 0 : i32
    %dma_start3A_10 = tpu.memref_slice %arg6[%dma_start3A_8, %dma_start3A_9] : memref<10240x16xf32, #tpu.memory_space<vmem_shared>> -> memref<10240x16xf32, #tpu.memory_space<vmem_shared>>
    tpu.enqueue_indirect_dma source(%dma_start3A_10 : memref<10240x16xf32, #tpu.memory_space<vmem_shared>>) target(%arg10 : memref<2000x16xf32, #tpu.memory_space<vmem>>) offsets(%dma_start3A_7 : memref<2000xi32, #tpu.memory_space<vmem>>) semaphore(%arg12 : memref<!tpu.dma_semaphore, #tpu.memory_space<semaphore_mem>>)
    %add3A_11 = arith.constant 2000 : i32
    %add3A_12 = arith.addi %mul3A_4, %add3A_11 : i32
    "tpu.region"() ({
      %run_scoped3A = tpu.sem_alloc : memref<!tpu.dma_semaphore, #tpu.memory_space<semaphore_mem>>
      %dma_start3A_302 = arith.constant 0 : i32
      %dma_start3A_303 = tpu.memref_slice %arg3[%dma_start3A_302, %add3A_12] : memref<2x640000xi32, #tpu.memory_space<hbm>> -> memref<2x2000xi32, #tpu.memory_space<hbm>>
      %dma_start3A_304 = arith.constant 0 : i32
      %dma_start3A_305 = tpu.memref_slice %arg3[%dma_start3A_304, %add3A_12] : memref<2x640000xi32, #tpu.memory_space<hbm>> -> memref<2x2000xi32, #tpu.memory_space<hbm>>
      tpu.enqueue_dma source(%dma_start3A_305 : memref<2x2000xi32, #tpu.memory_space<hbm>>) target(%arg9 : memref<2x2000xi32, #tpu.memory_space<vmem>>) target_semaphore(%run_scoped3A : memref<!tpu.dma_semaphore, #tpu.memory_space<semaphore_mem>>)
      %dma_wait3A_306 = arith.constant 0 : i32
      %dma_wait3A_307 = tpu.memref_slice %arg3[%dma_wait3A_306, %add3A_12] : memref<2x640000xi32, #tpu.memory_space<hbm>> -> memref<2x2000xi32, #tpu.memory_space<hbm>>
      %dma_wait3A_308 = arith.constant 0 : i32
      %dma_wait3A_309 = tpu.memref_slice %arg3[%dma_wait3A_308, %add3A_12] : memref<2x640000xi32, #tpu.memory_space<hbm>> -> memref<2x2000xi32, #tpu.memory_space<hbm>>
      tpu.wait_dma2 semaphore(%run_scoped3A : memref<!tpu.dma_semaphore, #tpu.memory_space<semaphore_mem>>) src(%dma_wait3A_309 : memref<2x2000xi32, #tpu.memory_space<hbm>>) dst(%arg9 : memref<2x2000xi32, #tpu.memory_space<vmem>>)
      tpu.yield
    }) : () -> ()
    %dma_wait3A = arith.constant 0 : i32
    %dma_wait3A_13 = arith.constant 0 : i32
    %dma_wait3A_14 = tpu.memref_slice %arg8[%dma_wait3A, %dma_wait3A_13] : memref<2x2000xi32, #tpu.memory_space<vmem>> -> memref<1x2000xi32, #tpu.memory_space<vmem>>
    %dma_wait3A_15 = tpu.memref_squeeze %dma_wait3A_14 : memref<1x2000xi32, #tpu.memory_space<vmem>> -> memref<2000xi32, #tpu.memory_space<vmem>>
    %dma_wait3A_16 = arith.constant 0 : i32
    %dma_wait3A_17 = arith.constant 0 : i32
    %dma_wait3A_18 = tpu.memref_slice %arg6[%dma_wait3A_16, %dma_wait3A_17] : memref<10240x16xf32, #tpu.memory_space<vmem_shared>> -> memref<10240x16xf32, #tpu.memory_space<vmem_shared>>
    tpu.wait_indirect_dma semaphore(%arg12 : memref<!tpu.dma_semaphore, #tpu.memory_space<semaphore_mem>>) src(%dma_wait3A_18 : memref<10240x16xf32, #tpu.memory_space<vmem_shared>>) dst(%arg10 : memref<2000x16xf32, #tpu.memory_space<vmem>>)
    %dma_start3A_19 = arith.constant 0 : i32
    %dma_start3A_20 = arith.constant 0 : i32
    %dma_start3A_21 = tpu.memref_slice %arg9[%dma_start3A_19, %dma_start3A_20] : memref<2x2000xi32, #tpu.memory_space<vmem>> -> memref<1x2000xi32, #tpu.memory_space<vmem>>
    %dma_start3A_22 = tpu.memref_squeeze %dma_start3A_21 : memref<1x2000xi32, #tpu.memory_space<vmem>> -> memref<2000xi32, #tpu.memory_space<vmem>>
    %dma_start3A_23 = arith.constant 0 : i32
    %dma_start3A_24 = arith.constant 0 : i32
    %dma_start3A_25 = tpu.memref_slice %arg6[%dma_start3A_23, %dma_start3A_24] : memref<10240x16xf32, #tpu.memory_space<vmem_shared>> -> memref<10240x16xf32, #tpu.memory_space<vmem_shared>>
    tpu.enqueue_indirect_dma source(%dma_start3A_25 : memref<10240x16xf32, #tpu.memory_space<vmem_shared>>) target(%arg11 : memref<2000x16xf32, #tpu.memory_space<vmem>>) offsets(%dma_start3A_22 : memref<2000xi32, #tpu.memory_space<vmem>>) semaphore(%arg13 : memref<!tpu.dma_semaphore, #tpu.memory_space<semaphore_mem>>)
    %dma_start3A_26 = arith.constant 1 : i32
    %dma_start3A_27 = arith.constant 0 : i32
    %dma_start3A_28 = tpu.memref_slice %arg8[%dma_start3A_26, %dma_start3A_27] : memref<2x2000xi32, #tpu.memory_space<vmem>> -> memref<1x2000xi32, #tpu.memory_space<vmem>>
    %dma_start3A_29 = tpu.memref_squeeze %dma_start3A_28 : memref<1x2000xi32, #tpu.memory_space<vmem>> -> memref<2000xi32, #tpu.memory_space<vmem>>
    %dma_start3A_30 = arith.constant 0 : i32
    %dma_start3A_31 = arith.constant 0 : i32
    %dma_start3A_32 = tpu.memref_slice %arg7[%dma_start3A_30, %dma_start3A_31] : memref<10240x16xf32, #tpu.memory_space<vmem_shared>> -> memref<10240x16xf32, #tpu.memory_space<vmem_shared>>
    tpu.enqueue_indirect_dma source(%arg10 : memref<2000x16xf32, #tpu.memory_space<vmem>>) target(%dma_start3A_32 : memref<10240x16xf32, #tpu.memory_space<vmem_shared>>) offsets(%dma_start3A_29 : memref<2000xi32, #tpu.memory_space<vmem>>) semaphore(%arg14 : memref<!tpu.dma_semaphore, #tpu.memory_space<semaphore_mem>>) {add = true}
    %dma_wait3A_33 = arith.constant 1 : i32
    %dma_wait3A_34 = arith.constant 0 : i32
    %dma_wait3A_35 = tpu.memref_slice %arg8[%dma_wait3A_33, %dma_wait3A_34] : memref<2x2000xi32, #tpu.memory_space<vmem>> -> memref<1x2000xi32, #tpu.memory_space<vmem>>
    %dma_wait3A_36 = tpu.memref_squeeze %dma_wait3A_35 : memref<1x2000xi32, #tpu.memory_space<vmem>> -> memref<2000xi32, #tpu.memory_space<vmem>>
    %dma_wait3A_37 = arith.constant 0 : i32
    %dma_wait3A_38 = arith.constant 0 : i32
    %dma_wait3A_39 = tpu.memref_slice %arg7[%dma_wait3A_37, %dma_wait3A_38] : memref<10240x16xf32, #tpu.memory_space<vmem_shared>> -> memref<10240x16xf32, #tpu.memory_space<vmem_shared>>
    tpu.wait_indirect_dma semaphore(%arg14 : memref<!tpu.dma_semaphore, #tpu.memory_space<semaphore_mem>>) src(%arg10 : memref<2000x16xf32, #tpu.memory_space<vmem>>) dst(%dma_wait3A_39 : memref<10240x16xf32, #tpu.memory_space<vmem_shared>>)
    %add3A_40 = arith.constant 4000 : i32
    %add3A_41 = arith.addi %mul3A_4, %add3A_40 : i32
    "tpu.region"() ({
      %run_scoped3A = tpu.sem_alloc : memref<!tpu.dma_semaphore, #tpu.memory_space<semaphore_mem>>
      %dma_start3A_302 = arith.constant 0 : i32
      %dma_start3A_303 = tpu.memref_slice %arg3[%dma_start3A_302, %add3A_41] : memref<2x640000xi32, #tpu.memory_space<hbm>> -> memref<2x2000xi32, #tpu.memory_space<hbm>>
      %dma_start3A_304 = arith.constant 0 : i32
      %dma_start3A_305 = tpu.memref_slice %arg3[%dma_start3A_304, %add3A_41] : memref<2x640000xi32, #tpu.memory_space<hbm>> -> memref<2x2000xi32, #tpu.memory_space<hbm>>
      tpu.enqueue_dma source(%dma_start3A_305 : memref<2x2000xi32, #tpu.memory_space<hbm>>) target(%arg8 : memref<2x2000xi32, #tpu.memory_space<vmem>>) target_semaphore(%run_scoped3A : memref<!tpu.dma_semaphore, #tpu.memory_space<semaphore_mem>>)
      %dma_wait3A_306 = arith.constant 0 : i32
      %dma_wait3A_307 = tpu.memref_slice %arg3[%dma_wait3A_306, %add3A_41] : memref<2x640000xi32, #tpu.memory_space<hbm>> -> memref<2x2000xi32, #tpu.memory_space<hbm>>
      %dma_wait3A_308 = arith.constant 0 : i32
      %dma_wait3A_309 = tpu.memref_slice %arg3[%dma_wait3A_308, %add3A_41] : memref<2x640000xi32, #tpu.memory_space<hbm>> -> memref<2x2000xi32, #tpu.memory_space<hbm>>
      tpu.wait_dma2 semaphore(%run_scoped3A : memref<!tpu.dma_semaphore, #tpu.memory_space<semaphore_mem>>) src(%dma_wait3A_309 : memref<2x2000xi32, #tpu.memory_space<hbm>>) dst(%arg8 : memref<2x2000xi32, #tpu.memory_space<vmem>>)
      tpu.yield
    }) : () -> ()
    %dma_wait3A_42 = arith.constant 0 : i32
    %dma_wait3A_43 = arith.constant 0 : i32
    %dma_wait3A_44 = tpu.memref_slice %arg9[%dma_wait3A_42, %dma_wait3A_43] : memref<2x2000xi32, #tpu.memory_space<vmem>> -> memref<1x2000xi32, #tpu.memory_space<vmem>>
    %dma_wait3A_45 = tpu.memref_squeeze %dma_wait3A_44 : memref<1x2000xi32, #tpu.memory_space<vmem>> -> memref<2000xi32, #tpu.memory_space<vmem>>
    %dma_wait3A_46 = arith.constant 0 : i32
    %dma_wait3A_47 = arith.constant 0 : i32
    %dma_wait3A_48 = tpu.memref_slice %arg6[%dma_wait3A_46, %dma_wait3A_47] : memref<10240x16xf32, #tpu.memory_space<vmem_shared>> -> memref<10240x16xf32, #tpu.memory_space<vmem_shared>>
    tpu.wait_indirect_dma semaphore(%arg13 : memref<!tpu.dma_semaphore, #tpu.memory_space<semaphore_mem>>) src(%dma_wait3A_48 : memref<10240x16xf32, #tpu.memory_space<vmem_shared>>) dst(%arg11 : memref<2000x16xf32, #tpu.memory_space<vmem>>)
    %dma_start3A_49 = arith.constant 0 : i32
    %dma_start3A_50 = arith.constant 0 : i32
    %dma_start3A_51 = tpu.memref_slice %arg8[%dma_start3A_49, %dma_start3A_50] : memref<2x2000xi32, #tpu.memory_space<vmem>> -> memref<1x2000xi32, #tpu.memory_space<vmem>>
    %dma_start3A_52 = tpu.memref_squeeze %dma_start3A_51 : memref<1x2000xi32, #tpu.memory_space<vmem>> -> memref<2000xi32, #tpu.memory_space<vmem>>
    %dma_start3A_53 = arith.constant 0 : i32
    %dma_start3A_54 = arith.constant 0 : i32
    %dma_start3A_55 = tpu.memref_slice %arg6[%dma_start3A_53, %dma_start3A_54] : memref<10240x16xf32, #tpu.memory_space<vmem_shared>> -> memref<10240x16xf32, #tpu.memory_space<vmem_shared>>
    tpu.enqueue_indirect_dma source(%dma_start3A_55 : memref<10240x16xf32, #tpu.memory_space<vmem_shared>>) target(%arg10 : memref<2000x16xf32, #tpu.memory_space<vmem>>) offsets(%dma_start3A_52 : memref<2000xi32, #tpu.memory_space<vmem>>) semaphore(%arg12 : memref<!tpu.dma_semaphore, #tpu.memory_space<semaphore_mem>>)
    %dma_start3A_56 = arith.constant 1 : i32
    %dma_start3A_57 = arith.constant 0 : i32
    %dma_start3A_58 = tpu.memref_slice %arg9[%dma_start3A_56, %dma_start3A_57] : memref<2x2000xi32, #tpu.memory_space<vmem>> -> memref<1x2000xi32, #tpu.memory_space<vmem>>
    %dma_start3A_59 = tpu.memref_squeeze %dma_start3A_58 : memref<1x2000xi32, #tpu.memory_space<vmem>> -> memref<2000xi32, #tpu.memory_space<vmem>>
    %dma_start3A_60 = arith.constant 0 : i32
    %dma_start3A_61 = arith.constant 0 : i32
    %dma_start3A_62 = tpu.memref_slice %arg7[%dma_start3A_60, %dma_start3A_61] : memref<10240x16xf32, #tpu.memory_space<vmem_shared>> -> memref<10240x16xf32, #tpu.memory_space<vmem_shared>>
    tpu.enqueue_indirect_dma source(%arg11 : memref<2000x16xf32, #tpu.memory_space<vmem>>) target(%dma_start3A_62 : memref<10240x16xf32, #tpu.memory_space<vmem_shared>>) offsets(%dma_start3A_59 : memref<2000xi32, #tpu.memory_space<vmem>>) semaphore(%arg15 : memref<!tpu.dma_semaphore, #tpu.memory_space<semaphore_mem>>) {add = true}
    %dma_wait3A_63 = arith.constant 1 : i32
    %dma_wait3A_64 = arith.constant 0 : i32
    %dma_wait3A_65 = tpu.memref_slice %arg9[%dma_wait3A_63, %dma_wait3A_64] : memref<2x2000xi32, #tpu.memory_space<vmem>> -> memref<1x2000xi32, #tpu.memory_space<vmem>>
    %dma_wait3A_66 = tpu.memref_squeeze %dma_wait3A_65 : memref<1x2000xi32, #tpu.memory_space<vmem>> -> memref<2000xi32, #tpu.memory_space<vmem>>
    %dma_wait3A_67 = arith.constant 0 : i32
    %dma_wait3A_68 = arith.constant 0 : i32
    %dma_wait3A_69 = tpu.memref_slice %arg7[%dma_wait3A_67, %dma_wait3A_68] : memref<10240x16xf32, #tpu.memory_space<vmem_shared>> -> memref<10240x16xf32, #tpu.memory_space<vmem_shared>>
    tpu.wait_indirect_dma semaphore(%arg15 : memref<!tpu.dma_semaphore, #tpu.memory_space<semaphore_mem>>) src(%arg11 : memref<2000x16xf32, #tpu.memory_space<vmem>>) dst(%dma_wait3A_69 : memref<10240x16xf32, #tpu.memory_space<vmem_shared>>)
    %add3A_70 = arith.constant 6000 : i32
    %add3A_71 = arith.addi %mul3A_4, %add3A_70 : i32
    "tpu.region"() ({
      %run_scoped3A = tpu.sem_alloc : memref<!tpu.dma_semaphore, #tpu.memory_space<semaphore_mem>>
      %dma_start3A_302 = arith.constant 0 : i32
      %dma_start3A_303 = tpu.memref_slice %arg3[%dma_start3A_302, %add3A_71] : memref<2x640000xi32, #tpu.memory_space<hbm>> -> memref<2x2000xi32, #tpu.memory_space<hbm>>
      %dma_start3A_304 = arith.constant 0 : i32
      %dma_start3A_305 = tpu.memref_slice %arg3[%dma_start3A_304, %add3A_71] : memref<2x640000xi32, #tpu.memory_space<hbm>> -> memref<2x2000xi32, #tpu.memory_space<hbm>>
      tpu.enqueue_dma source(%dma_start3A_305 : memref<2x2000xi32, #tpu.memory_space<hbm>>) target(%arg9 : memref<2x2000xi32, #tpu.memory_space<vmem>>) target_semaphore(%run_scoped3A : memref<!tpu.dma_semaphore, #tpu.memory_space<semaphore_mem>>)
      %dma_wait3A_306 = arith.constant 0 : i32
      %dma_wait3A_307 = tpu.memref_slice %arg3[%dma_wait3A_306, %add3A_71] : memref<2x640000xi32, #tpu.memory_space<hbm>> -> memref<2x2000xi32, #tpu.memory_space<hbm>>
      %dma_wait3A_308 = arith.constant 0 : i32
      %dma_wait3A_309 = tpu.memref_slice %arg3[%dma_wait3A_308, %add3A_71] : memref<2x640000xi32, #tpu.memory_space<hbm>> -> memref<2x2000xi32, #tpu.memory_space<hbm>>
      tpu.wait_dma2 semaphore(%run_scoped3A : memref<!tpu.dma_semaphore, #tpu.memory_space<semaphore_mem>>) src(%dma_wait3A_309 : memref<2x2000xi32, #tpu.memory_space<hbm>>) dst(%arg9 : memref<2x2000xi32, #tpu.memory_space<vmem>>)
      tpu.yield
    }) : () -> ()
    %dma_wait3A_72 = arith.constant 0 : i32
    %dma_wait3A_73 = arith.constant 0 : i32
    %dma_wait3A_74 = tpu.memref_slice %arg8[%dma_wait3A_72, %dma_wait3A_73] : memref<2x2000xi32, #tpu.memory_space<vmem>> -> memref<1x2000xi32, #tpu.memory_space<vmem>>
    %dma_wait3A_75 = tpu.memref_squeeze %dma_wait3A_74 : memref<1x2000xi32, #tpu.memory_space<vmem>> -> memref<2000xi32, #tpu.memory_space<vmem>>
    %dma_wait3A_76 = arith.constant 0 : i32
    %dma_wait3A_77 = arith.constant 0 : i32
    %dma_wait3A_78 = tpu.memref_slice %arg6[%dma_wait3A_76, %dma_wait3A_77] : memref<10240x16xf32, #tpu.memory_space<vmem_shared>> -> memref<10240x16xf32, #tpu.memory_space<vmem_shared>>
    tpu.wait_indirect_dma semaphore(%arg12 : memref<!tpu.dma_semaphore, #tpu.memory_space<semaphore_mem>>) src(%dma_wait3A_78 : memref<10240x16xf32, #tpu.memory_space<vmem_shared>>) dst(%arg10 : memref<2000x16xf32, #tpu.memory_space<vmem>>)
    %dma_start3A_79 = arith.constant 0 : i32
    %dma_start3A_80 = arith.constant 0 : i32
    %dma_start3A_81 = tpu.memref_slice %arg9[%dma_start3A_79, %dma_start3A_80] : memref<2x2000xi32, #tpu.memory_space<vmem>> -> memref<1x2000xi32, #tpu.memory_space<vmem>>
    %dma_start3A_82 = tpu.memref_squeeze %dma_start3A_81 : memref<1x2000xi32, #tpu.memory_space<vmem>> -> memref<2000xi32, #tpu.memory_space<vmem>>
    %dma_start3A_83 = arith.constant 0 : i32
    %dma_start3A_84 = arith.constant 0 : i32
    %dma_start3A_85 = tpu.memref_slice %arg6[%dma_start3A_83, %dma_start3A_84] : memref<10240x16xf32, #tpu.memory_space<vmem_shared>> -> memref<10240x16xf32, #tpu.memory_space<vmem_shared>>
    tpu.enqueue_indirect_dma source(%dma_start3A_85 : memref<10240x16xf32, #tpu.memory_space<vmem_shared>>) target(%arg11 : memref<2000x16xf32, #tpu.memory_space<vmem>>) offsets(%dma_start3A_82 : memref<2000xi32, #tpu.memory_space<vmem>>) semaphore(%arg13 : memref<!tpu.dma_semaphore, #tpu.memory_space<semaphore_mem>>)
    %dma_start3A_86 = arith.constant 1 : i32
    %dma_start3A_87 = arith.constant 0 : i32
    %dma_start3A_88 = tpu.memref_slice %arg8[%dma_start3A_86, %dma_start3A_87] : memref<2x2000xi32, #tpu.memory_space<vmem>> -> memref<1x2000xi32, #tpu.memory_space<vmem>>
    %dma_start3A_89 = tpu.memref_squeeze %dma_start3A_88 : memref<1x2000xi32, #tpu.memory_space<vmem>> -> memref<2000xi32, #tpu.memory_space<vmem>>
    %dma_start3A_90 = arith.constant 0 : i32
    %dma_start3A_91 = arith.constant 0 : i32
    %dma_start3A_92 = tpu.memref_slice %arg7[%dma_start3A_90, %dma_start3A_91] : memref<10240x16xf32, #tpu.memory_space<vmem_shared>> -> memref<10240x16xf32, #tpu.memory_space<vmem_shared>>
    tpu.enqueue_indirect_dma source(%arg10 : memref<2000x16xf32, #tpu.memory_space<vmem>>) target(%dma_start3A_92 : memref<10240x16xf32, #tpu.memory_space<vmem_shared>>) offsets(%dma_start3A_89 : memref<2000xi32, #tpu.memory_space<vmem>>) semaphore(%arg14 : memref<!tpu.dma_semaphore, #tpu.memory_space<semaphore_mem>>) {add = true}
    %dma_wait3A_93 = arith.constant 1 : i32
    %dma_wait3A_94 = arith.constant 0 : i32
    %dma_wait3A_95 = tpu.memref_slice %arg8[%dma_wait3A_93, %dma_wait3A_94] : memref<2x2000xi32, #tpu.memory_space<vmem>> -> memref<1x2000xi32, #tpu.memory_space<vmem>>
    %dma_wait3A_96 = tpu.memref_squeeze %dma_wait3A_95 : memref<1x2000xi32, #tpu.memory_space<vmem>> -> memref<2000xi32, #tpu.memory_space<vmem>>
    %dma_wait3A_97 = arith.constant 0 : i32
    %dma_wait3A_98 = arith.constant 0 : i32
    %dma_wait3A_99 = tpu.memref_slice %arg7[%dma_wait3A_97, %dma_wait3A_98] : memref<10240x16xf32, #tpu.memory_space<vmem_shared>> -> memref<10240x16xf32, #tpu.memory_space<vmem_shared>>
    tpu.wait_indirect_dma semaphore(%arg14 : memref<!tpu.dma_semaphore, #tpu.memory_space<semaphore_mem>>) src(%arg10 : memref<2000x16xf32, #tpu.memory_space<vmem>>) dst(%dma_wait3A_99 : memref<10240x16xf32, #tpu.memory_space<vmem_shared>>)
    %add3A_100 = arith.constant 8000 : i32
    %add3A_101 = arith.addi %mul3A_4, %add3A_100 : i32
    "tpu.region"() ({
      %run_scoped3A = tpu.sem_alloc : memref<!tpu.dma_semaphore, #tpu.memory_space<semaphore_mem>>
      %dma_start3A_302 = arith.constant 0 : i32
      %dma_start3A_303 = tpu.memref_slice %arg3[%dma_start3A_302, %add3A_101] : memref<2x640000xi32, #tpu.memory_space<hbm>> -> memref<2x2000xi32, #tpu.memory_space<hbm>>
      %dma_start3A_304 = arith.constant 0 : i32
      %dma_start3A_305 = tpu.memref_slice %arg3[%dma_start3A_304, %add3A_101] : memref<2x640000xi32, #tpu.memory_space<hbm>> -> memref<2x2000xi32, #tpu.memory_space<hbm>>
      tpu.enqueue_dma source(%dma_start3A_305 : memref<2x2000xi32, #tpu.memory_space<hbm>>) target(%arg8 : memref<2x2000xi32, #tpu.memory_space<vmem>>) target_semaphore(%run_scoped3A : memref<!tpu.dma_semaphore, #tpu.memory_space<semaphore_mem>>)
      %dma_wait3A_306 = arith.constant 0 : i32
      %dma_wait3A_307 = tpu.memref_slice %arg3[%dma_wait3A_306, %add3A_101] : memref<2x640000xi32, #tpu.memory_space<hbm>> -> memref<2x2000xi32, #tpu.memory_space<hbm>>
      %dma_wait3A_308 = arith.constant 0 : i32
      %dma_wait3A_309 = tpu.memref_slice %arg3[%dma_wait3A_308, %add3A_101] : memref<2x640000xi32, #tpu.memory_space<hbm>> -> memref<2x2000xi32, #tpu.memory_space<hbm>>
      tpu.wait_dma2 semaphore(%run_scoped3A : memref<!tpu.dma_semaphore, #tpu.memory_space<semaphore_mem>>) src(%dma_wait3A_309 : memref<2x2000xi32, #tpu.memory_space<hbm>>) dst(%arg8 : memref<2x2000xi32, #tpu.memory_space<vmem>>)
      tpu.yield
    }) : () -> ()
    %dma_wait3A_102 = arith.constant 0 : i32
    %dma_wait3A_103 = arith.constant 0 : i32
    %dma_wait3A_104 = tpu.memref_slice %arg9[%dma_wait3A_102, %dma_wait3A_103] : memref<2x2000xi32, #tpu.memory_space<vmem>> -> memref<1x2000xi32, #tpu.memory_space<vmem>>
    %dma_wait3A_105 = tpu.memref_squeeze %dma_wait3A_104 : memref<1x2000xi32, #tpu.memory_space<vmem>> -> memref<2000xi32, #tpu.memory_space<vmem>>
    %dma_wait3A_106 = arith.constant 0 : i32
    %dma_wait3A_107 = arith.constant 0 : i32
    %dma_wait3A_108 = tpu.memref_slice %arg6[%dma_wait3A_106, %dma_wait3A_107] : memref<10240x16xf32, #tpu.memory_space<vmem_shared>> -> memref<10240x16xf32, #tpu.memory_space<vmem_shared>>
    tpu.wait_indirect_dma semaphore(%arg13 : memref<!tpu.dma_semaphore, #tpu.memory_space<semaphore_mem>>) src(%dma_wait3A_108 : memref<10240x16xf32, #tpu.memory_space<vmem_shared>>) dst(%arg11 : memref<2000x16xf32, #tpu.memory_space<vmem>>)
    %dma_start3A_109 = arith.constant 0 : i32
    %dma_start3A_110 = arith.constant 0 : i32
    %dma_start3A_111 = tpu.memref_slice %arg8[%dma_start3A_109, %dma_start3A_110] : memref<2x2000xi32, #tpu.memory_space<vmem>> -> memref<1x2000xi32, #tpu.memory_space<vmem>>
    %dma_start3A_112 = tpu.memref_squeeze %dma_start3A_111 : memref<1x2000xi32, #tpu.memory_space<vmem>> -> memref<2000xi32, #tpu.memory_space<vmem>>
    %dma_start3A_113 = arith.constant 0 : i32
    %dma_start3A_114 = arith.constant 0 : i32
    %dma_start3A_115 = tpu.memref_slice %arg6[%dma_start3A_113, %dma_start3A_114] : memref<10240x16xf32, #tpu.memory_space<vmem_shared>> -> memref<10240x16xf32, #tpu.memory_space<vmem_shared>>
    tpu.enqueue_indirect_dma source(%dma_start3A_115 : memref<10240x16xf32, #tpu.memory_space<vmem_shared>>) target(%arg10 : memref<2000x16xf32, #tpu.memory_space<vmem>>) offsets(%dma_start3A_112 : memref<2000xi32, #tpu.memory_space<vmem>>) semaphore(%arg12 : memref<!tpu.dma_semaphore, #tpu.memory_space<semaphore_mem>>)
    %dma_start3A_116 = arith.constant 1 : i32
    %dma_start3A_117 = arith.constant 0 : i32
    %dma_start3A_118 = tpu.memref_slice %arg9[%dma_start3A_116, %dma_start3A_117] : memref<2x2000xi32, #tpu.memory_space<vmem>> -> memref<1x2000xi32, #tpu.memory_space<vmem>>
    %dma_start3A_119 = tpu.memref_squeeze %dma_start3A_118 : memref<1x2000xi32, #tpu.memory_space<vmem>> -> memref<2000xi32, #tpu.memory_space<vmem>>
    %dma_start3A_120 = arith.constant 0 : i32
    %dma_start3A_121 = arith.constant 0 : i32
    %dma_start3A_122 = tpu.memref_slice %arg7[%dma_start3A_120, %dma_start3A_121] : memref<10240x16xf32, #tpu.memory_space<vmem_shared>> -> memref<10240x16xf32, #tpu.memory_space<vmem_shared>>
    tpu.enqueue_indirect_dma source(%arg11 : memref<2000x16xf32, #tpu.memory_space<vmem>>) target(%dma_start3A_122 : memref<10240x16xf32, #tpu.memory_space<vmem_shared>>) offsets(%dma_start3A_119 : memref<2000xi32, #tpu.memory_space<vmem>>) semaphore(%arg15 : memref<!tpu.dma_semaphore, #tpu.memory_space<semaphore_mem>>) {add = true}
    %dma_wait3A_123 = arith.constant 1 : i32
    %dma_wait3A_124 = arith.constant 0 : i32
    %dma_wait3A_125 = tpu.memref_slice %arg9[%dma_wait3A_123, %dma_wait3A_124] : memref<2x2000xi32, #tpu.memory_space<vmem>> -> memref<1x2000xi32, #tpu.memory_space<vmem>>
    %dma_wait3A_126 = tpu.memref_squeeze %dma_wait3A_125 : memref<1x2000xi32, #tpu.memory_space<vmem>> -> memref<2000xi32, #tpu.memory_space<vmem>>
    %dma_wait3A_127 = arith.constant 0 : i32
    %dma_wait3A_128 = arith.constant 0 : i32
    %dma_wait3A_129 = tpu.memref_slice %arg7[%dma_wait3A_127, %dma_wait3A_128] : memref<10240x16xf32, #tpu.memory_space<vmem_shared>> -> memref<10240x16xf32, #tpu.memory_space<vmem_shared>>
    tpu.wait_indirect_dma semaphore(%arg15 : memref<!tpu.dma_semaphore, #tpu.memory_space<semaphore_mem>>) src(%arg11 : memref<2000x16xf32, #tpu.memory_space<vmem>>) dst(%dma_wait3A_129 : memref<10240x16xf32, #tpu.memory_space<vmem_shared>>)
    %add3A_130 = arith.constant 10000 : i32
    %add3A_131 = arith.addi %mul3A_4, %add3A_130 : i32
    "tpu.region"() ({
      %run_scoped3A = tpu.sem_alloc : memref<!tpu.dma_semaphore, #tpu.memory_space<semaphore_mem>>
      %dma_start3A_302 = arith.constant 0 : i32
      %dma_start3A_303 = tpu.memref_slice %arg3[%dma_start3A_302, %add3A_131] : memref<2x640000xi32, #tpu.memory_space<hbm>> -> memref<2x2000xi32, #tpu.memory_space<hbm>>
      %dma_start3A_304 = arith.constant 0 : i32
      %dma_start3A_305 = tpu.memref_slice %arg3[%dma_start3A_304, %add3A_131] : memref<2x640000xi32, #tpu.memory_space<hbm>> -> memref<2x2000xi32, #tpu.memory_space<hbm>>
      tpu.enqueue_dma source(%dma_start3A_305 : memref<2x2000xi32, #tpu.memory_space<hbm>>) target(%arg9 : memref<2x2000xi32, #tpu.memory_space<vmem>>) target_semaphore(%run_scoped3A : memref<!tpu.dma_semaphore, #tpu.memory_space<semaphore_mem>>)
      %dma_wait3A_306 = arith.constant 0 : i32
      %dma_wait3A_307 = tpu.memref_slice %arg3[%dma_wait3A_306, %add3A_131] : memref<2x640000xi32, #tpu.memory_space<hbm>> -> memref<2x2000xi32, #tpu.memory_space<hbm>>
      %dma_wait3A_308 = arith.constant 0 : i32
      %dma_wait3A_309 = tpu.memref_slice %arg3[%dma_wait3A_308, %add3A_131] : memref<2x640000xi32, #tpu.memory_space<hbm>> -> memref<2x2000xi32, #tpu.memory_space<hbm>>
      tpu.wait_dma2 semaphore(%run_scoped3A : memref<!tpu.dma_semaphore, #tpu.memory_space<semaphore_mem>>) src(%dma_wait3A_309 : memref<2x2000xi32, #tpu.memory_space<hbm>>) dst(%arg9 : memref<2x2000xi32, #tpu.memory_space<vmem>>)
      tpu.yield
    }) : () -> ()
    %dma_wait3A_132 = arith.constant 0 : i32
    %dma_wait3A_133 = arith.constant 0 : i32
    %dma_wait3A_134 = tpu.memref_slice %arg8[%dma_wait3A_132, %dma_wait3A_133] : memref<2x2000xi32, #tpu.memory_space<vmem>> -> memref<1x2000xi32, #tpu.memory_space<vmem>>
    %dma_wait3A_135 = tpu.memref_squeeze %dma_wait3A_134 : memref<1x2000xi32, #tpu.memory_space<vmem>> -> memref<2000xi32, #tpu.memory_space<vmem>>
    %dma_wait3A_136 = arith.constant 0 : i32
    %dma_wait3A_137 = arith.constant 0 : i32
    %dma_wait3A_138 = tpu.memref_slice %arg6[%dma_wait3A_136, %dma_wait3A_137] : memref<10240x16xf32, #tpu.memory_space<vmem_shared>> -> memref<10240x16xf32, #tpu.memory_space<vmem_shared>>
    tpu.wait_indirect_dma semaphore(%arg12 : memref<!tpu.dma_semaphore, #tpu.memory_space<semaphore_mem>>) src(%dma_wait3A_138 : memref<10240x16xf32, #tpu.memory_space<vmem_shared>>) dst(%arg10 : memref<2000x16xf32, #tpu.memory_space<vmem>>)
    %dma_start3A_139 = arith.constant 0 : i32
    %dma_start3A_140 = arith.constant 0 : i32
    %dma_start3A_141 = tpu.memref_slice %arg9[%dma_start3A_139, %dma_start3A_140] : memref<2x2000xi32, #tpu.memory_space<vmem>> -> memref<1x2000xi32, #tpu.memory_space<vmem>>
    %dma_start3A_142 = tpu.memref_squeeze %dma_start3A_141 : memref<1x2000xi32, #tpu.memory_space<vmem>> -> memref<2000xi32, #tpu.memory_space<vmem>>
    %dma_start3A_143 = arith.constant 0 : i32
    %dma_start3A_144 = arith.constant 0 : i32
    %dma_start3A_145 = tpu.memref_slice %arg6[%dma_start3A_143, %dma_start3A_144] : memref<10240x16xf32, #tpu.memory_space<vmem_shared>> -> memref<10240x16xf32, #tpu.memory_space<vmem_shared>>
    tpu.enqueue_indirect_dma source(%dma_start3A_145 : memref<10240x16xf32, #tpu.memory_space<vmem_shared>>) target(%arg11 : memref<2000x16xf32, #tpu.memory_space<vmem>>) offsets(%dma_start3A_142 : memref<2000xi32, #tpu.memory_space<vmem>>) semaphore(%arg13 : memref<!tpu.dma_semaphore, #tpu.memory_space<semaphore_mem>>)
    %dma_start3A_146 = arith.constant 1 : i32
    %dma_start3A_147 = arith.constant 0 : i32
    %dma_start3A_148 = tpu.memref_slice %arg8[%dma_start3A_146, %dma_start3A_147] : memref<2x2000xi32, #tpu.memory_space<vmem>> -> memref<1x2000xi32, #tpu.memory_space<vmem>>
    %dma_start3A_149 = tpu.memref_squeeze %dma_start3A_148 : memref<1x2000xi32, #tpu.memory_space<vmem>> -> memref<2000xi32, #tpu.memory_space<vmem>>
    %dma_start3A_150 = arith.constant 0 : i32
    %dma_start3A_151 = arith.constant 0 : i32
    %dma_start3A_152 = tpu.memref_slice %arg7[%dma_start3A_150, %dma_start3A_151] : memref<10240x16xf32, #tpu.memory_space<vmem_shared>> -> memref<10240x16xf32, #tpu.memory_space<vmem_shared>>
    tpu.enqueue_indirect_dma source(%arg10 : memref<2000x16xf32, #tpu.memory_space<vmem>>) target(%dma_start3A_152 : memref<10240x16xf32, #tpu.memory_space<vmem_shared>>) offsets(%dma_start3A_149 : memref<2000xi32, #tpu.memory_space<vmem>>) semaphore(%arg14 : memref<!tpu.dma_semaphore, #tpu.memory_space<semaphore_mem>>) {add = true}
    %dma_wait3A_153 = arith.constant 1 : i32
    %dma_wait3A_154 = arith.constant 0 : i32
    %dma_wait3A_155 = tpu.memref_slice %arg8[%dma_wait3A_153, %dma_wait3A_154] : memref<2x2000xi32, #tpu.memory_space<vmem>> -> memref<1x2000xi32, #tpu.memory_space<vmem>>
    %dma_wait3A_156 = tpu.memref_squeeze %dma_wait3A_155 : memref<1x2000xi32, #tpu.memory_space<vmem>> -> memref<2000xi32, #tpu.memory_space<vmem>>
    %dma_wait3A_157 = arith.constant 0 : i32
    %dma_wait3A_158 = arith.constant 0 : i32
    %dma_wait3A_159 = tpu.memref_slice %arg7[%dma_wait3A_157, %dma_wait3A_158] : memref<10240x16xf32, #tpu.memory_space<vmem_shared>> -> memref<10240x16xf32, #tpu.memory_space<vmem_shared>>
    tpu.wait_indirect_dma semaphore(%arg14 : memref<!tpu.dma_semaphore, #tpu.memory_space<semaphore_mem>>) src(%arg10 : memref<2000x16xf32, #tpu.memory_space<vmem>>) dst(%dma_wait3A_159 : memref<10240x16xf32, #tpu.memory_space<vmem_shared>>)
    %add3A_160 = arith.constant 12000 : i32
    %add3A_161 = arith.addi %mul3A_4, %add3A_160 : i32
    "tpu.region"() ({
      %run_scoped3A = tpu.sem_alloc : memref<!tpu.dma_semaphore, #tpu.memory_space<semaphore_mem>>
      %dma_start3A_302 = arith.constant 0 : i32
      %dma_start3A_303 = tpu.memref_slice %arg3[%dma_start3A_302, %add3A_161] : memref<2x640000xi32, #tpu.memory_space<hbm>> -> memref<2x2000xi32, #tpu.memory_space<hbm>>
      %dma_start3A_304 = arith.constant 0 : i32
      %dma_start3A_305 = tpu.memref_slice %arg3[%dma_start3A_304, %add3A_161] : memref<2x640000xi32, #tpu.memory_space<hbm>> -> memref<2x2000xi32, #tpu.memory_space<hbm>>
      tpu.enqueue_dma source(%dma_start3A_305 : memref<2x2000xi32, #tpu.memory_space<hbm>>) target(%arg8 : memref<2x2000xi32, #tpu.memory_space<vmem>>) target_semaphore(%run_scoped3A : memref<!tpu.dma_semaphore, #tpu.memory_space<semaphore_mem>>)
      %dma_wait3A_306 = arith.constant 0 : i32
      %dma_wait3A_307 = tpu.memref_slice %arg3[%dma_wait3A_306, %add3A_161] : memref<2x640000xi32, #tpu.memory_space<hbm>> -> memref<2x2000xi32, #tpu.memory_space<hbm>>
      %dma_wait3A_308 = arith.constant 0 : i32
      %dma_wait3A_309 = tpu.memref_slice %arg3[%dma_wait3A_308, %add3A_161] : memref<2x640000xi32, #tpu.memory_space<hbm>> -> memref<2x2000xi32, #tpu.memory_space<hbm>>
      tpu.wait_dma2 semaphore(%run_scoped3A : memref<!tpu.dma_semaphore, #tpu.memory_space<semaphore_mem>>) src(%dma_wait3A_309 : memref<2x2000xi32, #tpu.memory_space<hbm>>) dst(%arg8 : memref<2x2000xi32, #tpu.memory_space<vmem>>)
      tpu.yield
    }) : () -> ()
    %dma_wait3A_162 = arith.constant 0 : i32
    %dma_wait3A_163 = arith.constant 0 : i32
    %dma_wait3A_164 = tpu.memref_slice %arg9[%dma_wait3A_162, %dma_wait3A_163] : memref<2x2000xi32, #tpu.memory_space<vmem>> -> memref<1x2000xi32, #tpu.memory_space<vmem>>
    %dma_wait3A_165 = tpu.memref_squeeze %dma_wait3A_164 : memref<1x2000xi32, #tpu.memory_space<vmem>> -> memref<2000xi32, #tpu.memory_space<vmem>>
    %dma_wait3A_166 = arith.constant 0 : i32
    %dma_wait3A_167 = arith.constant 0 : i32
    %dma_wait3A_168 = tpu.memref_slice %arg6[%dma_wait3A_166, %dma_wait3A_167] : memref<10240x16xf32, #tpu.memory_space<vmem_shared>> -> memref<10240x16xf32, #tpu.memory_space<vmem_shared>>
    tpu.wait_indirect_dma semaphore(%arg13 : memref<!tpu.dma_semaphore, #tpu.memory_space<semaphore_mem>>) src(%dma_wait3A_168 : memref<10240x16xf32, #tpu.memory_space<vmem_shared>>) dst(%arg11 : memref<2000x16xf32, #tpu.memory_space<vmem>>)
    %dma_start3A_169 = arith.constant 0 : i32
    %dma_start3A_170 = arith.constant 0 : i32
    %dma_start3A_171 = tpu.memref_slice %arg8[%dma_start3A_169, %dma_start3A_170] : memref<2x2000xi32, #tpu.memory_space<vmem>> -> memref<1x2000xi32, #tpu.memory_space<vmem>>
    %dma_start3A_172 = tpu.memref_squeeze %dma_start3A_171 : memref<1x2000xi32, #tpu.memory_space<vmem>> -> memref<2000xi32, #tpu.memory_space<vmem>>
    %dma_start3A_173 = arith.constant 0 : i32
    %dma_start3A_174 = arith.constant 0 : i32
    %dma_start3A_175 = tpu.memref_slice %arg6[%dma_start3A_173, %dma_start3A_174] : memref<10240x16xf32, #tpu.memory_space<vmem_shared>> -> memref<10240x16xf32, #tpu.memory_space<vmem_shared>>
    tpu.enqueue_indirect_dma source(%dma_start3A_175 : memref<10240x16xf32, #tpu.memory_space<vmem_shared>>) target(%arg10 : memref<2000x16xf32, #tpu.memory_space<vmem>>) offsets(%dma_start3A_172 : memref<2000xi32, #tpu.memory_space<vmem>>) semaphore(%arg12 : memref<!tpu.dma_semaphore, #tpu.memory_space<semaphore_mem>>)
    %dma_start3A_176 = arith.constant 1 : i32
    %dma_start3A_177 = arith.constant 0 : i32
    %dma_start3A_178 = tpu.memref_slice %arg9[%dma_start3A_176, %dma_start3A_177] : memref<2x2000xi32, #tpu.memory_space<vmem>> -> memref<1x2000xi32, #tpu.memory_space<vmem>>
    %dma_start3A_179 = tpu.memref_squeeze %dma_start3A_178 : memref<1x2000xi32, #tpu.memory_space<vmem>> -> memref<2000xi32, #tpu.memory_space<vmem>>
    %dma_start3A_180 = arith.constant 0 : i32
    %dma_start3A_181 = arith.constant 0 : i32
    %dma_start3A_182 = tpu.memref_slice %arg7[%dma_start3A_180, %dma_start3A_181] : memref<10240x16xf32, #tpu.memory_space<vmem_shared>> -> memref<10240x16xf32, #tpu.memory_space<vmem_shared>>
    tpu.enqueue_indirect_dma source(%arg11 : memref<2000x16xf32, #tpu.memory_space<vmem>>) target(%dma_start3A_182 : memref<10240x16xf32, #tpu.memory_space<vmem_shared>>) offsets(%dma_start3A_179 : memref<2000xi32, #tpu.memory_space<vmem>>) semaphore(%arg15 : memref<!tpu.dma_semaphore, #tpu.memory_space<semaphore_mem>>) {add = true}
    %dma_wait3A_183 = arith.constant 1 : i32
    %dma_wait3A_184 = arith.constant 0 : i32
    %dma_wait3A_185 = tpu.memref_slice %arg9[%dma_wait3A_183, %dma_wait3A_184] : memref<2x2000xi32, #tpu.memory_space<vmem>> -> memref<1x2000xi32, #tpu.memory_space<vmem>>
    %dma_wait3A_186 = tpu.memref_squeeze %dma_wait3A_185 : memref<1x2000xi32, #tpu.memory_space<vmem>> -> memref<2000xi32, #tpu.memory_space<vmem>>
    %dma_wait3A_187 = arith.constant 0 : i32
    %dma_wait3A_188 = arith.constant 0 : i32
    %dma_wait3A_189 = tpu.memref_slice %arg7[%dma_wait3A_187, %dma_wait3A_188] : memref<10240x16xf32, #tpu.memory_space<vmem_shared>> -> memref<10240x16xf32, #tpu.memory_space<vmem_shared>>
    tpu.wait_indirect_dma semaphore(%arg15 : memref<!tpu.dma_semaphore, #tpu.memory_space<semaphore_mem>>) src(%arg11 : memref<2000x16xf32, #tpu.memory_space<vmem>>) dst(%dma_wait3A_189 : memref<10240x16xf32, #tpu.memory_space<vmem_shared>>)
    %add3A_190 = arith.constant 14000 : i32
    %add3A_191 = arith.addi %mul3A_4, %add3A_190 : i32
    "tpu.region"() ({
      %run_scoped3A = tpu.sem_alloc : memref<!tpu.dma_semaphore, #tpu.memory_space<semaphore_mem>>
      %dma_start3A_302 = arith.constant 0 : i32
      %dma_start3A_303 = tpu.memref_slice %arg3[%dma_start3A_302, %add3A_191] : memref<2x640000xi32, #tpu.memory_space<hbm>> -> memref<2x2000xi32, #tpu.memory_space<hbm>>
      %dma_start3A_304 = arith.constant 0 : i32
      %dma_start3A_305 = tpu.memref_slice %arg3[%dma_start3A_304, %add3A_191] : memref<2x640000xi32, #tpu.memory_space<hbm>> -> memref<2x2000xi32, #tpu.memory_space<hbm>>
      tpu.enqueue_dma source(%dma_start3A_305 : memref<2x2000xi32, #tpu.memory_space<hbm>>) target(%arg9 : memref<2x2000xi32, #tpu.memory_space<vmem>>) target_semaphore(%run_scoped3A : memref<!tpu.dma_semaphore, #tpu.memory_space<semaphore_mem>>)
      %dma_wait3A_306 = arith.constant 0 : i32
      %dma_wait3A_307 = tpu.memref_slice %arg3[%dma_wait3A_306, %add3A_191] : memref<2x640000xi32, #tpu.memory_space<hbm>> -> memref<2x2000xi32, #tpu.memory_space<hbm>>
      %dma_wait3A_308 = arith.constant 0 : i32
      %dma_wait3A_309 = tpu.memref_slice %arg3[%dma_wait3A_308, %add3A_191] : memref<2x640000xi32, #tpu.memory_space<hbm>> -> memref<2x2000xi32, #tpu.memory_space<hbm>>
      tpu.wait_dma2 semaphore(%run_scoped3A : memref<!tpu.dma_semaphore, #tpu.memory_space<semaphore_mem>>) src(%dma_wait3A_309 : memref<2x2000xi32, #tpu.memory_space<hbm>>) dst(%arg9 : memref<2x2000xi32, #tpu.memory_space<vmem>>)
      tpu.yield
    }) : () -> ()
    %dma_wait3A_192 = arith.constant 0 : i32
    %dma_wait3A_193 = arith.constant 0 : i32
    %dma_wait3A_194 = tpu.memref_slice %arg8[%dma_wait3A_192, %dma_wait3A_193] : memref<2x2000xi32, #tpu.memory_space<vmem>> -> memref<1x2000xi32, #tpu.memory_space<vmem>>
    %dma_wait3A_195 = tpu.memref_squeeze %dma_wait3A_194 : memref<1x2000xi32, #tpu.memory_space<vmem>> -> memref<2000xi32, #tpu.memory_space<vmem>>
    %dma_wait3A_196 = arith.constant 0 : i32
    %dma_wait3A_197 = arith.constant 0 : i32
    %dma_wait3A_198 = tpu.memref_slice %arg6[%dma_wait3A_196, %dma_wait3A_197] : memref<10240x16xf32, #tpu.memory_space<vmem_shared>> -> memref<10240x16xf32, #tpu.memory_space<vmem_shared>>
    tpu.wait_indirect_dma semaphore(%arg12 : memref<!tpu.dma_semaphore, #tpu.memory_space<semaphore_mem>>) src(%dma_wait3A_198 : memref<10240x16xf32, #tpu.memory_space<vmem_shared>>) dst(%arg10 : memref<2000x16xf32, #tpu.memory_space<vmem>>)
    %dma_start3A_199 = arith.constant 0 : i32
    %dma_start3A_200 = arith.constant 0 : i32
    %dma_start3A_201 = tpu.memref_slice %arg9[%dma_start3A_199, %dma_start3A_200] : memref<2x2000xi32, #tpu.memory_space<vmem>> -> memref<1x2000xi32, #tpu.memory_space<vmem>>
    %dma_start3A_202 = tpu.memref_squeeze %dma_start3A_201 : memref<1x2000xi32, #tpu.memory_space<vmem>> -> memref<2000xi32, #tpu.memory_space<vmem>>
    %dma_start3A_203 = arith.constant 0 : i32
    %dma_start3A_204 = arith.constant 0 : i32
    %dma_start3A_205 = tpu.memref_slice %arg6[%dma_start3A_203, %dma_start3A_204] : memref<10240x16xf32, #tpu.memory_space<vmem_shared>> -> memref<10240x16xf32, #tpu.memory_space<vmem_shared>>
    tpu.enqueue_indirect_dma source(%dma_start3A_205 : memref<10240x16xf32, #tpu.memory_space<vmem_shared>>) target(%arg11 : memref<2000x16xf32, #tpu.memory_space<vmem>>) offsets(%dma_start3A_202 : memref<2000xi32, #tpu.memory_space<vmem>>) semaphore(%arg13 : memref<!tpu.dma_semaphore, #tpu.memory_space<semaphore_mem>>)
    %dma_start3A_206 = arith.constant 1 : i32
    %dma_start3A_207 = arith.constant 0 : i32
    %dma_start3A_208 = tpu.memref_slice %arg8[%dma_start3A_206, %dma_start3A_207] : memref<2x2000xi32, #tpu.memory_space<vmem>> -> memref<1x2000xi32, #tpu.memory_space<vmem>>
    %dma_start3A_209 = tpu.memref_squeeze %dma_start3A_208 : memref<1x2000xi32, #tpu.memory_space<vmem>> -> memref<2000xi32, #tpu.memory_space<vmem>>
    %dma_start3A_210 = arith.constant 0 : i32
    %dma_start3A_211 = arith.constant 0 : i32
    %dma_start3A_212 = tpu.memref_slice %arg7[%dma_start3A_210, %dma_start3A_211] : memref<10240x16xf32, #tpu.memory_space<vmem_shared>> -> memref<10240x16xf32, #tpu.memory_space<vmem_shared>>
    tpu.enqueue_indirect_dma source(%arg10 : memref<2000x16xf32, #tpu.memory_space<vmem>>) target(%dma_start3A_212 : memref<10240x16xf32, #tpu.memory_space<vmem_shared>>) offsets(%dma_start3A_209 : memref<2000xi32, #tpu.memory_space<vmem>>) semaphore(%arg14 : memref<!tpu.dma_semaphore, #tpu.memory_space<semaphore_mem>>) {add = true}
    %dma_wait3A_213 = arith.constant 1 : i32
    %dma_wait3A_214 = arith.constant 0 : i32
    %dma_wait3A_215 = tpu.memref_slice %arg8[%dma_wait3A_213, %dma_wait3A_214] : memref<2x2000xi32, #tpu.memory_space<vmem>> -> memref<1x2000xi32, #tpu.memory_space<vmem>>
    %dma_wait3A_216 = tpu.memref_squeeze %dma_wait3A_215 : memref<1x2000xi32, #tpu.memory_space<vmem>> -> memref<2000xi32, #tpu.memory_space<vmem>>
    %dma_wait3A_217 = arith.constant 0 : i32
    %dma_wait3A_218 = arith.constant 0 : i32
    %dma_wait3A_219 = tpu.memref_slice %arg7[%dma_wait3A_217, %dma_wait3A_218] : memref<10240x16xf32, #tpu.memory_space<vmem_shared>> -> memref<10240x16xf32, #tpu.memory_space<vmem_shared>>
    tpu.wait_indirect_dma semaphore(%arg14 : memref<!tpu.dma_semaphore, #tpu.memory_space<semaphore_mem>>) src(%arg10 : memref<2000x16xf32, #tpu.memory_space<vmem>>) dst(%dma_wait3A_219 : memref<10240x16xf32, #tpu.memory_space<vmem_shared>>)
    %add3A_220 = arith.constant 16000 : i32
    %add3A_221 = arith.addi %mul3A_4, %add3A_220 : i32
    "tpu.region"() ({
      %run_scoped3A = tpu.sem_alloc : memref<!tpu.dma_semaphore, #tpu.memory_space<semaphore_mem>>
      %dma_start3A_302 = arith.constant 0 : i32
      %dma_start3A_303 = tpu.memref_slice %arg3[%dma_start3A_302, %add3A_221] : memref<2x640000xi32, #tpu.memory_space<hbm>> -> memref<2x2000xi32, #tpu.memory_space<hbm>>
      %dma_start3A_304 = arith.constant 0 : i32
      %dma_start3A_305 = tpu.memref_slice %arg3[%dma_start3A_304, %add3A_221] : memref<2x640000xi32, #tpu.memory_space<hbm>> -> memref<2x2000xi32, #tpu.memory_space<hbm>>
      tpu.enqueue_dma source(%dma_start3A_305 : memref<2x2000xi32, #tpu.memory_space<hbm>>) target(%arg8 : memref<2x2000xi32, #tpu.memory_space<vmem>>) target_semaphore(%run_scoped3A : memref<!tpu.dma_semaphore, #tpu.memory_space<semaphore_mem>>)
      %dma_wait3A_306 = arith.constant 0 : i32
      %dma_wait3A_307 = tpu.memref_slice %arg3[%dma_wait3A_306, %add3A_221] : memref<2x640000xi32, #tpu.memory_space<hbm>> -> memref<2x2000xi32, #tpu.memory_space<hbm>>
      %dma_wait3A_308 = arith.constant 0 : i32
      %dma_wait3A_309 = tpu.memref_slice %arg3[%dma_wait3A_308, %add3A_221] : memref<2x640000xi32, #tpu.memory_space<hbm>> -> memref<2x2000xi32, #tpu.memory_space<hbm>>
      tpu.wait_dma2 semaphore(%run_scoped3A : memref<!tpu.dma_semaphore, #tpu.memory_space<semaphore_mem>>) src(%dma_wait3A_309 : memref<2x2000xi32, #tpu.memory_space<hbm>>) dst(%arg8 : memref<2x2000xi32, #tpu.memory_space<vmem>>)
      tpu.yield
    }) : () -> ()
    %dma_wait3A_222 = arith.constant 0 : i32
    %dma_wait3A_223 = arith.constant 0 : i32
    %dma_wait3A_224 = tpu.memref_slice %arg9[%dma_wait3A_222, %dma_wait3A_223] : memref<2x2000xi32, #tpu.memory_space<vmem>> -> memref<1x2000xi32, #tpu.memory_space<vmem>>
    %dma_wait3A_225 = tpu.memref_squeeze %dma_wait3A_224 : memref<1x2000xi32, #tpu.memory_space<vmem>> -> memref<2000xi32, #tpu.memory_space<vmem>>
    %dma_wait3A_226 = arith.constant 0 : i32
    %dma_wait3A_227 = arith.constant 0 : i32
    %dma_wait3A_228 = tpu.memref_slice %arg6[%dma_wait3A_226, %dma_wait3A_227] : memref<10240x16xf32, #tpu.memory_space<vmem_shared>> -> memref<10240x16xf32, #tpu.memory_space<vmem_shared>>
    tpu.wait_indirect_dma semaphore(%arg13 : memref<!tpu.dma_semaphore, #tpu.memory_space<semaphore_mem>>) src(%dma_wait3A_228 : memref<10240x16xf32, #tpu.memory_space<vmem_shared>>) dst(%arg11 : memref<2000x16xf32, #tpu.memory_space<vmem>>)
    %dma_start3A_229 = arith.constant 0 : i32
    %dma_start3A_230 = arith.constant 0 : i32
    %dma_start3A_231 = tpu.memref_slice %arg8[%dma_start3A_229, %dma_start3A_230] : memref<2x2000xi32, #tpu.memory_space<vmem>> -> memref<1x2000xi32, #tpu.memory_space<vmem>>
    %dma_start3A_232 = tpu.memref_squeeze %dma_start3A_231 : memref<1x2000xi32, #tpu.memory_space<vmem>> -> memref<2000xi32, #tpu.memory_space<vmem>>
    %dma_start3A_233 = arith.constant 0 : i32
    %dma_start3A_234 = arith.constant 0 : i32
    %dma_start3A_235 = tpu.memref_slice %arg6[%dma_start3A_233, %dma_start3A_234] : memref<10240x16xf32, #tpu.memory_space<vmem_shared>> -> memref<10240x16xf32, #tpu.memory_space<vmem_shared>>
    tpu.enqueue_indirect_dma source(%dma_start3A_235 : memref<10240x16xf32, #tpu.memory_space<vmem_shared>>) target(%arg10 : memref<2000x16xf32, #tpu.memory_space<vmem>>) offsets(%dma_start3A_232 : memref<2000xi32, #tpu.memory_space<vmem>>) semaphore(%arg12 : memref<!tpu.dma_semaphore, #tpu.memory_space<semaphore_mem>>)
    %dma_start3A_236 = arith.constant 1 : i32
    %dma_start3A_237 = arith.constant 0 : i32
    %dma_start3A_238 = tpu.memref_slice %arg9[%dma_start3A_236, %dma_start3A_237] : memref<2x2000xi32, #tpu.memory_space<vmem>> -> memref<1x2000xi32, #tpu.memory_space<vmem>>
    %dma_start3A_239 = tpu.memref_squeeze %dma_start3A_238 : memref<1x2000xi32, #tpu.memory_space<vmem>> -> memref<2000xi32, #tpu.memory_space<vmem>>
    %dma_start3A_240 = arith.constant 0 : i32
    %dma_start3A_241 = arith.constant 0 : i32
    %dma_start3A_242 = tpu.memref_slice %arg7[%dma_start3A_240, %dma_start3A_241] : memref<10240x16xf32, #tpu.memory_space<vmem_shared>> -> memref<10240x16xf32, #tpu.memory_space<vmem_shared>>
    tpu.enqueue_indirect_dma source(%arg11 : memref<2000x16xf32, #tpu.memory_space<vmem>>) target(%dma_start3A_242 : memref<10240x16xf32, #tpu.memory_space<vmem_shared>>) offsets(%dma_start3A_239 : memref<2000xi32, #tpu.memory_space<vmem>>) semaphore(%arg15 : memref<!tpu.dma_semaphore, #tpu.memory_space<semaphore_mem>>) {add = true}
    %dma_wait3A_243 = arith.constant 1 : i32
    %dma_wait3A_244 = arith.constant 0 : i32
    %dma_wait3A_245 = tpu.memref_slice %arg9[%dma_wait3A_243, %dma_wait3A_244] : memref<2x2000xi32, #tpu.memory_space<vmem>> -> memref<1x2000xi32, #tpu.memory_space<vmem>>
    %dma_wait3A_246 = tpu.memref_squeeze %dma_wait3A_245 : memref<1x2000xi32, #tpu.memory_space<vmem>> -> memref<2000xi32, #tpu.memory_space<vmem>>
    %dma_wait3A_247 = arith.constant 0 : i32
    %dma_wait3A_248 = arith.constant 0 : i32
    %dma_wait3A_249 = tpu.memref_slice %arg7[%dma_wait3A_247, %dma_wait3A_248] : memref<10240x16xf32, #tpu.memory_space<vmem_shared>> -> memref<10240x16xf32, #tpu.memory_space<vmem_shared>>
    tpu.wait_indirect_dma semaphore(%arg15 : memref<!tpu.dma_semaphore, #tpu.memory_space<semaphore_mem>>) src(%arg11 : memref<2000x16xf32, #tpu.memory_space<vmem>>) dst(%dma_wait3A_249 : memref<10240x16xf32, #tpu.memory_space<vmem_shared>>)
    %add3A_250 = arith.constant 18000 : i32
    %add3A_251 = arith.addi %mul3A_4, %add3A_250 : i32
    "tpu.region"() ({
      %run_scoped3A = tpu.sem_alloc : memref<!tpu.dma_semaphore, #tpu.memory_space<semaphore_mem>>
      %dma_start3A_302 = arith.constant 0 : i32
      %dma_start3A_303 = tpu.memref_slice %arg3[%dma_start3A_302, %add3A_251] : memref<2x640000xi32, #tpu.memory_space<hbm>> -> memref<2x2000xi32, #tpu.memory_space<hbm>>
      %dma_start3A_304 = arith.constant 0 : i32
      %dma_start3A_305 = tpu.memref_slice %arg3[%dma_start3A_304, %add3A_251] : memref<2x640000xi32, #tpu.memory_space<hbm>> -> memref<2x2000xi32, #tpu.memory_space<hbm>>
      tpu.enqueue_dma source(%dma_start3A_305 : memref<2x2000xi32, #tpu.memory_space<hbm>>) target(%arg9 : memref<2x2000xi32, #tpu.memory_space<vmem>>) target_semaphore(%run_scoped3A : memref<!tpu.dma_semaphore, #tpu.memory_space<semaphore_mem>>)
      %dma_wait3A_306 = arith.constant 0 : i32
      %dma_wait3A_307 = tpu.memref_slice %arg3[%dma_wait3A_306, %add3A_251] : memref<2x640000xi32, #tpu.memory_space<hbm>> -> memref<2x2000xi32, #tpu.memory_space<hbm>>
      %dma_wait3A_308 = arith.constant 0 : i32
      %dma_wait3A_309 = tpu.memref_slice %arg3[%dma_wait3A_308, %add3A_251] : memref<2x640000xi32, #tpu.memory_space<hbm>> -> memref<2x2000xi32, #tpu.memory_space<hbm>>
      tpu.wait_dma2 semaphore(%run_scoped3A : memref<!tpu.dma_semaphore, #tpu.memory_space<semaphore_mem>>) src(%dma_wait3A_309 : memref<2x2000xi32, #tpu.memory_space<hbm>>) dst(%arg9 : memref<2x2000xi32, #tpu.memory_space<vmem>>)
      tpu.yield
    }) : () -> ()
    %dma_wait3A_252 = arith.constant 0 : i32
    %dma_wait3A_253 = arith.constant 0 : i32
    %dma_wait3A_254 = tpu.memref_slice %arg8[%dma_wait3A_252, %dma_wait3A_253] : memref<2x2000xi32, #tpu.memory_space<vmem>> -> memref<1x2000xi32, #tpu.memory_space<vmem>>
    %dma_wait3A_255 = tpu.memref_squeeze %dma_wait3A_254 : memref<1x2000xi32, #tpu.memory_space<vmem>> -> memref<2000xi32, #tpu.memory_space<vmem>>
    %dma_wait3A_256 = arith.constant 0 : i32
    %dma_wait3A_257 = arith.constant 0 : i32
    %dma_wait3A_258 = tpu.memref_slice %arg6[%dma_wait3A_256, %dma_wait3A_257] : memref<10240x16xf32, #tpu.memory_space<vmem_shared>> -> memref<10240x16xf32, #tpu.memory_space<vmem_shared>>
    tpu.wait_indirect_dma semaphore(%arg12 : memref<!tpu.dma_semaphore, #tpu.memory_space<semaphore_mem>>) src(%dma_wait3A_258 : memref<10240x16xf32, #tpu.memory_space<vmem_shared>>) dst(%arg10 : memref<2000x16xf32, #tpu.memory_space<vmem>>)
    %dma_start3A_259 = arith.constant 0 : i32
    %dma_start3A_260 = arith.constant 0 : i32
    %dma_start3A_261 = tpu.memref_slice %arg9[%dma_start3A_259, %dma_start3A_260] : memref<2x2000xi32, #tpu.memory_space<vmem>> -> memref<1x2000xi32, #tpu.memory_space<vmem>>
    %dma_start3A_262 = tpu.memref_squeeze %dma_start3A_261 : memref<1x2000xi32, #tpu.memory_space<vmem>> -> memref<2000xi32, #tpu.memory_space<vmem>>
    %dma_start3A_263 = arith.constant 0 : i32
    %dma_start3A_264 = arith.constant 0 : i32
    %dma_start3A_265 = tpu.memref_slice %arg6[%dma_start3A_263, %dma_start3A_264] : memref<10240x16xf32, #tpu.memory_space<vmem_shared>> -> memref<10240x16xf32, #tpu.memory_space<vmem_shared>>
    tpu.enqueue_indirect_dma source(%dma_start3A_265 : memref<10240x16xf32, #tpu.memory_space<vmem_shared>>) target(%arg11 : memref<2000x16xf32, #tpu.memory_space<vmem>>) offsets(%dma_start3A_262 : memref<2000xi32, #tpu.memory_space<vmem>>) semaphore(%arg13 : memref<!tpu.dma_semaphore, #tpu.memory_space<semaphore_mem>>)
    %dma_start3A_266 = arith.constant 1 : i32
    %dma_start3A_267 = arith.constant 0 : i32
    %dma_start3A_268 = tpu.memref_slice %arg8[%dma_start3A_266, %dma_start3A_267] : memref<2x2000xi32, #tpu.memory_space<vmem>> -> memref<1x2000xi32, #tpu.memory_space<vmem>>
    %dma_start3A_269 = tpu.memref_squeeze %dma_start3A_268 : memref<1x2000xi32, #tpu.memory_space<vmem>> -> memref<2000xi32, #tpu.memory_space<vmem>>
    %dma_start3A_270 = arith.constant 0 : i32
    %dma_start3A_271 = arith.constant 0 : i32
    %dma_start3A_272 = tpu.memref_slice %arg7[%dma_start3A_270, %dma_start3A_271] : memref<10240x16xf32, #tpu.memory_space<vmem_shared>> -> memref<10240x16xf32, #tpu.memory_space<vmem_shared>>
    tpu.enqueue_indirect_dma source(%arg10 : memref<2000x16xf32, #tpu.memory_space<vmem>>) target(%dma_start3A_272 : memref<10240x16xf32, #tpu.memory_space<vmem_shared>>) offsets(%dma_start3A_269 : memref<2000xi32, #tpu.memory_space<vmem>>) semaphore(%arg14 : memref<!tpu.dma_semaphore, #tpu.memory_space<semaphore_mem>>) {add = true}
    %dma_wait3A_273 = arith.constant 0 : i32
    %dma_wait3A_274 = arith.constant 0 : i32
    %dma_wait3A_275 = tpu.memref_slice %arg9[%dma_wait3A_273, %dma_wait3A_274] : memref<2x2000xi32, #tpu.memory_space<vmem>> -> memref<1x2000xi32, #tpu.memory_space<vmem>>
    %dma_wait3A_276 = tpu.memref_squeeze %dma_wait3A_275 : memref<1x2000xi32, #tpu.memory_space<vmem>> -> memref<2000xi32, #tpu.memory_space<vmem>>
    %dma_wait3A_277 = arith.constant 0 : i32
    %dma_wait3A_278 = arith.constant 0 : i32
    %dma_wait3A_279 = tpu.memref_slice %arg6[%dma_wait3A_277, %dma_wait3A_278] : memref<10240x16xf32, #tpu.memory_space<vmem_shared>> -> memref<10240x16xf32, #tpu.memory_space<vmem_shared>>
    tpu.wait_indirect_dma semaphore(%arg13 : memref<!tpu.dma_semaphore, #tpu.memory_space<semaphore_mem>>) src(%dma_wait3A_279 : memref<10240x16xf32, #tpu.memory_space<vmem_shared>>) dst(%arg11 : memref<2000x16xf32, #tpu.memory_space<vmem>>)
    %dma_start3A_280 = arith.constant 1 : i32
    %dma_start3A_281 = arith.constant 0 : i32
    %dma_start3A_282 = tpu.memref_slice %arg9[%dma_start3A_280, %dma_start3A_281] : memref<2x2000xi32, #tpu.memory_space<vmem>> -> memref<1x2000xi32, #tpu.memory_space<vmem>>
    %dma_start3A_283 = tpu.memref_squeeze %dma_start3A_282 : memref<1x2000xi32, #tpu.memory_space<vmem>> -> memref<2000xi32, #tpu.memory_space<vmem>>
    %dma_start3A_284 = arith.constant 0 : i32
    %dma_start3A_285 = arith.constant 0 : i32
    %dma_start3A_286 = tpu.memref_slice %arg7[%dma_start3A_284, %dma_start3A_285] : memref<10240x16xf32, #tpu.memory_space<vmem_shared>> -> memref<10240x16xf32, #tpu.memory_space<vmem_shared>>
    tpu.enqueue_indirect_dma source(%arg11 : memref<2000x16xf32, #tpu.memory_space<vmem>>) target(%dma_start3A_286 : memref<10240x16xf32, #tpu.memory_space<vmem_shared>>) offsets(%dma_start3A_283 : memref<2000xi32, #tpu.memory_space<vmem>>) semaphore(%arg15 : memref<!tpu.dma_semaphore, #tpu.memory_space<semaphore_mem>>) {add = true}
    %dma_wait3A_287 = arith.constant 1 : i32
    %dma_wait3A_288 = arith.constant 0 : i32
    %dma_wait3A_289 = tpu.memref_slice %arg9[%dma_wait3A_287, %dma_wait3A_288] : memref<2x2000xi32, #tpu.memory_space<vmem>> -> memref<1x2000xi32, #tpu.memory_space<vmem>>
    %dma_wait3A_290 = tpu.memref_squeeze %dma_wait3A_289 : memref<1x2000xi32, #tpu.memory_space<vmem>> -> memref<2000xi32, #tpu.memory_space<vmem>>
    %dma_wait3A_291 = arith.constant 0 : i32
    %dma_wait3A_292 = arith.constant 0 : i32
    %dma_wait3A_293 = tpu.memref_slice %arg7[%dma_wait3A_291, %dma_wait3A_292] : memref<10240x16xf32, #tpu.memory_space<vmem_shared>> -> memref<10240x16xf32, #tpu.memory_space<vmem_shared>>
    tpu.wait_indirect_dma semaphore(%arg15 : memref<!tpu.dma_semaphore, #tpu.memory_space<semaphore_mem>>) src(%arg11 : memref<2000x16xf32, #tpu.memory_space<vmem>>) dst(%dma_wait3A_293 : memref<10240x16xf32, #tpu.memory_space<vmem_shared>>)
    %dma_wait3A_294 = arith.constant 1 : i32
    %dma_wait3A_295 = arith.constant 0 : i32
    %dma_wait3A_296 = tpu.memref_slice %arg8[%dma_wait3A_294, %dma_wait3A_295] : memref<2x2000xi32, #tpu.memory_space<vmem>> -> memref<1x2000xi32, #tpu.memory_space<vmem>>
    %dma_wait3A_297 = tpu.memref_squeeze %dma_wait3A_296 : memref<1x2000xi32, #tpu.memory_space<vmem>> -> memref<2000xi32, #tpu.memory_space<vmem>>
    %dma_wait3A_298 = arith.constant 0 : i32
    %dma_wait3A_299 = arith.constant 0 : i32
    %dma_wait3A_300 = tpu.memref_slice %arg7[%dma_wait3A_298, %dma_wait3A_299] : memref<10240x16xf32, #tpu.memory_space<vmem_shared>> -> memref<10240x16xf32, #tpu.memory_space<vmem_shared>>
    tpu.wait_indirect_dma semaphore(%arg14 : memref<!tpu.dma_semaphore, #tpu.memory_space<semaphore_mem>>) src(%arg10 : memref<2000x16xf32, #tpu.memory_space<vmem>>) dst(%dma_wait3A_300 : memref<10240x16xf32, #tpu.memory_space<vmem_shared>>)
    %barrier3A_301 = arith.constant 0 : index
    tpu.barrier barrier_id(%barrier3A_301)
    "tpu.region"() ({
      %run_scoped3A = tpu.sem_alloc : memref<!tpu.dma_semaphore, #tpu.memory_space<semaphore_mem>>
      %dma_start3A_302 = arith.constant 0 : i32
      %dma_start3A_303 = tpu.memref_slice %arg5[%arg0, %mul3A_2, %dma_start3A_302] : memref<2x10240x16xf32, #tpu.memory_space<hbm>> -> memref<1x640x16xf32, #tpu.memory_space<hbm>>
      %dma_start3A_304 = tpu.memref_squeeze %dma_start3A_303 : memref<1x640x16xf32, #tpu.memory_space<hbm>> -> memref<640x16xf32, #tpu.memory_space<hbm>>
      %dma_start3A_305 = arith.constant 0 : i32
      %dma_start3A_306 = tpu.memref_slice %arg7[%mul3A_2, %dma_start3A_305] : memref<10240x16xf32, #tpu.memory_space<vmem_shared>> -> memref<640x16xf32, #tpu.memory_space<vmem_shared>>
      tpu.enqueue_dma source(%dma_start3A_306 : memref<640x16xf32, #tpu.memory_space<vmem_shared>>) target(%dma_start3A_304 : memref<640x16xf32, #tpu.memory_space<hbm>>) target_semaphore(%run_scoped3A : memref<!tpu.dma_semaphore, #tpu.memory_space<semaphore_mem>>)
      %dma_wait3A_307 = arith.constant 0 : i32
      %dma_wait3A_308 = tpu.memref_slice %arg5[%arg0, %mul3A_2, %dma_wait3A_307] : memref<2x10240x16xf32, #tpu.memory_space<hbm>> -> memref<1x640x16xf32, #tpu.memory_space<hbm>>
      %dma_wait3A_309 = tpu.memref_squeeze %dma_wait3A_308 : memref<1x640x16xf32, #tpu.memory_space<hbm>> -> memref<640x16xf32, #tpu.memory_space<hbm>>
      %dma_wait3A_310 = arith.constant 0 : i32
      %dma_wait3A_311 = tpu.memref_slice %arg7[%mul3A_2, %dma_wait3A_310] : memref<10240x16xf32, #tpu.memory_space<vmem_shared>> -> memref<640x16xf32, #tpu.memory_space<vmem_shared>>
      tpu.wait_dma2 semaphore(%run_scoped3A : memref<!tpu.dma_semaphore, #tpu.memory_space<semaphore_mem>>) src(%dma_wait3A_311 : memref<640x16xf32, #tpu.memory_space<vmem_shared>>) dst(%dma_wait3A_309 : memref<640x16xf32, #tpu.memory_space<hbm>>)
      tpu.yield
    }) : () -> ()
    return
  }
}

#map = affine_map<(d0, d1) -> (0, 0)>
#map1 = affine_map<(d0, d1) -> (0, 0, 0)>
module attributes {stable_mosaic.version = 14 : i64} {
  func.func @_msgpass(%arg0: i32, %arg1: i32, %arg2: memref<10240x8xf32, #tpu.memory_space<hbm>>, %arg3: memref<2x640000xi32, #tpu.memory_space<hbm>>, %arg4: memref<10240x8xf32, #tpu.memory_space<hbm>>, %arg5: memref<2x10240x8xf32, #tpu.memory_space<hbm>>, %arg6: memref<10240x8xf32, #tpu.memory_space<vmem_shared>>, %arg7: memref<10240x8xf32, #tpu.memory_space<vmem_shared>>, %arg8: memref<2x5000xi32, #tpu.memory_space<vmem>>, %arg9: memref<2x5000xi32, #tpu.memory_space<vmem>>, %arg10: memref<5000x8xf32, #tpu.memory_space<vmem>>, %arg11: memref<5000x8xf32, #tpu.memory_space<vmem>>, %arg12: memref<!tpu.dma_semaphore, #tpu.memory_space<semaphore_mem>>, %arg13: memref<!tpu.dma_semaphore, #tpu.memory_space<semaphore_mem>>, %arg14: memref<!tpu.dma_semaphore, #tpu.memory_space<semaphore_mem>>, %arg15: memref<!tpu.dma_semaphore, #tpu.memory_space<semaphore_mem>>) attributes {dimension_semantics = [#tpu.dimension_semantics<core_parallel>, #tpu.dimension_semantics<subcore_parallel>], iteration_bounds = array<i64: 2, 16>, scalar_prefetch = 0 : i64, scratch_operands = 10 : i64, tpu.core_type = #tpu.core_type<sc_vector_subcore>, window_params = [{transform_indices = #map}, {transform_indices = #map}, {transform_indices = #map}, {transform_indices = #map1}]} {
    %mul3A = arith.constant 16 : i32
    %mul3A_0 = arith.muli %arg0, %mul3A : i32
    %add3A = arith.addi %mul3A_0, %arg1 : i32
    %mul3A_1 = arith.constant 640 : i32
    %mul3A_2 = arith.muli %arg1, %mul3A_1 : i32
    %mul3A_3 = arith.constant 20000 : i32
    %mul3A_4 = arith.muli %add3A, %mul3A_3 : i32
    "tpu.region"() ({
      %run_scoped3A = tpu.sem_alloc : memref<!tpu.dma_semaphore, #tpu.memory_space<semaphore_mem>>
      %dma_start3A_122 = arith.constant 0 : i32
      %dma_start3A_123 = tpu.memref_slice %arg7[%mul3A_2, %dma_start3A_122] : memref<10240x8xf32, #tpu.memory_space<vmem_shared>> -> memref<640x8xf32, #tpu.memory_space<vmem_shared>>
      %dma_start3A_124 = arith.constant 0 : i32
      %dma_start3A_125 = tpu.memref_slice %arg4[%mul3A_2, %dma_start3A_124] : memref<10240x8xf32, #tpu.memory_space<hbm>> -> memref<640x8xf32, #tpu.memory_space<hbm>>
      tpu.enqueue_dma source(%dma_start3A_125 : memref<640x8xf32, #tpu.memory_space<hbm>>) target(%dma_start3A_123 : memref<640x8xf32, #tpu.memory_space<vmem_shared>>) target_semaphore(%run_scoped3A : memref<!tpu.dma_semaphore, #tpu.memory_space<semaphore_mem>>)
      %dma_wait3A_126 = arith.constant 0 : i32
      %dma_wait3A_127 = tpu.memref_slice %arg7[%mul3A_2, %dma_wait3A_126] : memref<10240x8xf32, #tpu.memory_space<vmem_shared>> -> memref<640x8xf32, #tpu.memory_space<vmem_shared>>
      %dma_wait3A_128 = arith.constant 0 : i32
      %dma_wait3A_129 = tpu.memref_slice %arg4[%mul3A_2, %dma_wait3A_128] : memref<10240x8xf32, #tpu.memory_space<hbm>> -> memref<640x8xf32, #tpu.memory_space<hbm>>
      tpu.wait_dma2 semaphore(%run_scoped3A : memref<!tpu.dma_semaphore, #tpu.memory_space<semaphore_mem>>) src(%dma_wait3A_129 : memref<640x8xf32, #tpu.memory_space<hbm>>) dst(%dma_wait3A_127 : memref<640x8xf32, #tpu.memory_space<vmem_shared>>)
      tpu.yield
    }) : () -> ()
    "tpu.region"() ({
      %run_scoped3A = tpu.sem_alloc : memref<!tpu.dma_semaphore, #tpu.memory_space<semaphore_mem>>
      %dma_start3A_122 = arith.constant 0 : i32
      %dma_start3A_123 = tpu.memref_slice %arg6[%mul3A_2, %dma_start3A_122] : memref<10240x8xf32, #tpu.memory_space<vmem_shared>> -> memref<640x8xf32, #tpu.memory_space<vmem_shared>>
      %dma_start3A_124 = arith.constant 0 : i32
      %dma_start3A_125 = tpu.memref_slice %arg2[%mul3A_2, %dma_start3A_124] : memref<10240x8xf32, #tpu.memory_space<hbm>> -> memref<640x8xf32, #tpu.memory_space<hbm>>
      tpu.enqueue_dma source(%dma_start3A_125 : memref<640x8xf32, #tpu.memory_space<hbm>>) target(%dma_start3A_123 : memref<640x8xf32, #tpu.memory_space<vmem_shared>>) target_semaphore(%run_scoped3A : memref<!tpu.dma_semaphore, #tpu.memory_space<semaphore_mem>>)
      %dma_wait3A_126 = arith.constant 0 : i32
      %dma_wait3A_127 = tpu.memref_slice %arg6[%mul3A_2, %dma_wait3A_126] : memref<10240x8xf32, #tpu.memory_space<vmem_shared>> -> memref<640x8xf32, #tpu.memory_space<vmem_shared>>
      %dma_wait3A_128 = arith.constant 0 : i32
      %dma_wait3A_129 = tpu.memref_slice %arg2[%mul3A_2, %dma_wait3A_128] : memref<10240x8xf32, #tpu.memory_space<hbm>> -> memref<640x8xf32, #tpu.memory_space<hbm>>
      tpu.wait_dma2 semaphore(%run_scoped3A : memref<!tpu.dma_semaphore, #tpu.memory_space<semaphore_mem>>) src(%dma_wait3A_129 : memref<640x8xf32, #tpu.memory_space<hbm>>) dst(%dma_wait3A_127 : memref<640x8xf32, #tpu.memory_space<vmem_shared>>)
      tpu.yield
    }) : () -> ()
    %barrier3A = arith.constant 0 : index
    tpu.barrier barrier_id(%barrier3A)
    "tpu.region"() ({
      %run_scoped3A = tpu.sem_alloc : memref<!tpu.dma_semaphore, #tpu.memory_space<semaphore_mem>>
      %dma_start3A_122 = arith.constant 0 : i32
      %dma_start3A_123 = tpu.memref_slice %arg3[%dma_start3A_122, %mul3A_4] : memref<2x640000xi32, #tpu.memory_space<hbm>> -> memref<2x5000xi32, #tpu.memory_space<hbm>>
      %dma_start3A_124 = arith.constant 0 : i32
      %dma_start3A_125 = tpu.memref_slice %arg3[%dma_start3A_124, %mul3A_4] : memref<2x640000xi32, #tpu.memory_space<hbm>> -> memref<2x5000xi32, #tpu.memory_space<hbm>>
      tpu.enqueue_dma source(%dma_start3A_125 : memref<2x5000xi32, #tpu.memory_space<hbm>>) target(%arg8 : memref<2x5000xi32, #tpu.memory_space<vmem>>) target_semaphore(%run_scoped3A : memref<!tpu.dma_semaphore, #tpu.memory_space<semaphore_mem>>)
      %dma_wait3A_126 = arith.constant 0 : i32
      %dma_wait3A_127 = tpu.memref_slice %arg3[%dma_wait3A_126, %mul3A_4] : memref<2x640000xi32, #tpu.memory_space<hbm>> -> memref<2x5000xi32, #tpu.memory_space<hbm>>
      %dma_wait3A_128 = arith.constant 0 : i32
      %dma_wait3A_129 = tpu.memref_slice %arg3[%dma_wait3A_128, %mul3A_4] : memref<2x640000xi32, #tpu.memory_space<hbm>> -> memref<2x5000xi32, #tpu.memory_space<hbm>>
      tpu.wait_dma2 semaphore(%run_scoped3A : memref<!tpu.dma_semaphore, #tpu.memory_space<semaphore_mem>>) src(%dma_wait3A_129 : memref<2x5000xi32, #tpu.memory_space<hbm>>) dst(%arg8 : memref<2x5000xi32, #tpu.memory_space<vmem>>)
      tpu.yield
    }) : () -> ()
    %dma_start3A = arith.constant 0 : i32
    %dma_start3A_5 = arith.constant 0 : i32
    %dma_start3A_6 = tpu.memref_slice %arg8[%dma_start3A, %dma_start3A_5] : memref<2x5000xi32, #tpu.memory_space<vmem>> -> memref<1x5000xi32, #tpu.memory_space<vmem>>
    %dma_start3A_7 = tpu.memref_squeeze %dma_start3A_6 : memref<1x5000xi32, #tpu.memory_space<vmem>> -> memref<5000xi32, #tpu.memory_space<vmem>>
    %dma_start3A_8 = arith.constant 0 : i32
    %dma_start3A_9 = arith.constant 0 : i32
    %dma_start3A_10 = tpu.memref_slice %arg6[%dma_start3A_8, %dma_start3A_9] : memref<10240x8xf32, #tpu.memory_space<vmem_shared>> -> memref<10240x8xf32, #tpu.memory_space<vmem_shared>>
    tpu.enqueue_indirect_dma source(%dma_start3A_10 : memref<10240x8xf32, #tpu.memory_space<vmem_shared>>) target(%arg10 : memref<5000x8xf32, #tpu.memory_space<vmem>>) offsets(%dma_start3A_7 : memref<5000xi32, #tpu.memory_space<vmem>>) semaphore(%arg12 : memref<!tpu.dma_semaphore, #tpu.memory_space<semaphore_mem>>)
    %add3A_11 = arith.constant 5000 : i32
    %add3A_12 = arith.addi %mul3A_4, %add3A_11 : i32
    "tpu.region"() ({
      %run_scoped3A = tpu.sem_alloc : memref<!tpu.dma_semaphore, #tpu.memory_space<semaphore_mem>>
      %dma_start3A_122 = arith.constant 0 : i32
      %dma_start3A_123 = tpu.memref_slice %arg3[%dma_start3A_122, %add3A_12] : memref<2x640000xi32, #tpu.memory_space<hbm>> -> memref<2x5000xi32, #tpu.memory_space<hbm>>
      %dma_start3A_124 = arith.constant 0 : i32
      %dma_start3A_125 = tpu.memref_slice %arg3[%dma_start3A_124, %add3A_12] : memref<2x640000xi32, #tpu.memory_space<hbm>> -> memref<2x5000xi32, #tpu.memory_space<hbm>>
      tpu.enqueue_dma source(%dma_start3A_125 : memref<2x5000xi32, #tpu.memory_space<hbm>>) target(%arg9 : memref<2x5000xi32, #tpu.memory_space<vmem>>) target_semaphore(%run_scoped3A : memref<!tpu.dma_semaphore, #tpu.memory_space<semaphore_mem>>)
      %dma_wait3A_126 = arith.constant 0 : i32
      %dma_wait3A_127 = tpu.memref_slice %arg3[%dma_wait3A_126, %add3A_12] : memref<2x640000xi32, #tpu.memory_space<hbm>> -> memref<2x5000xi32, #tpu.memory_space<hbm>>
      %dma_wait3A_128 = arith.constant 0 : i32
      %dma_wait3A_129 = tpu.memref_slice %arg3[%dma_wait3A_128, %add3A_12] : memref<2x640000xi32, #tpu.memory_space<hbm>> -> memref<2x5000xi32, #tpu.memory_space<hbm>>
      tpu.wait_dma2 semaphore(%run_scoped3A : memref<!tpu.dma_semaphore, #tpu.memory_space<semaphore_mem>>) src(%dma_wait3A_129 : memref<2x5000xi32, #tpu.memory_space<hbm>>) dst(%arg9 : memref<2x5000xi32, #tpu.memory_space<vmem>>)
      tpu.yield
    }) : () -> ()
    %dma_wait3A = arith.constant 0 : i32
    %dma_wait3A_13 = arith.constant 0 : i32
    %dma_wait3A_14 = tpu.memref_slice %arg8[%dma_wait3A, %dma_wait3A_13] : memref<2x5000xi32, #tpu.memory_space<vmem>> -> memref<1x5000xi32, #tpu.memory_space<vmem>>
    %dma_wait3A_15 = tpu.memref_squeeze %dma_wait3A_14 : memref<1x5000xi32, #tpu.memory_space<vmem>> -> memref<5000xi32, #tpu.memory_space<vmem>>
    %dma_wait3A_16 = arith.constant 0 : i32
    %dma_wait3A_17 = arith.constant 0 : i32
    %dma_wait3A_18 = tpu.memref_slice %arg6[%dma_wait3A_16, %dma_wait3A_17] : memref<10240x8xf32, #tpu.memory_space<vmem_shared>> -> memref<10240x8xf32, #tpu.memory_space<vmem_shared>>
    tpu.wait_indirect_dma semaphore(%arg12 : memref<!tpu.dma_semaphore, #tpu.memory_space<semaphore_mem>>) src(%dma_wait3A_18 : memref<10240x8xf32, #tpu.memory_space<vmem_shared>>) dst(%arg10 : memref<5000x8xf32, #tpu.memory_space<vmem>>)
    %dma_start3A_19 = arith.constant 0 : i32
    %dma_start3A_20 = arith.constant 0 : i32
    %dma_start3A_21 = tpu.memref_slice %arg9[%dma_start3A_19, %dma_start3A_20] : memref<2x5000xi32, #tpu.memory_space<vmem>> -> memref<1x5000xi32, #tpu.memory_space<vmem>>
    %dma_start3A_22 = tpu.memref_squeeze %dma_start3A_21 : memref<1x5000xi32, #tpu.memory_space<vmem>> -> memref<5000xi32, #tpu.memory_space<vmem>>
    %dma_start3A_23 = arith.constant 0 : i32
    %dma_start3A_24 = arith.constant 0 : i32
    %dma_start3A_25 = tpu.memref_slice %arg6[%dma_start3A_23, %dma_start3A_24] : memref<10240x8xf32, #tpu.memory_space<vmem_shared>> -> memref<10240x8xf32, #tpu.memory_space<vmem_shared>>
    tpu.enqueue_indirect_dma source(%dma_start3A_25 : memref<10240x8xf32, #tpu.memory_space<vmem_shared>>) target(%arg11 : memref<5000x8xf32, #tpu.memory_space<vmem>>) offsets(%dma_start3A_22 : memref<5000xi32, #tpu.memory_space<vmem>>) semaphore(%arg13 : memref<!tpu.dma_semaphore, #tpu.memory_space<semaphore_mem>>)
    %dma_start3A_26 = arith.constant 1 : i32
    %dma_start3A_27 = arith.constant 0 : i32
    %dma_start3A_28 = tpu.memref_slice %arg8[%dma_start3A_26, %dma_start3A_27] : memref<2x5000xi32, #tpu.memory_space<vmem>> -> memref<1x5000xi32, #tpu.memory_space<vmem>>
    %dma_start3A_29 = tpu.memref_squeeze %dma_start3A_28 : memref<1x5000xi32, #tpu.memory_space<vmem>> -> memref<5000xi32, #tpu.memory_space<vmem>>
    %dma_start3A_30 = arith.constant 0 : i32
    %dma_start3A_31 = arith.constant 0 : i32
    %dma_start3A_32 = tpu.memref_slice %arg7[%dma_start3A_30, %dma_start3A_31] : memref<10240x8xf32, #tpu.memory_space<vmem_shared>> -> memref<10240x8xf32, #tpu.memory_space<vmem_shared>>
    tpu.enqueue_indirect_dma source(%arg10 : memref<5000x8xf32, #tpu.memory_space<vmem>>) target(%dma_start3A_32 : memref<10240x8xf32, #tpu.memory_space<vmem_shared>>) offsets(%dma_start3A_29 : memref<5000xi32, #tpu.memory_space<vmem>>) semaphore(%arg14 : memref<!tpu.dma_semaphore, #tpu.memory_space<semaphore_mem>>) {add = true}
    %dma_wait3A_33 = arith.constant 1 : i32
    %dma_wait3A_34 = arith.constant 0 : i32
    %dma_wait3A_35 = tpu.memref_slice %arg8[%dma_wait3A_33, %dma_wait3A_34] : memref<2x5000xi32, #tpu.memory_space<vmem>> -> memref<1x5000xi32, #tpu.memory_space<vmem>>
    %dma_wait3A_36 = tpu.memref_squeeze %dma_wait3A_35 : memref<1x5000xi32, #tpu.memory_space<vmem>> -> memref<5000xi32, #tpu.memory_space<vmem>>
    %dma_wait3A_37 = arith.constant 0 : i32
    %dma_wait3A_38 = arith.constant 0 : i32
    %dma_wait3A_39 = tpu.memref_slice %arg7[%dma_wait3A_37, %dma_wait3A_38] : memref<10240x8xf32, #tpu.memory_space<vmem_shared>> -> memref<10240x8xf32, #tpu.memory_space<vmem_shared>>
    tpu.wait_indirect_dma semaphore(%arg14 : memref<!tpu.dma_semaphore, #tpu.memory_space<semaphore_mem>>) src(%arg10 : memref<5000x8xf32, #tpu.memory_space<vmem>>) dst(%dma_wait3A_39 : memref<10240x8xf32, #tpu.memory_space<vmem_shared>>)
    %add3A_40 = arith.constant 10000 : i32
    %add3A_41 = arith.addi %mul3A_4, %add3A_40 : i32
    "tpu.region"() ({
      %run_scoped3A = tpu.sem_alloc : memref<!tpu.dma_semaphore, #tpu.memory_space<semaphore_mem>>
      %dma_start3A_122 = arith.constant 0 : i32
      %dma_start3A_123 = tpu.memref_slice %arg3[%dma_start3A_122, %add3A_41] : memref<2x640000xi32, #tpu.memory_space<hbm>> -> memref<2x5000xi32, #tpu.memory_space<hbm>>
      %dma_start3A_124 = arith.constant 0 : i32
      %dma_start3A_125 = tpu.memref_slice %arg3[%dma_start3A_124, %add3A_41] : memref<2x640000xi32, #tpu.memory_space<hbm>> -> memref<2x5000xi32, #tpu.memory_space<hbm>>
      tpu.enqueue_dma source(%dma_start3A_125 : memref<2x5000xi32, #tpu.memory_space<hbm>>) target(%arg8 : memref<2x5000xi32, #tpu.memory_space<vmem>>) target_semaphore(%run_scoped3A : memref<!tpu.dma_semaphore, #tpu.memory_space<semaphore_mem>>)
      %dma_wait3A_126 = arith.constant 0 : i32
      %dma_wait3A_127 = tpu.memref_slice %arg3[%dma_wait3A_126, %add3A_41] : memref<2x640000xi32, #tpu.memory_space<hbm>> -> memref<2x5000xi32, #tpu.memory_space<hbm>>
      %dma_wait3A_128 = arith.constant 0 : i32
      %dma_wait3A_129 = tpu.memref_slice %arg3[%dma_wait3A_128, %add3A_41] : memref<2x640000xi32, #tpu.memory_space<hbm>> -> memref<2x5000xi32, #tpu.memory_space<hbm>>
      tpu.wait_dma2 semaphore(%run_scoped3A : memref<!tpu.dma_semaphore, #tpu.memory_space<semaphore_mem>>) src(%dma_wait3A_129 : memref<2x5000xi32, #tpu.memory_space<hbm>>) dst(%arg8 : memref<2x5000xi32, #tpu.memory_space<vmem>>)
      tpu.yield
    }) : () -> ()
    %dma_wait3A_42 = arith.constant 0 : i32
    %dma_wait3A_43 = arith.constant 0 : i32
    %dma_wait3A_44 = tpu.memref_slice %arg9[%dma_wait3A_42, %dma_wait3A_43] : memref<2x5000xi32, #tpu.memory_space<vmem>> -> memref<1x5000xi32, #tpu.memory_space<vmem>>
    %dma_wait3A_45 = tpu.memref_squeeze %dma_wait3A_44 : memref<1x5000xi32, #tpu.memory_space<vmem>> -> memref<5000xi32, #tpu.memory_space<vmem>>
    %dma_wait3A_46 = arith.constant 0 : i32
    %dma_wait3A_47 = arith.constant 0 : i32
    %dma_wait3A_48 = tpu.memref_slice %arg6[%dma_wait3A_46, %dma_wait3A_47] : memref<10240x8xf32, #tpu.memory_space<vmem_shared>> -> memref<10240x8xf32, #tpu.memory_space<vmem_shared>>
    tpu.wait_indirect_dma semaphore(%arg13 : memref<!tpu.dma_semaphore, #tpu.memory_space<semaphore_mem>>) src(%dma_wait3A_48 : memref<10240x8xf32, #tpu.memory_space<vmem_shared>>) dst(%arg11 : memref<5000x8xf32, #tpu.memory_space<vmem>>)
    %dma_start3A_49 = arith.constant 0 : i32
    %dma_start3A_50 = arith.constant 0 : i32
    %dma_start3A_51 = tpu.memref_slice %arg8[%dma_start3A_49, %dma_start3A_50] : memref<2x5000xi32, #tpu.memory_space<vmem>> -> memref<1x5000xi32, #tpu.memory_space<vmem>>
    %dma_start3A_52 = tpu.memref_squeeze %dma_start3A_51 : memref<1x5000xi32, #tpu.memory_space<vmem>> -> memref<5000xi32, #tpu.memory_space<vmem>>
    %dma_start3A_53 = arith.constant 0 : i32
    %dma_start3A_54 = arith.constant 0 : i32
    %dma_start3A_55 = tpu.memref_slice %arg6[%dma_start3A_53, %dma_start3A_54] : memref<10240x8xf32, #tpu.memory_space<vmem_shared>> -> memref<10240x8xf32, #tpu.memory_space<vmem_shared>>
    tpu.enqueue_indirect_dma source(%dma_start3A_55 : memref<10240x8xf32, #tpu.memory_space<vmem_shared>>) target(%arg10 : memref<5000x8xf32, #tpu.memory_space<vmem>>) offsets(%dma_start3A_52 : memref<5000xi32, #tpu.memory_space<vmem>>) semaphore(%arg12 : memref<!tpu.dma_semaphore, #tpu.memory_space<semaphore_mem>>)
    %dma_start3A_56 = arith.constant 1 : i32
    %dma_start3A_57 = arith.constant 0 : i32
    %dma_start3A_58 = tpu.memref_slice %arg9[%dma_start3A_56, %dma_start3A_57] : memref<2x5000xi32, #tpu.memory_space<vmem>> -> memref<1x5000xi32, #tpu.memory_space<vmem>>
    %dma_start3A_59 = tpu.memref_squeeze %dma_start3A_58 : memref<1x5000xi32, #tpu.memory_space<vmem>> -> memref<5000xi32, #tpu.memory_space<vmem>>
    %dma_start3A_60 = arith.constant 0 : i32
    %dma_start3A_61 = arith.constant 0 : i32
    %dma_start3A_62 = tpu.memref_slice %arg7[%dma_start3A_60, %dma_start3A_61] : memref<10240x8xf32, #tpu.memory_space<vmem_shared>> -> memref<10240x8xf32, #tpu.memory_space<vmem_shared>>
    tpu.enqueue_indirect_dma source(%arg11 : memref<5000x8xf32, #tpu.memory_space<vmem>>) target(%dma_start3A_62 : memref<10240x8xf32, #tpu.memory_space<vmem_shared>>) offsets(%dma_start3A_59 : memref<5000xi32, #tpu.memory_space<vmem>>) semaphore(%arg15 : memref<!tpu.dma_semaphore, #tpu.memory_space<semaphore_mem>>) {add = true}
    %dma_wait3A_63 = arith.constant 1 : i32
    %dma_wait3A_64 = arith.constant 0 : i32
    %dma_wait3A_65 = tpu.memref_slice %arg9[%dma_wait3A_63, %dma_wait3A_64] : memref<2x5000xi32, #tpu.memory_space<vmem>> -> memref<1x5000xi32, #tpu.memory_space<vmem>>
    %dma_wait3A_66 = tpu.memref_squeeze %dma_wait3A_65 : memref<1x5000xi32, #tpu.memory_space<vmem>> -> memref<5000xi32, #tpu.memory_space<vmem>>
    %dma_wait3A_67 = arith.constant 0 : i32
    %dma_wait3A_68 = arith.constant 0 : i32
    %dma_wait3A_69 = tpu.memref_slice %arg7[%dma_wait3A_67, %dma_wait3A_68] : memref<10240x8xf32, #tpu.memory_space<vmem_shared>> -> memref<10240x8xf32, #tpu.memory_space<vmem_shared>>
    tpu.wait_indirect_dma semaphore(%arg15 : memref<!tpu.dma_semaphore, #tpu.memory_space<semaphore_mem>>) src(%arg11 : memref<5000x8xf32, #tpu.memory_space<vmem>>) dst(%dma_wait3A_69 : memref<10240x8xf32, #tpu.memory_space<vmem_shared>>)
    %add3A_70 = arith.constant 15000 : i32
    %add3A_71 = arith.addi %mul3A_4, %add3A_70 : i32
    "tpu.region"() ({
      %run_scoped3A = tpu.sem_alloc : memref<!tpu.dma_semaphore, #tpu.memory_space<semaphore_mem>>
      %dma_start3A_122 = arith.constant 0 : i32
      %dma_start3A_123 = tpu.memref_slice %arg3[%dma_start3A_122, %add3A_71] : memref<2x640000xi32, #tpu.memory_space<hbm>> -> memref<2x5000xi32, #tpu.memory_space<hbm>>
      %dma_start3A_124 = arith.constant 0 : i32
      %dma_start3A_125 = tpu.memref_slice %arg3[%dma_start3A_124, %add3A_71] : memref<2x640000xi32, #tpu.memory_space<hbm>> -> memref<2x5000xi32, #tpu.memory_space<hbm>>
      tpu.enqueue_dma source(%dma_start3A_125 : memref<2x5000xi32, #tpu.memory_space<hbm>>) target(%arg9 : memref<2x5000xi32, #tpu.memory_space<vmem>>) target_semaphore(%run_scoped3A : memref<!tpu.dma_semaphore, #tpu.memory_space<semaphore_mem>>)
      %dma_wait3A_126 = arith.constant 0 : i32
      %dma_wait3A_127 = tpu.memref_slice %arg3[%dma_wait3A_126, %add3A_71] : memref<2x640000xi32, #tpu.memory_space<hbm>> -> memref<2x5000xi32, #tpu.memory_space<hbm>>
      %dma_wait3A_128 = arith.constant 0 : i32
      %dma_wait3A_129 = tpu.memref_slice %arg3[%dma_wait3A_128, %add3A_71] : memref<2x640000xi32, #tpu.memory_space<hbm>> -> memref<2x5000xi32, #tpu.memory_space<hbm>>
      tpu.wait_dma2 semaphore(%run_scoped3A : memref<!tpu.dma_semaphore, #tpu.memory_space<semaphore_mem>>) src(%dma_wait3A_129 : memref<2x5000xi32, #tpu.memory_space<hbm>>) dst(%arg9 : memref<2x5000xi32, #tpu.memory_space<vmem>>)
      tpu.yield
    }) : () -> ()
    %dma_wait3A_72 = arith.constant 0 : i32
    %dma_wait3A_73 = arith.constant 0 : i32
    %dma_wait3A_74 = tpu.memref_slice %arg8[%dma_wait3A_72, %dma_wait3A_73] : memref<2x5000xi32, #tpu.memory_space<vmem>> -> memref<1x5000xi32, #tpu.memory_space<vmem>>
    %dma_wait3A_75 = tpu.memref_squeeze %dma_wait3A_74 : memref<1x5000xi32, #tpu.memory_space<vmem>> -> memref<5000xi32, #tpu.memory_space<vmem>>
    %dma_wait3A_76 = arith.constant 0 : i32
    %dma_wait3A_77 = arith.constant 0 : i32
    %dma_wait3A_78 = tpu.memref_slice %arg6[%dma_wait3A_76, %dma_wait3A_77] : memref<10240x8xf32, #tpu.memory_space<vmem_shared>> -> memref<10240x8xf32, #tpu.memory_space<vmem_shared>>
    tpu.wait_indirect_dma semaphore(%arg12 : memref<!tpu.dma_semaphore, #tpu.memory_space<semaphore_mem>>) src(%dma_wait3A_78 : memref<10240x8xf32, #tpu.memory_space<vmem_shared>>) dst(%arg10 : memref<5000x8xf32, #tpu.memory_space<vmem>>)
    %dma_start3A_79 = arith.constant 0 : i32
    %dma_start3A_80 = arith.constant 0 : i32
    %dma_start3A_81 = tpu.memref_slice %arg9[%dma_start3A_79, %dma_start3A_80] : memref<2x5000xi32, #tpu.memory_space<vmem>> -> memref<1x5000xi32, #tpu.memory_space<vmem>>
    %dma_start3A_82 = tpu.memref_squeeze %dma_start3A_81 : memref<1x5000xi32, #tpu.memory_space<vmem>> -> memref<5000xi32, #tpu.memory_space<vmem>>
    %dma_start3A_83 = arith.constant 0 : i32
    %dma_start3A_84 = arith.constant 0 : i32
    %dma_start3A_85 = tpu.memref_slice %arg6[%dma_start3A_83, %dma_start3A_84] : memref<10240x8xf32, #tpu.memory_space<vmem_shared>> -> memref<10240x8xf32, #tpu.memory_space<vmem_shared>>
    tpu.enqueue_indirect_dma source(%dma_start3A_85 : memref<10240x8xf32, #tpu.memory_space<vmem_shared>>) target(%arg11 : memref<5000x8xf32, #tpu.memory_space<vmem>>) offsets(%dma_start3A_82 : memref<5000xi32, #tpu.memory_space<vmem>>) semaphore(%arg13 : memref<!tpu.dma_semaphore, #tpu.memory_space<semaphore_mem>>)
    %dma_start3A_86 = arith.constant 1 : i32
    %dma_start3A_87 = arith.constant 0 : i32
    %dma_start3A_88 = tpu.memref_slice %arg8[%dma_start3A_86, %dma_start3A_87] : memref<2x5000xi32, #tpu.memory_space<vmem>> -> memref<1x5000xi32, #tpu.memory_space<vmem>>
    %dma_start3A_89 = tpu.memref_squeeze %dma_start3A_88 : memref<1x5000xi32, #tpu.memory_space<vmem>> -> memref<5000xi32, #tpu.memory_space<vmem>>
    %dma_start3A_90 = arith.constant 0 : i32
    %dma_start3A_91 = arith.constant 0 : i32
    %dma_start3A_92 = tpu.memref_slice %arg7[%dma_start3A_90, %dma_start3A_91] : memref<10240x8xf32, #tpu.memory_space<vmem_shared>> -> memref<10240x8xf32, #tpu.memory_space<vmem_shared>>
    tpu.enqueue_indirect_dma source(%arg10 : memref<5000x8xf32, #tpu.memory_space<vmem>>) target(%dma_start3A_92 : memref<10240x8xf32, #tpu.memory_space<vmem_shared>>) offsets(%dma_start3A_89 : memref<5000xi32, #tpu.memory_space<vmem>>) semaphore(%arg14 : memref<!tpu.dma_semaphore, #tpu.memory_space<semaphore_mem>>) {add = true}
    %dma_wait3A_93 = arith.constant 0 : i32
    %dma_wait3A_94 = arith.constant 0 : i32
    %dma_wait3A_95 = tpu.memref_slice %arg9[%dma_wait3A_93, %dma_wait3A_94] : memref<2x5000xi32, #tpu.memory_space<vmem>> -> memref<1x5000xi32, #tpu.memory_space<vmem>>
    %dma_wait3A_96 = tpu.memref_squeeze %dma_wait3A_95 : memref<1x5000xi32, #tpu.memory_space<vmem>> -> memref<5000xi32, #tpu.memory_space<vmem>>
    %dma_wait3A_97 = arith.constant 0 : i32
    %dma_wait3A_98 = arith.constant 0 : i32
    %dma_wait3A_99 = tpu.memref_slice %arg6[%dma_wait3A_97, %dma_wait3A_98] : memref<10240x8xf32, #tpu.memory_space<vmem_shared>> -> memref<10240x8xf32, #tpu.memory_space<vmem_shared>>
    tpu.wait_indirect_dma semaphore(%arg13 : memref<!tpu.dma_semaphore, #tpu.memory_space<semaphore_mem>>) src(%dma_wait3A_99 : memref<10240x8xf32, #tpu.memory_space<vmem_shared>>) dst(%arg11 : memref<5000x8xf32, #tpu.memory_space<vmem>>)
    %dma_start3A_100 = arith.constant 1 : i32
    %dma_start3A_101 = arith.constant 0 : i32
    %dma_start3A_102 = tpu.memref_slice %arg9[%dma_start3A_100, %dma_start3A_101] : memref<2x5000xi32, #tpu.memory_space<vmem>> -> memref<1x5000xi32, #tpu.memory_space<vmem>>
    %dma_start3A_103 = tpu.memref_squeeze %dma_start3A_102 : memref<1x5000xi32, #tpu.memory_space<vmem>> -> memref<5000xi32, #tpu.memory_space<vmem>>
    %dma_start3A_104 = arith.constant 0 : i32
    %dma_start3A_105 = arith.constant 0 : i32
    %dma_start3A_106 = tpu.memref_slice %arg7[%dma_start3A_104, %dma_start3A_105] : memref<10240x8xf32, #tpu.memory_space<vmem_shared>> -> memref<10240x8xf32, #tpu.memory_space<vmem_shared>>
    tpu.enqueue_indirect_dma source(%arg11 : memref<5000x8xf32, #tpu.memory_space<vmem>>) target(%dma_start3A_106 : memref<10240x8xf32, #tpu.memory_space<vmem_shared>>) offsets(%dma_start3A_103 : memref<5000xi32, #tpu.memory_space<vmem>>) semaphore(%arg15 : memref<!tpu.dma_semaphore, #tpu.memory_space<semaphore_mem>>) {add = true}
    %dma_wait3A_107 = arith.constant 1 : i32
    %dma_wait3A_108 = arith.constant 0 : i32
    %dma_wait3A_109 = tpu.memref_slice %arg9[%dma_wait3A_107, %dma_wait3A_108] : memref<2x5000xi32, #tpu.memory_space<vmem>> -> memref<1x5000xi32, #tpu.memory_space<vmem>>
    %dma_wait3A_110 = tpu.memref_squeeze %dma_wait3A_109 : memref<1x5000xi32, #tpu.memory_space<vmem>> -> memref<5000xi32, #tpu.memory_space<vmem>>
    %dma_wait3A_111 = arith.constant 0 : i32
    %dma_wait3A_112 = arith.constant 0 : i32
    %dma_wait3A_113 = tpu.memref_slice %arg7[%dma_wait3A_111, %dma_wait3A_112] : memref<10240x8xf32, #tpu.memory_space<vmem_shared>> -> memref<10240x8xf32, #tpu.memory_space<vmem_shared>>
    tpu.wait_indirect_dma semaphore(%arg15 : memref<!tpu.dma_semaphore, #tpu.memory_space<semaphore_mem>>) src(%arg11 : memref<5000x8xf32, #tpu.memory_space<vmem>>) dst(%dma_wait3A_113 : memref<10240x8xf32, #tpu.memory_space<vmem_shared>>)
    %dma_wait3A_114 = arith.constant 1 : i32
    %dma_wait3A_115 = arith.constant 0 : i32
    %dma_wait3A_116 = tpu.memref_slice %arg8[%dma_wait3A_114, %dma_wait3A_115] : memref<2x5000xi32, #tpu.memory_space<vmem>> -> memref<1x5000xi32, #tpu.memory_space<vmem>>
    %dma_wait3A_117 = tpu.memref_squeeze %dma_wait3A_116 : memref<1x5000xi32, #tpu.memory_space<vmem>> -> memref<5000xi32, #tpu.memory_space<vmem>>
    %dma_wait3A_118 = arith.constant 0 : i32
    %dma_wait3A_119 = arith.constant 0 : i32
    %dma_wait3A_120 = tpu.memref_slice %arg7[%dma_wait3A_118, %dma_wait3A_119] : memref<10240x8xf32, #tpu.memory_space<vmem_shared>> -> memref<10240x8xf32, #tpu.memory_space<vmem_shared>>
    tpu.wait_indirect_dma semaphore(%arg14 : memref<!tpu.dma_semaphore, #tpu.memory_space<semaphore_mem>>) src(%arg10 : memref<5000x8xf32, #tpu.memory_space<vmem>>) dst(%dma_wait3A_120 : memref<10240x8xf32, #tpu.memory_space<vmem_shared>>)
    %barrier3A_121 = arith.constant 0 : index
    tpu.barrier barrier_id(%barrier3A_121)
    "tpu.region"() ({
      %run_scoped3A = tpu.sem_alloc : memref<!tpu.dma_semaphore, #tpu.memory_space<semaphore_mem>>
      %dma_start3A_122 = arith.constant 0 : i32
      %dma_start3A_123 = tpu.memref_slice %arg5[%arg0, %mul3A_2, %dma_start3A_122] : memref<2x10240x8xf32, #tpu.memory_space<hbm>> -> memref<1x640x8xf32, #tpu.memory_space<hbm>>
      %dma_start3A_124 = tpu.memref_squeeze %dma_start3A_123 : memref<1x640x8xf32, #tpu.memory_space<hbm>> -> memref<640x8xf32, #tpu.memory_space<hbm>>
      %dma_start3A_125 = arith.constant 0 : i32
      %dma_start3A_126 = tpu.memref_slice %arg7[%mul3A_2, %dma_start3A_125] : memref<10240x8xf32, #tpu.memory_space<vmem_shared>> -> memref<640x8xf32, #tpu.memory_space<vmem_shared>>
      tpu.enqueue_dma source(%dma_start3A_126 : memref<640x8xf32, #tpu.memory_space<vmem_shared>>) target(%dma_start3A_124 : memref<640x8xf32, #tpu.memory_space<hbm>>) target_semaphore(%run_scoped3A : memref<!tpu.dma_semaphore, #tpu.memory_space<semaphore_mem>>)
      %dma_wait3A_127 = arith.constant 0 : i32
      %dma_wait3A_128 = tpu.memref_slice %arg5[%arg0, %mul3A_2, %dma_wait3A_127] : memref<2x10240x8xf32, #tpu.memory_space<hbm>> -> memref<1x640x8xf32, #tpu.memory_space<hbm>>
      %dma_wait3A_129 = tpu.memref_squeeze %dma_wait3A_128 : memref<1x640x8xf32, #tpu.memory_space<hbm>> -> memref<640x8xf32, #tpu.memory_space<hbm>>
      %dma_wait3A_130 = arith.constant 0 : i32
      %dma_wait3A_131 = tpu.memref_slice %arg7[%mul3A_2, %dma_wait3A_130] : memref<10240x8xf32, #tpu.memory_space<vmem_shared>> -> memref<640x8xf32, #tpu.memory_space<vmem_shared>>
      tpu.wait_dma2 semaphore(%run_scoped3A : memref<!tpu.dma_semaphore, #tpu.memory_space<semaphore_mem>>) src(%dma_wait3A_131 : memref<640x8xf32, #tpu.memory_space<vmem_shared>>) dst(%dma_wait3A_129 : memref<640x8xf32, #tpu.memory_space<hbm>>)
      tpu.yield
    }) : () -> ()
    return
  }
}

module attributes {stable_mosaic.version = 14 : i64} {
  func.func @_tc1_body(%arg0: memref<10000x128xf32, #tpu.memory_space<vmem>>, %arg1: memref<128x16xf32, #tpu.memory_space<vmem>>, %arg2: memref<2x10240x8xf32, #tpu.memory_space<vmem>>, %arg3: memref<10240x16xf32, #tpu.memory_space<vmem>>, %arg4: memref<10240x16xf32, #tpu.memory_space<vmem>>) attributes {dimension_semantics = [], scalar_prefetch = 0 : i64, scratch_operands = 0 : i64, tpu.core_type = #tpu.core_type<tc>} {
    %get3A = arith.constant 0 : index
    %get3A_0 = arith.constant 0 : index
    %get3A_1 = arith.constant 0 : index
    %get3A_2 = vector.load %arg2[%get3A, %get3A_0, %get3A_1] : memref<2x10240x8xf32, #tpu.memory_space<vmem>>, vector<1x10240x8xf32>
    %get3A_3 = vector.shape_cast %get3A_2 : vector<1x10240x8xf32> to vector<10240x8xf32>
    %get3A_4 = arith.constant 1 : index
    %get3A_5 = arith.constant 0 : index
    %get3A_6 = arith.constant 0 : index
    %get3A_7 = vector.load %arg2[%get3A_4, %get3A_5, %get3A_6] : memref<2x10240x8xf32, #tpu.memory_space<vmem>>, vector<1x10240x8xf32>
    %get3A_8 = vector.shape_cast %get3A_7 : vector<1x10240x8xf32> to vector<10240x8xf32>
    %add3A = arith.addf %get3A_3, %get3A_8 : vector<10240x8xf32>
    %add3A_9 = arith.constant 1.000000e+00 : f32
    %add3A_10 = vector.broadcast %add3A_9 : f32 to vector<10240x8xf32>
    %add3A_11 = arith.addf %add3A, %add3A_10 : vector<10240x8xf32>
    %rsqrt3A = math.rsqrt %add3A_11 : vector<10240x8xf32>
    %concatenate3A = tpu.concatenate %rsqrt3A, %rsqrt3A in 1 : vector<10240x8xf32>, vector<10240x8xf32> -> vector<10240x16xf32>
    %get3A_12 = arith.constant 0 : index
    %get3A_13 = arith.constant 0 : index
    %get3A_14 = vector.load %arg0[%get3A_12, %get3A_13] : memref<10000x128xf32, #tpu.memory_space<vmem>>, vector<10000x128xf32>
    %get3A_15 = arith.constant 0 : index
    %get3A_16 = arith.constant 0 : index
    %get3A_17 = vector.load %arg1[%get3A_15, %get3A_16] : memref<128x16xf32, #tpu.memory_space<vmem>>, vector<128x16xf32>
    %dot_general3A = arith.constant dense<0.000000e+00> : vector<10000x16xf32>
    %dot_general3A_18 = tpu.matmul %get3A_14, %get3A_17, %dot_general3A {dimension_numbers = #tpu.dot_dimension_numbers<[1], [0], [0], [1], [0, 0, 1, 1], [], []>, transpose_lhs_hint = false} : vector<10000x128xf32>, vector<128x16xf32>, vector<10000x16xf32> -> vector<10000x16xf32>
    %slice3A = vector.extract_strided_slice %concatenate3A {offsets = [0, 0], sizes = [10000, 16], strides = [1, 1]} : vector<10240x16xf32> to vector<10000x16xf32>
    %mul3A = arith.mulf %slice3A, %dot_general3A_18 : vector<10000x16xf32>
    %swap3A = arith.constant 0 : index
    %swap3A_19 = arith.constant 0 : index
    %swap3A_20 = vector.load %arg3[%swap3A, %swap3A_19] : memref<10240x16xf32, #tpu.memory_space<vmem>>, vector<10000x16xf32>
    tpu.vector_store %arg3[%swap3A, %swap3A_19], %mul3A {strides = array<i32>} : memref<10240x16xf32, #tpu.memory_space<vmem>>, vector<10000x16xf32>,
    %broadcast_in_dim3A = arith.constant 0.000000e+00 : f32
    %broadcast_in_dim3A_21 = vector.broadcast %broadcast_in_dim3A : f32 to vector<240x16xf32>
    %swap3A_22 = arith.constant 10000 : index
    %swap3A_23 = arith.constant 0 : index
    %swap3A_24 = vector.load %arg3[%swap3A_22, %swap3A_23] : memref<10240x16xf32, #tpu.memory_space<vmem>>, vector<240x16xf32>
    tpu.vector_store %arg3[%swap3A_22, %swap3A_23], %broadcast_in_dim3A_21 {strides = array<i32>} : memref<10240x16xf32, #tpu.memory_space<vmem>>, vector<240x16xf32>,
    %swap3A_25 = arith.constant 0 : index
    %swap3A_26 = arith.constant 0 : index
    %swap3A_27 = vector.load %arg4[%swap3A_25, %swap3A_26] : memref<10240x16xf32, #tpu.memory_space<vmem>>, vector<10240x16xf32>
    tpu.vector_store %arg4[%swap3A_25, %swap3A_26], %concatenate3A {strides = array<i32>} : memref<10240x16xf32, #tpu.memory_space<vmem>>, vector<10240x16xf32>,
    return
  }
}

module attributes {stable_mosaic.version = 14 : i64} {
  func.func @_tc2_body(%arg0: memref<2x10240x16xf32, #tpu.memory_space<vmem>>, %arg1: memref<10240x16xf32, #tpu.memory_space<vmem>>, %arg2: memref<10240x16xf32, #tpu.memory_space<vmem>>, %arg3: memref<1x16xf32, #tpu.memory_space<vmem>>, %arg4: memref<16x8xf32, #tpu.memory_space<vmem>>, %arg5: memref<10240x8xf32, #tpu.memory_space<vmem>>) attributes {dimension_semantics = [], scalar_prefetch = 0 : i64, scratch_operands = 0 : i64, tpu.core_type = #tpu.core_type<tc>} {
    %get3A = arith.constant 0 : index
    %get3A_0 = arith.constant 0 : index
    %get3A_1 = arith.constant 0 : index
    %get3A_2 = vector.load %arg0[%get3A, %get3A_0, %get3A_1] : memref<2x10240x16xf32, #tpu.memory_space<vmem>>, vector<1x10240x16xf32>
    %get3A_3 = vector.shape_cast %get3A_2 : vector<1x10240x16xf32> to vector<10240x16xf32>
    %get3A_4 = arith.constant 1 : index
    %get3A_5 = arith.constant 0 : index
    %get3A_6 = arith.constant 0 : index
    %get3A_7 = vector.load %arg0[%get3A_4, %get3A_5, %get3A_6] : memref<2x10240x16xf32, #tpu.memory_space<vmem>>, vector<1x10240x16xf32>
    %get3A_8 = vector.shape_cast %get3A_7 : vector<1x10240x16xf32> to vector<10240x16xf32>
    %add3A = arith.addf %get3A_3, %get3A_8 : vector<10240x16xf32>
    %get3A_9 = arith.constant 0 : index
    %get3A_10 = arith.constant 0 : index
    %get3A_11 = vector.load %arg1[%get3A_9, %get3A_10] : memref<10240x16xf32, #tpu.memory_space<vmem>>, vector<10240x16xf32>
    %add3A_12 = arith.addf %add3A, %get3A_11 : vector<10240x16xf32>
    %get3A_13 = arith.constant 0 : index
    %get3A_14 = arith.constant 0 : index
    %get3A_15 = vector.load %arg2[%get3A_13, %get3A_14] : memref<10240x16xf32, #tpu.memory_space<vmem>>, vector<10240x16xf32>
    %mul3A = arith.mulf %get3A_15, %add3A_12 : vector<10240x16xf32>
    %get3A_16 = arith.constant 0 : index
    %get3A_17 = arith.constant 0 : index
    %get3A_18 = vector.load %arg3[%get3A_16, %get3A_17] : memref<1x16xf32, #tpu.memory_space<vmem>>, vector<1x16xf32>
    %add3A_19 = vector.broadcast %get3A_18 : vector<1x16xf32> to vector<10240x16xf32>
    %add3A_20 = arith.addf %mul3A, %add3A_19 : vector<10240x16xf32>
    %max3A = arith.constant 0.000000e+00 : f32
    %max3A_21 = vector.broadcast %max3A : f32 to vector<10240x16xf32>
    %max3A_22 = arith.maximumf %add3A_20, %max3A_21 : vector<10240x16xf32>
    %get3A_23 = arith.constant 0 : index
    %get3A_24 = arith.constant 0 : index
    %get3A_25 = vector.load %arg4[%get3A_23, %get3A_24] : memref<16x8xf32, #tpu.memory_space<vmem>>, vector<16x8xf32>
    %dot_general3A = arith.constant dense<0.000000e+00> : vector<10240x8xf32>
    %dot_general3A_26 = tpu.matmul %max3A_22, %get3A_25, %dot_general3A {dimension_numbers = #tpu.dot_dimension_numbers<[1], [0], [0], [1], [0, 0, 1, 1], [], []>, transpose_lhs_hint = false} : vector<10240x16xf32>, vector<16x8xf32>, vector<10240x8xf32> -> vector<10240x8xf32>
    %get3A_27 = arith.constant 0 : index
    %get3A_28 = arith.constant 0 : index
    %get3A_29 = vector.load %arg2[%get3A_27, %get3A_28] : memref<10240x16xf32, #tpu.memory_space<vmem>>, vector<10240x8xf32>
    %mul3A_30 = arith.mulf %get3A_29, %dot_general3A_26 : vector<10240x8xf32>
    %swap3A = arith.constant 0 : index
    %swap3A_31 = arith.constant 0 : index
    %swap3A_32 = vector.load %arg5[%swap3A, %swap3A_31] : memref<10240x8xf32, #tpu.memory_space<vmem>>, vector<10240x8xf32>
    tpu.vector_store %arg5[%swap3A, %swap3A_31], %mul3A_30 {strides = array<i32>} : memref<10240x8xf32, #tpu.memory_space<vmem>>, vector<10240x8xf32>,
    return
  }
}

module attributes {stable_mosaic.version = 14 : i64} {
  func.func @_tc3_body(%arg0: memref<2x10240x8xf32, #tpu.memory_space<vmem>>, %arg1: memref<10240x8xf32, #tpu.memory_space<vmem>>, %arg2: memref<10240x16xf32, #tpu.memory_space<vmem>>, %arg3: memref<1x8xf32, #tpu.memory_space<vmem>>, %arg4: memref<2x10240x8xf32, #tpu.memory_space<vmem>>, %arg5: memref<1x2xf32, #tpu.memory_space<vmem>>, %arg6: memref<1x2xf32, #tpu.memory_space<vmem>>) attributes {dimension_semantics = [], scalar_prefetch = 0 : i64, scratch_operands = 0 : i64, tpu.core_type = #tpu.core_type<tc>} {
    %get3A = arith.constant 0 : index
    %get3A_0 = arith.constant 0 : index
    %get3A_1 = arith.constant 0 : index
    %get3A_2 = vector.load %arg0[%get3A, %get3A_0, %get3A_1] : memref<2x10240x8xf32, #tpu.memory_space<vmem>>, vector<1x10240x8xf32>
    %get3A_3 = vector.shape_cast %get3A_2 : vector<1x10240x8xf32> to vector<10240x8xf32>
    %get3A_4 = arith.constant 1 : index
    %get3A_5 = arith.constant 0 : index
    %get3A_6 = arith.constant 0 : index
    %get3A_7 = vector.load %arg0[%get3A_4, %get3A_5, %get3A_6] : memref<2x10240x8xf32, #tpu.memory_space<vmem>>, vector<1x10240x8xf32>
    %get3A_8 = vector.shape_cast %get3A_7 : vector<1x10240x8xf32> to vector<10240x8xf32>
    %add3A = arith.addf %get3A_3, %get3A_8 : vector<10240x8xf32>
    %get3A_9 = arith.constant 0 : index
    %get3A_10 = arith.constant 0 : index
    %get3A_11 = vector.load %arg1[%get3A_9, %get3A_10] : memref<10240x8xf32, #tpu.memory_space<vmem>>, vector<10240x8xf32>
    %add3A_12 = arith.addf %add3A, %get3A_11 : vector<10240x8xf32>
    %get3A_13 = arith.constant 0 : index
    %get3A_14 = arith.constant 0 : index
    %get3A_15 = vector.load %arg2[%get3A_13, %get3A_14] : memref<10240x16xf32, #tpu.memory_space<vmem>>, vector<10240x8xf32>
    %mul3A = arith.mulf %get3A_15, %add3A_12 : vector<10240x8xf32>
    %get3A_16 = arith.constant 0 : index
    %get3A_17 = arith.constant 0 : index
    %get3A_18 = vector.load %arg3[%get3A_16, %get3A_17] : memref<1x8xf32, #tpu.memory_space<vmem>>, vector<1x8xf32>
    %add3A_19 = vector.broadcast %get3A_18 : vector<1x8xf32> to vector<10240x8xf32>
    %add3A_20 = arith.addf %mul3A, %add3A_19 : vector<10240x8xf32>
    %max3A = arith.constant 0.000000e+00 : f32
    %max3A_21 = vector.broadcast %max3A : f32 to vector<10240x8xf32>
    %max3A_22 = arith.maximumf %add3A_20, %max3A_21 : vector<10240x8xf32>
    %broadcast_in_dim3A = vector.shape_cast %max3A_22 : vector<10240x8xf32> to vector<1x10240x8xf32>
    %get3A_23 = arith.constant 0 : index
    %get3A_24 = arith.constant 0 : index
    %get3A_25 = arith.constant 0 : index
    %get3A_26 = vector.load %arg4[%get3A_23, %get3A_24, %get3A_25] : memref<2x10240x8xf32, #tpu.memory_space<vmem>>, vector<2x10240x8xf32>
    %mul3A_27 = vector.broadcast %broadcast_in_dim3A : vector<1x10240x8xf32> to vector<2x10240x8xf32>
    %mul3A_28 = arith.mulf %mul3A_27, %get3A_26 : vector<2x10240x8xf32>
    %reduce_sum3A = arith.constant dense<0.000000e+00> : vector<2xf32>
    %reduce_sum3A_29 = vector.multi_reduction <add>, %mul3A_28, %reduce_sum3A [1, 2] : vector<2x10240x8xf32> to vector<2xf32>
    %reshape3A = vector.shape_cast %reduce_sum3A_29 : vector<2xf32> to vector<1x2xf32>
    %get3A_30 = arith.constant 0 : index
    %get3A_31 = arith.constant 0 : index
    %get3A_32 = vector.load %arg5[%get3A_30, %get3A_31] : memref<1x2xf32, #tpu.memory_space<vmem>>, vector<1x2xf32>
    %add3A_33 = arith.addf %reshape3A, %get3A_32 : vector<1x2xf32>
    %swap3A = arith.constant 0 : index
    %swap3A_34 = arith.constant 0 : index
    %swap3A_35 = vector.load %arg6[%swap3A, %swap3A_34] : memref<1x2xf32, #tpu.memory_space<vmem>>, vector<1x2xf32>
    tpu.vector_store %arg6[%swap3A, %swap3A_34], %add3A_33 {strides = array<i32>} : memref<1x2xf32, #tpu.memory_space<vmem>>, vector<1x2xf32>,
    return
  }
}

</mosaic_0001>

<sc_bundles>
// kernel: kernel.11.cloned.1.call-start
scs
__scs_entry_jumppad:
0x0: {  	(pc) =	sbr.rel $0x88, $3  }
0x1: {  	(tag) =	ssettag $0x0;
	lr =	simm.s32 $0x1  }
0x2: {  	[smem:$0x3F99] =	sst lr;
	_ =	strace $0xD0000000  }
0x3: {  	_ = 	snop  }
0x4: {  	_ = 	snop  }
0x5: {  	_ = 	snop  }
0x6: {  	_ = 	snop  }
0x7: {  	_ = 	snop  }
__scs_overlays_trampoline_lowered:
0x8: {  	[smem:$0x3FA8] =	sst s0  }
0x9: {  	[smem:$0x3FA9] =	sst s1  }
0xa: {  	[smem:$0x3FAA] =	sst s2  }
0xb: {  	[smem:$0x3FAB] =	sst s3  }
0xc: {  	[smem:$0x3FAC] =	sst s4  }
0xd: {  	[smem:$0x3FAD] =	sst s5  }
0xe: {  	[smem:$0x3FAE] =	sst s6  }
0xf: {  	[smem:$0x3FAF] =	sst s7  }
0x10: {  	[smem:$0x3FB0] =	sst s8  }
0x11: {  	[smem:$0x3FB1] =	sst s9;
	s0 =	simm.s32 @!p0 $0x0  }
0x12: {  	s1 =	sld [smem:$0x3F97];
	s0 =	simm.s32 @p0 $0x1  }
0x13: {  	[smem:$0x3FB2] =	sst s0;
	s0 =	simm.s32 @!p1 $0x0  }
0x14: {  	s2 =	sld [smem:$0x3F96];
	s0 =	simm.s32 @p1 $0x1  }
0x15: {  	[smem:$0x3FB3] =	sst s0;
	s0 =	simm.s32 @!p2 $0x0  }
0x16: {  	s3 =	sld [smem:$0x3FDB];
	s0 =	simm.s32 @p2 $0x1  }
0x17: {  	s4 =	simm.s32 $0x1BF5;
	[smem:$0x3FB5] =	sst s0  }
0x18: {  	s0 =	sld [smem:$0x3F98];
	_ =	swait.ge [sflag:s4], $0x0  }
0x19: {  	s7 =	sld [smem:$0x3F99]  }
0x1a: {  	s8 =	sadd.s32 $0xFFFFE003, lr  }
0x1b: {  	s9 =	sadd.s32 $0xFFFFFEF7, lr;
	s5 =	simm.s32 $0xFFFFFFFF;
	p2 =	slt.u32 s8, $0xFFFFF086  }
0x1c: {  	p1 =	slt.u32 s9, $0xF7A;
	s5 =	simm.s32 @!p2 $0x0  }
0x1d: {  	s5 =	simm.s32 @p1 $0x1;
	p0 =	seq.s32 s7, s2  }
0x1e: {  	s7 =	smul.u32 @!p0 $0xF7A, s2;
	p2 =	seq.s32 @!p0 s5, $0x0  }
0x1f: {  	s9 =	smul.u32 $0xF7A, s1;
	s8 =	simm.s32 @!p0 $0x1BF5;
	p2 =	por !p2, p0  }
0x20: {  	[sflag:s8] =	ssyncset.s32 @!p0 $0xFFFFF086;
	s6 =	sadd.s32 @!p0 s3, s7;
	s7 =	simm.s32 @!p0 $0x108  }
0x21: {  	s3 =	sadd.s32 s3, s9;
	s6 =	sadd.s32 @!p0 $0x88, s6;
	s7 =	simm.s32 @p2 $0x1082  }
0x22: {  	[simem:s7], [sflag:s8] =	dma.local @!p0 [hbm:s6], $0xF7A  }
0x23: {  	s9 =	sor.u32 $0xD0000000, s2;
	s6 =	simm.s32 $0x108;
	_ =	swait.ge @!p0 [sflag:s8], $0x0  }
0x24: {  	s3 =	sadd.s32 $0x88, s3;
	s6 =	simm.s32 @!p1 $0x1082;
	[sflag:s4] =	ssyncset.s32 $0xFFFFF086  }
0x25: {  	[simem:s6], [sflag:s4] =	dma.local [hbm:s3], $0xF7A  }
0x26: {  	[smem:$0x3F99] =	sst s1;
	(tag) =	ssettag s2;
	_ =	strace s9  }
0x27: {  	s1 =	sld [smem:$0x3FA9]  }
0x28: {  	s2 =	sld [smem:$0x3FAA]  }
0x29: {  	s4 =	sld [smem:$0x3FAC]  }
0x2a: {  	p0 =	seq.s32 s5, $0x0;
	s5 =	sld [smem:$0x3FAD]  }
0x2b: {  	s6 =	sld [smem:$0x3FAE]  }
0x2c: {  	s7 =	sld [smem:$0x3FAF]  }
0x2d: {  	s3 =	simm.s32 $0x108;
	s8 =	sld [smem:$0x3FB0]  }
0x2e: {  	s3 =	simm.s32 @!p0 $0x1082;
	s9 =	sld [smem:$0x3FB1]  }
0x2f: {  	lr =	sadd.s32 s0, s3;
	s0 =	sld [smem:$0x3FA8]  }
0x30: {  	s3 =	sld [smem:$0x3FAB]  }
0x31: {  	[smem:$0x3FB4] =	sst s10  }
0x32: {  	s10 =	sld [smem:$0x3FB2];
	_ =	sdelay $0x3  }
0x33: {  	p0 =	seq.s32 s10, $0x1;
	s10 =	sld [smem:$0x3FB4];
	_ =	sdelay $0x3  }
0x34: {  	[smem:$0x3FB4] =	sst s10  }
0x35: {  	s10 =	sld [smem:$0x3FB3];
	_ =	sdelay $0x3  }
0x36: {  	p1 =	seq.s32 s10, $0x1;
	s10 =	sld [smem:$0x3FB4];
	_ =	sdelay $0x3  }
0x37: {  	[smem:$0x3FB4] =	sst s10  }
0x38: {  	s10 =	sld [smem:$0x3FB5]  }
0x39: {  	_ = 	snop;
	(pc) =	sbr.ind lr, $3  }
0x3a: {  	_ = 	snop  }
0x3b: {  	_ = 	snop  }
0x3c: {  	p2 =	seq.s32 s10, $0x1;
	s10 =	sld [smem:$0x3FB4]  }
0x3d: {  	_ =	shalt  }
0x3e: {  	_ =	shalt  }
0x3f: {  	_ =	shalt  }
0x40: {  	_ =	shalt  }
0x41: {  	_ =	shalt  }
0x42: {  	_ =	shalt  }
0x43: {  	_ =	shalt  }
0x44: {  	_ =	shalt  }
0x45: {  	_ =	shalt  }
0x46: {  	_ =	shalt  }
0x47: {  	_ =	shalt  }
0x48: {  	_ =	shalt  }
0x49: {  	_ =	shalt  }
0x4a: {  	_ =	shalt  }
0x4b: {  	_ =	shalt  }
0x4c: {  	_ =	shalt  }
0x4d: {  	_ =	shalt  }
0x4e: {  	_ =	shalt  }
0x4f: {  	_ =	shalt  }
0x50: {  	_ =	shalt  }
0x51: {  	_ =	shalt  }
0x52: {  	_ =	shalt  }
0x53: {  	_ =	shalt  }
0x54: {  	_ =	shalt  }
0x55: {  	_ =	shalt  }
0x56: {  	_ =	shalt  }
0x57: {  	_ =	shalt  }
0x58: {  	_ =	shalt  }
0x59: {  	_ =	shalt  }
0x5a: {  	_ =	shalt  }
0x5b: {  	_ =	shalt  }
0x5c: {  	_ =	shalt  }
0x5d: {  	_ =	shalt  }
0x5e: {  	_ =	shalt  }
0x5f: {  	_ =	shalt  }
0x60: {  	_ =	shalt  }
0x61: {  	_ =	shalt  }
0x62: {  	_ =	shalt  }
0x63: {  	_ =	shalt  }
0x64: {  	_ =	shalt  }
0x65: {  	_ =	shalt  }
0x66: {  	_ =	shalt  }
0x67: {  	_ =	shalt  }
0x68: {  	_ =	shalt  }
0x69: {  	_ =	shalt  }
0x6a: {  	_ =	shalt  }
0x6b: {  	_ =	shalt  }
0x6c: {  	_ =	shalt  }
0x6d: {  	_ =	shalt  }
0x6e: {  	_ =	shalt  }
0x6f: {  	_ =	shalt  }
0x70: {  	_ =	shalt  }
0x71: {  	_ =	shalt  }
0x72: {  	_ =	shalt  }
0x73: {  	_ =	shalt  }
0x74: {  	_ =	shalt  }
0x75: {  	_ =	shalt  }
0x76: {  	_ =	shalt  }
0x77: {  	_ =	shalt  }
0x78: {  	_ =	shalt  }
0x79: {  	_ =	shalt  }
0x7a: {  	_ =	shalt  }
0x7b: {  	_ =	shalt  }
0x7c: {  	_ =	shalt  }
0x7d: {  	_ =	shalt  }
0x7e: {  	_ =	shalt  }
0x7f: {  	_ =	shalt  }
0x80: {  	_ =	shalt  }
0x81: {  	_ =	shalt  }
0x82: {  	_ =	shalt  }
0x83: {  	_ =	shalt  }
0x84: {  	_ =	shalt  }
0x85: {  	_ =	shalt  }
0x86: {  	_ =	shalt  }
0x87: {  	_ =	shalt  }
.Lfunc_end0:
.L_simem_size_0:
called_computation.1_lowered:
.L_overlay_start_0:
0x88: {  	s2 =	sld [smem:$0x3FD9]  }
0x89: {  	s3 =	sld [smem:$0x3FFE];
	_ =	sdelay $0x1  }
0x8a: {  	s1 =	srdreg.scid  }
0x8b: {  	s0 =	sand.u32 $0x1, s1  }
0x8c: {  	s16 =	sshll.u32 s0, $0xA;
	s2 =	sadd.s32 s3, s2  }
0x8d: {  	s2 =	sadd.s32 s2, s16  }
0x8e: {  	[smem:$0x3FC0] =	sst s2  }
0x8f: {  	_ = 	snop  }
0x90: {  	(tm) =	ssettm $0x1  }
0x91: {  	s17 =	sld [smem:$0x3FFB];
	_ =	sdelay $0x3  }
0x92: {  	_ =	strace s17  }
0x93: {  	s2 =	sld [smem:$0x3FFC];
	_ =	sdelay $0x3  }
0x94: {  	_ =	strace s2  }
0x95: {  	s2 =	sld [smem:$0x3FFD];
	_ =	sdelay $0x3  }
0x96: {  	_ =	strace s2  }
0x97: {  	_ =	strace $0x8FFFFFFF  }
0x98: {  	s18 =	sld [smem:$0x3FDB];
	_ =	sdelay $0x1  }
0x99: {  	s19 =	simm.s32 $_scs_section_size  }
0x9a: {  	s4 =	simm.s32 $_size__tile_overlayer_lowered;
	s5 =	simm.s32 $_tile_overlayer_lowered  }
0x9b: {  	s22 =	simm.s32 $0x1BFF;
	s21 =	sshll.u32 s5, $0x1;
	s2 =	sadd.s32 s19, s18  }
0x9c: {  	s6 =	simm.s32 $0x0;
	s20 =	sshll.u32 s4, $0x1;
	s4 =	sadd.s32 s21, s2  }
0x9d: {  	[timem:s6], [sflag:s22] =	dma.local [hbm:s4], s20  }
0x9e: {  	_ =	swait.ge [sflag:s22], s20  }
0x9f: {  	s3 =	ssub.s32 $0x0, s20;
	[sflag:s22] =	ssyncset.done $0x0  }
0xa0: {  	[sflag:s22] =	ssyncadd.s32 s3;
	_ =	sdelay $0x1  }
0xa1: {  	s23 =	simm.s32 $0x1B8B  }
0xa2: {  	_ =	swait.ge [sflag:s23], $0x1  }
0xa3: {  	[sflag:s23] =	ssyncset.done $0x0  }
0xa4: {  	s25 =	simm.s32 $0x1B8E;
	s24 =	sld [smem:$0x3FFE];
	[sflag:s23] =	ssyncadd.s32 $0xFFFFFFFF  }
0xa5: {  	s26 =	simm.s32 $execute0_lowered;
	[smem:$0x3FD2] =	sst s25  }
0xa6: {  	s4 =	sshll.u32 s26, $0x1;
	_ =	strace $0x80000049;
	[dreg:$0x1] =	wrdreg $0xFFFFFFFF  }
0xa7: {  	s28 =	simm.s32 $_size_execute0_lowered;
	s2 =	sadd.s32 s2, s4;
	[dreg:$0x0] =	wrdreg $0x0  }
0xa8: {  	s4 =	sshll.u32 s28, $0x1;
	[dreg:$0x2] =	wrdreg s2  }
0xa9: {  	[dreg:$0x3] =	wrdreg s4  }
0xaa: {  	[dreg:$0x4] =	wrdreg $0xC0  }
0xab: {  	_ =	task [dreg:s6], $0x5FFFF  }
0xac: {  	[dreg:$0x1] =	wrdreg $0xFFFFFFFF  }
0xad: {  	[dreg:$0x0] =	wrdreg $0x60  }
0xae: {  	[dreg:$0x2] =	wrdreg s24  }
0xaf: {  	[dreg:$0x3] =	wrdreg $0x28000  }
0xb0: {  	[dreg:$0x4] =	wrdreg $0x0  }
0xb1: {  	[dreg:$0x5] =	wrdreg $0x9  }
0xb2: {  	_ =	task.clear_ibuf [dreg:s6], $0x6FFFF;
	_ =	strace $0x90000049  }
0xb3: {  	s29 =	simm.s32 $0x9;
	_ =	strace $0x8000004B  }
0xb4: {  	_ =	swait.ge [sflag:s29], $0x1  }
0xb5: {  	[sflag:s29] =	ssyncadd.s32 $0xFFFFFFFF  }
0xb6: {  	_ =	strace $0x9000004B  }
0xb7: {  	_ =	sfence  }
0xb8: {  	s30 =	sld [smem:$0x0];
	_ =	sdelay $0x2  }
0xb9: {  	s31 =	sshll.u32 s1, $0xD;
	s1 =	sshrl.u32 s1, $0x2  }
0xba: {  	s3 =	sand.u32 $0x4000, s31;
	s1 =	sadd.s32 s1, s30  }
0xbb: {  	s0 =	sor.u32 s3, s0;
	s1 =	sshll.u32 s1, $0x11  }
0xbc: {  	s0 =	sor.u32 s1, s0  }
0xbd: {  	s0 =	sadd.s32 $0x8F2B, s0  }
0xbe: {  	[sflag:s0] =	ssyncadd.remote.s32 $0x1  }
0xbf: {  	_ =	sfence.sel $0xFFFF  }
0xc0: {  	[dreg:$0x0] =	wrdreg $0xFFFFFFFF;
	(pc) =	sbr.abs _section_cstart, $3  }
0xc1: {  	[dreg:$0x1] =	wrdreg $0xFFFFFFFF  }
0xc2: {  	_ =	task.clear_ibuf [dreg:s6], $0x2FFFF;
	_ =	strace $0x9FFFFFFF  }
0xc3: {  	(tm) =	ssettm $0x7FFFFFFF  }
tec
execute0_lowered:
.L_overlay_start_1:
0x0: {  	(tag) =	ssettag $0x1  }
0x1: {  	s11 =	rddreg [dreg:$0x0];
	s9 =	stileid.u32  }
0x2: {  	s2 =	rddreg [dreg:$0x1];
	s31 =	smul.u32 $0x2800, s9  }
0x3: {  	s3 =	rddreg [dreg:$0x2]  }
0x4: {  	s0 =	simm.s32 $0x0;
	s7 =	srdreg.scid;
	s4 =	sshrl.u32 s31, $0x3  }
0x5: {  	[smem:$0x7FF] =	sst s0;
	s24 =	sshll.u32 s9, $0x6;
	s23 =	sadd.s32 s4, s11  }
0x6: {  	s1 =	sand.u32 $0x1, s7;
	_ =	strace $0x8000004A;
	s4 =	sadd.s32 $0x31C00, s23  }
0x7: {  	s5 =	sadd.s32 s31, s2;
	s0 =	sadd.s32 $0x2CC00, s23;
	[dreg:$0x4] =	wrdreg s4  }
0x8: {  	s7 =	sshll.u32 s1, $0x4;
	s6 =	sshrl.u32 s5, $0x3;
	[dreg:$0x5] =	wrdreg s0  }
0x9: {  	s5 =	simm.s32 $0x5;
	s4 =	sor.u32 $0x1C05, s24;
	s8 =	rddreg [dreg:$0x4]  }
0xa: {  	[spmem:s6], [sflag:s4] =	dma.local [hbm:s8], $0x500  }
0xb: {  	s7 =	sor.u32 s9, s7;
	_ =	swait.ge [sflag:s5], $0x500  }
0xc: {  	s26 =	sadd.s32 s31, s3;
	s10 =	smul.u32 $0x4E20, s7;
	[sflag:s5] =	ssyncset.done $0x0  }
0xd: {  	s7 =	sshrl.u32 s26, $0x3;
	s25 =	rddreg [dreg:$0x5];
	[sflag:s5] =	ssyncadd.s32 $0xFFFFFB00  }
0xe: {  	[spmem:s7], [sflag:s4] =	dma.local [hbm:s25], $0x500  }
0xf: {  	_ =	swait.ge [sflag:s5], $0x500  }
0x10: {  	s9 =	simm.s32 $0x7D0;
	s0 =	sshrl.u32 s10, $0x3;
	[sflag:s5] =	ssyncset.done $0x0  }
0x11: {  	s10 =	simm.s32 $0x9C400;
	s30 =	sadd.s32 s0, s11;
	[sflag:s5] =	ssyncadd.s32 $0xFFFFFB00  }
0x12: {  	s11 =	simm.s32 $0x5000;
	s8 =	sadd.s32 $0x2200, s30;
	[bflag:$0x0] =	sbarrier.arrive $0xFFFF  }
0x13: {  	[tilespmem:s11], [sflag:$0x5] =	stream.strided.gather [hbm4b:s8+s9], $0xFA0, s10, s9, $0x38;
	[tilespmem:$0x16940] =	vst v63  }
0x14: {  	_ =	swait.ge [sflag:s5], $0xFA0  }
0x15: {  	[sflag:s5] =	ssyncset.done $0x0  }
0x16: {  	s12 =	simm.s32 $0x6F40;
	[sflag:s5] =	ssyncadd.s32 $0xFFFFF060  }
0x17: {  	[tilespmem:s12], [sflag:$0x1] =	stream.indirect.gather [spmem:s3], $0x10, s11, s9, $0xb8;
	[tilespmem:$0x16940] =	vst v63  }
0x18: {  	s14 =	simm.s32 $0x5FA0;
	s13 =	sadd.s32 $0x22FA, s30  }
0x19: {  	[tilespmem:s14], [sflag:$0x5] =	stream.strided.gather [hbm4b:s13+s9], $0xFA0, s10, s9, $0x38;
	[tilespmem:$0x16940] =	vst v63  }
0x1a: {  	_ =	swait.ge [sflag:s5], $0xFA0  }
0x1b: {  	[sflag:s5] =	ssyncset.done $0x0  }
0x1c: {  	s15 =	simm.s32 $0x1;
	[sflag:s5] =	ssyncadd.s32 $0xFFFFF060  }
0x1d: {  	_ =	swait.ge [sflag:s15], $0x7D00  }
0x1e: {  	[sflag:s15] =	ssyncset.done $0x0  }
0x1f: {  	s16 =	simm.s32 $0xEC40;
	[sflag:s15] =	ssyncadd.s32 $0xFFFF8300  }
0x20: {  	[tilespmem:s16], [sflag:$0x2] =	stream.indirect.gather [spmem:s3], $0x10, s14, s9, $0xb8;
	[tilespmem:$0x16940] =	vst v63  }
0x21: {  	s17 =	simm.s32 $0x57D0;
	s18 =	simm.s32 $0x3  }
0x22: {  	[spmem:s2] =	stream.indirect.scatter.add.f32 [tilespmem:s12], [sflag:$0x3], $0x10, s17, s9, $0xb8;
	[tilespmem:$0x16940] =	vst v63  }
0x23: {  	_ =	swait.ge [sflag:s18], $0x7D00  }
0x24: {  	[sflag:s18] =	ssyncset.done $0x0  }
0x25: {  	s19 =	sadd.s32 $0x23F4, s30;
	[sflag:s18] =	ssyncadd.s32 $0xFFFF8300  }
0x26: {  	[tilespmem:s11], [sflag:$0x5] =	stream.strided.gather [hbm4b:s19+s9], $0xFA0, s10, s9, $0x38;
	[tilespmem:$0x16940] =	vst v63  }
0x27: {  	_ =	swait.ge [sflag:s5], $0xFA0  }
0x28: {  	[sflag:s5] =	ssyncset.done $0x0  }
0x29: {  	s20 =	simm.s32 $0x2;
	[sflag:s5] =	ssyncadd.s32 $0xFFFFF060  }
0x2a: {  	_ =	swait.ge [sflag:s20], $0x7D00  }
0x2b: {  	[sflag:s20] =	ssyncset.done $0x0  }
0x2c: {  	[sflag:s20] =	ssyncadd.s32 $0xFFFF8300  }
0x2d: {  	[tilespmem:s12], [sflag:$0x1] =	stream.indirect.gather [spmem:s3], $0x10, s11, s9, $0xb8;
	[tilespmem:$0x16940] =	vst v63  }
0x2e: {  	s21 =	simm.s32 $0x6770;
	s22 =	simm.s32 $0x4  }
0x2f: {  	[spmem:s2] =	stream.indirect.scatter.add.f32 [tilespmem:s16], [sflag:$0x4], $0x10, s21, s9, $0xb8;
	[tilespmem:$0x16940] =	vst v63  }
0x30: {  	_ =	swait.ge [sflag:s22], $0x7D00  }
0x31: {  	[sflag:s22] =	ssyncset.done $0x0  }
0x32: {  	s23 =	sadd.s32 $0x24EE, s30;
	[sflag:s22] =	ssyncadd.s32 $0xFFFF8300  }
0x33: {  	[tilespmem:s14], [sflag:$0x5] =	stream.strided.gather [hbm4b:s23+s9], $0xFA0, s10, s9, $0x38;
	[tilespmem:$0x16940] =	vst v63  }
0x34: {  	_ =	swait.ge [sflag:s5], $0xFA0  }
0x35: {  	[sflag:s5] =	ssyncset.done $0x0  }
0x36: {  	[sflag:s5] =	ssyncadd.s32 $0xFFFFF060  }
0x37: {  	_ =	swait.ge [sflag:s15], $0x7D00  }
0x38: {  	[sflag:s15] =	ssyncset.done $0x0  }
0x39: {  	[sflag:s15] =	ssyncadd.s32 $0xFFFF8300  }
0x3a: {  	[tilespmem:s16], [sflag:$0x2] =	stream.indirect.gather [spmem:s3], $0x10, s14, s9, $0xb8;
	[tilespmem:$0x16940] =	vst v63  }
0x3b: {  	_ = 	snop  }
0x3c: {  	[spmem:s2] =	stream.indirect.scatter.add.f32 [tilespmem:s12], [sflag:$0x3], $0x10, s17, s9, $0xb8;
	[tilespmem:$0x16940] =	vst v63  }
0x3d: {  	_ =	swait.ge [sflag:s18], $0x7D00  }
0x3e: {  	[sflag:s18] =	ssyncset.done $0x0  }
0x3f: {  	s24 =	sadd.s32 $0x25E8, s30;
	[sflag:s18] =	ssyncadd.s32 $0xFFFF8300  }
0x40: {  	[tilespmem:s11], [sflag:$0x5] =	stream.strided.gather [hbm4b:s24+s9], $0xFA0, s10, s9, $0x38;
	[tilespmem:$0x16940] =	vst v63  }
0x41: {  	_ =	swait.ge [sflag:s5], $0xFA0  }
0x42: {  	[sflag:s5] =	ssyncset.done $0x0  }
0x43: {  	[sflag:s5] =	ssyncadd.s32 $0xFFFFF060  }
0x44: {  	_ =	swait.ge [sflag:s20], $0x7D00  }
0x45: {  	[sflag:s20] =	ssyncset.done $0x0  }
0x46: {  	[sflag:s20] =	ssyncadd.s32 $0xFFFF8300  }
0x47: {  	[tilespmem:s12], [sflag:$0x1] =	stream.indirect.gather [spmem:s3], $0x10, s11, s9, $0xb8;
	[tilespmem:$0x16940] =	vst v63  }
0x48: {  	_ = 	snop  }
0x49: {  	[spmem:s2] =	stream.indirect.scatter.add.f32 [tilespmem:s16], [sflag:$0x4], $0x10, s21, s9, $0xb8;
	[tilespmem:$0x16940] =	vst v63  }
0x4a: {  	_ =	swait.ge [sflag:s22], $0x7D00  }
0x4b: {  	[sflag:s22] =	ssyncset.done $0x0  }
0x4c: {  	s25 =	sadd.s32 $0x26E2, s30;
	[sflag:s22] =	ssyncadd.s32 $0xFFFF8300  }
0x4d: {  	[tilespmem:s14], [sflag:$0x5] =	stream.strided.gather [hbm4b:s25+s9], $0xFA0, s10, s9, $0x38;
	[tilespmem:$0x16940] =	vst v63  }
0x4e: {  	_ =	swait.ge [sflag:s5], $0xFA0  }
0x4f: {  	[sflag:s5] =	ssyncset.done $0x0  }
0x50: {  	[sflag:s5] =	ssyncadd.s32 $0xFFFFF060  }
0x51: {  	_ =	swait.ge [sflag:s15], $0x7D00  }
0x52: {  	[sflag:s15] =	ssyncset.done $0x0  }
0x53: {  	[sflag:s15] =	ssyncadd.s32 $0xFFFF8300  }
0x54: {  	[tilespmem:s16], [sflag:$0x2] =	stream.indirect.gather [spmem:s3], $0x10, s14, s9, $0xb8;
	[tilespmem:$0x16940] =	vst v63  }
0x55: {  	_ = 	snop  }
0x56: {  	[spmem:s2] =	stream.indirect.scatter.add.f32 [tilespmem:s12], [sflag:$0x3], $0x10, s17, s9, $0xb8;
	[tilespmem:$0x16940] =	vst v63  }
0x57: {  	_ =	swait.ge [sflag:s18], $0x7D00  }
0x58: {  	[sflag:s18] =	ssyncset.done $0x0  }
0x59: {  	s26 =	sadd.s32 $0x27DC, s30;
	[sflag:s18] =	ssyncadd.s32 $0xFFFF8300  }
0x5a: {  	[tilespmem:s11], [sflag:$0x5] =	stream.strided.gather [hbm4b:s26+s9], $0xFA0, s10, s9, $0x38;
	[tilespmem:$0x16940] =	vst v63  }
0x5b: {  	_ =	swait.ge [sflag:s5], $0xFA0  }
0x5c: {  	[sflag:s5] =	ssyncset.done $0x0  }
0x5d: {  	[sflag:s5] =	ssyncadd.s32 $0xFFFFF060  }
0x5e: {  	_ =	swait.ge [sflag:s20], $0x7D00  }
0x5f: {  	[sflag:s20] =	ssyncset.done $0x0  }
0x60: {  	[sflag:s20] =	ssyncadd.s32 $0xFFFF8300  }
0x61: {  	[tilespmem:s12], [sflag:$0x1] =	stream.indirect.gather [spmem:s3], $0x10, s11, s9, $0xb8;
	[tilespmem:$0x16940] =	vst v63  }
0x62: {  	_ = 	snop  }
0x63: {  	[spmem:s2] =	stream.indirect.scatter.add.f32 [tilespmem:s16], [sflag:$0x4], $0x10, s21, s9, $0xb8;
	[tilespmem:$0x16940] =	vst v63  }
0x64: {  	_ =	swait.ge [sflag:s22], $0x7D00  }
0x65: {  	[sflag:s22] =	ssyncset.done $0x0  }
0x66: {  	s28 =	sadd.s32 $0x28D6, s30;
	[sflag:s22] =	ssyncadd.s32 $0xFFFF8300  }
0x67: {  	[tilespmem:s14], [sflag:$0x5] =	stream.strided.gather [hbm4b:s28+s9], $0xFA0, s10, s9, $0x38;
	[tilespmem:$0x16940] =	vst v63  }
0x68: {  	_ =	swait.ge [sflag:s5], $0xFA0  }
0x69: {  	[sflag:s5] =	ssyncset.done $0x0  }
0x6a: {  	[sflag:s5] =	ssyncadd.s32 $0xFFFFF060  }
0x6b: {  	_ =	swait.ge [sflag:s15], $0x7D00  }
0x6c: {  	[sflag:s15] =	ssyncset.done $0x0  }
0x6d: {  	[sflag:s15] =	ssyncadd.s32 $0xFFFF8300  }
0x6e: {  	[tilespmem:s16], [sflag:$0x2] =	stream.indirect.gather [spmem:s3], $0x10, s14, s9, $0xb8;
	[tilespmem:$0x16940] =	vst v63  }
0x6f: {  	_ = 	snop  }
0x70: {  	[spmem:s2] =	stream.indirect.scatter.add.f32 [tilespmem:s12], [sflag:$0x3], $0x10, s17, s9, $0xb8;
	[tilespmem:$0x16940] =	vst v63  }
0x71: {  	_ =	swait.ge [sflag:s18], $0x7D00  }
0x72: {  	[sflag:s18] =	ssyncset.done $0x0  }
0x73: {  	s29 =	sadd.s32 $0x29D0, s30;
	[sflag:s18] =	ssyncadd.s32 $0xFFFF8300  }
0x74: {  	[tilespmem:s11], [sflag:$0x5] =	stream.strided.gather [hbm4b:s29+s9], $0xFA0, s10, s9, $0x38;
	[tilespmem:$0x16940] =	vst v63  }
0x75: {  	_ =	swait.ge [sflag:s5], $0xFA0  }
0x76: {  	[sflag:s5] =	ssyncset.done $0x0  }
0x77: {  	[sflag:s5] =	ssyncadd.s32 $0xFFFFF060  }
0x78: {  	_ =	swait.ge [sflag:s20], $0x7D00  }
0x79: {  	[sflag:s20] =	ssyncset.done $0x0  }
0x7a: {  	[sflag:s20] =	ssyncadd.s32 $0xFFFF8300  }
0x7b: {  	[tilespmem:s12], [sflag:$0x1] =	stream.indirect.gather [spmem:s3], $0x10, s11, s9, $0xb8;
	[tilespmem:$0x16940] =	vst v63  }
0x7c: {  	_ = 	snop  }
0x7d: {  	[spmem:s2] =	stream.indirect.scatter.add.f32 [tilespmem:s16], [sflag:$0x4], $0x10, s21, s9, $0xb8;
	[tilespmem:$0x16940] =	vst v63  }
0x7e: {  	_ =	swait.ge [sflag:s22], $0x7D00  }
0x7f: {  	[sflag:s22] =	ssyncset.done $0x0  }
0x80: {  	s30 =	sadd.s32 $0x2ACA, s30;
	[sflag:s22] =	ssyncadd.s32 $0xFFFF8300  }
0x81: {  	[tilespmem:s14], [sflag:$0x5] =	stream.strided.gather [hbm4b:s30+s9], $0xFA0, s10, s9, $0x38;
	[tilespmem:$0x16940] =	vst v63  }
0x82: {  	_ =	swait.ge [sflag:s5], $0xFA0  }
0x83: {  	[sflag:s5] =	ssyncset.done $0x0  }
0x84: {  	[sflag:s5] =	ssyncadd.s32 $0xFFFFF060  }
0x85: {  	_ =	swait.ge [sflag:s15], $0x7D00  }
0x86: {  	[sflag:s15] =	ssyncset.done $0x0  }
0x87: {  	[sflag:s15] =	ssyncadd.s32 $0xFFFF8300  }
0x88: {  	[tilespmem:s16], [sflag:$0x2] =	stream.indirect.gather [spmem:s3], $0x10, s14, s9, $0xb8;
	[tilespmem:$0x16940] =	vst v63  }
0x89: {  	_ = 	snop  }
0x8a: {  	[spmem:s2] =	stream.indirect.scatter.add.f32 [tilespmem:s12], [sflag:$0x3], $0x10, s17, s9, $0xb8;
	[tilespmem:$0x16940] =	vst v63  }
0x8b: {  	_ =	swait.ge [sflag:s20], $0x7D00  }
0x8c: {  	[sflag:s20] =	ssyncset.done $0x0  }
0x8d: {  	s0 =	smul.u32 $0x28000, s1;
	[sflag:s20] =	ssyncadd.s32 $0xFFFF8300  }
0x8e: {  	[spmem:s2] =	stream.indirect.scatter.add.f32 [tilespmem:s16], [sflag:$0x4], $0x10, s21, s9, $0xb8;
	[tilespmem:$0x16940] =	vst v63  }
0x8f: {  	_ =	swait.ge [sflag:s22], $0x7D00  }
0x90: {  	s0 =	sadd.s32 s31, s0;
	[sflag:s22] =	ssyncset.done $0x0  }
0x91: {  	s1 =	ssub.s32 $0x2, s1;
	s0 =	sshrl.u32 s0, $0x3;
	[sflag:s22] =	ssyncadd.s32 $0xFFFF8300  }
0x92: {  	_ =	swait.ge [sflag:s18], $0x7D00;
	[dreg:$0x6] =	wrdreg s0;
	s0 =	sshrl.u32 s1, $0x1  }
0x93: {  	[dreg:$0x7] =	wrdreg s0  }
0x94: {  	[sflag:s18] =	ssyncset.done $0x0;
	s31 =	rddreg [dreg:$0x6]  }
0x95: {  	s0 =	rddreg [dreg:$0x0]  }
0x96: {  	s0 =	sadd.s32 s31, s0;
	s31 =	rddreg [dreg:$0x7]  }
0x97: {  	s1 =	ssub.s32 s1, s31  }
0x98: {  	s1 =	smax.u32 s1, $0x1  }
0x99: {  	p0 =	sne.s32 s1, $0x1  }
.Ltmp0:
0x9a: {  	_ = 	snop;
	(pc) =	sbr.rel @!p0 .LBB2_2-.Ltmp0, $4  }
0x9b: {  	[sflag:s18] =	ssyncadd.s32 $0xFFFF8300  }
0x9c: {  	[bflag:$0x0] =	sbarrier.arrive $0xFFFF;
	s31 =	sadd.s32 $0x36C00, s0  }
0x9d: {  	[hbm:s31], [sflag:s4] =	dma.local [spmem:s6], $0x500  }
0x9e: {  	s1 =	sadd.s32 $0xFFFFFFFF, s1;
	_ =	swait.ge [sflag:s5], $0x500  }
.LBB2_1:
0x9f: {  	[sflag:s5] =	ssyncset.done $0x0  }
0xa0: {  	s0 =	rddreg [dreg:$0x4];
	[sflag:s5] =	ssyncadd.s32 $0xFFFFFB00  }
0xa1: {  	[spmem:s6], [sflag:s4] =	dma.local [hbm:s0], $0x500  }
0xa2: {  	_ =	swait.ge [sflag:s5], $0x500  }
0xa3: {  	[sflag:s5] =	ssyncset.done $0x0  }
0xa4: {  	s0 =	rddreg [dreg:$0x5];
	[sflag:s5] =	ssyncadd.s32 $0xFFFFFB00  }
0xa5: {  	[spmem:s7], [sflag:s4] =	dma.local [hbm:s0], $0x500  }
0xa6: {  	_ =	swait.ge [sflag:s5], $0x500  }
0xa7: {  	[sflag:s5] =	ssyncset.done $0x0  }
0xa8: {  	[sflag:s5] =	ssyncadd.s32 $0xFFFFFB00  }
0xa9: {  	[bflag:$0x0] =	sbarrier.arrive $0xFFFF  }
0xaa: {  	[tilespmem:s11], [sflag:$0x5] =	stream.strided.gather [hbm4b:s8+s9], $0xFA0, s10, s9, $0x38;
	[tilespmem:$0x16940] =	vst v63  }
0xab: {  	_ =	swait.ge [sflag:s5], $0xFA0  }
0xac: {  	[sflag:s5] =	ssyncset.done $0x0  }
0xad: {  	[sflag:s5] =	ssyncadd.s32 $0xFFFFF060  }
0xae: {  	[tilespmem:s12], [sflag:$0x1] =	stream.indirect.gather [spmem:s3], $0x10, s11, s9, $0xb8;
	[tilespmem:$0x16940] =	vst v63  }
0xaf: {  	_ = 	snop  }
0xb0: {  	[tilespmem:s14], [sflag:$0x5] =	stream.strided.gather [hbm4b:s13+s9], $0xFA0, s10, s9, $0x38;
	[tilespmem:$0x16940] =	vst v63  }
0xb1: {  	_ =	swait.ge [sflag:s5], $0xFA0  }
0xb2: {  	[sflag:s5] =	ssyncset.done $0x0  }
0xb3: {  	[sflag:s5] =	ssyncadd.s32 $0xFFFFF060  }
0xb4: {  	_ =	swait.ge [sflag:s15], $0x7D00  }
0xb5: {  	[sflag:s15] =	ssyncset.done $0x0  }
0xb6: {  	[sflag:s15] =	ssyncadd.s32 $0xFFFF8300  }
0xb7: {  	[tilespmem:s16], [sflag:$0x2] =	stream.indirect.gather [spmem:s3], $0x10, s14, s9, $0xb8;
	[tilespmem:$0x16940] =	vst v63  }
0xb8: {  	_ = 	snop  }
0xb9: {  	[spmem:s2] =	stream.indirect.scatter.add.f32 [tilespmem:s12], [sflag:$0x3], $0x10, s17, s9, $0xb8;
	[tilespmem:$0x16940] =	vst v63  }
0xba: {  	_ =	swait.ge [sflag:s18], $0x7D00  }
0xbb: {  	[sflag:s18] =	ssyncset.done $0x0  }
0xbc: {  	[sflag:s18] =	ssyncadd.s32 $0xFFFF8300  }
0xbd: {  	[tilespmem:s11], [sflag:$0x5] =	stream.strided.gather [hbm4b:s19+s9], $0xFA0, s10, s9, $0x38;
	[tilespmem:$0x16940] =	vst v63  }
0xbe: {  	_ =	swait.ge [sflag:s5], $0xFA0  }
0xbf: {  	[sflag:s5] =	ssyncset.done $0x0  }
0xc0: {  	[sflag:s5] =	ssyncadd.s32 $0xFFFFF060  }
0xc1: {  	_ =	swait.ge [sflag:s20], $0x7D00  }
0xc2: {  	[sflag:s20] =	ssyncset.done $0x0  }
0xc3: {  	[sflag:s20] =	ssyncadd.s32 $0xFFFF8300  }
0xc4: {  	[tilespmem:s12], [sflag:$0x1] =	stream.indirect.gather [spmem:s3], $0x10, s11, s9, $0xb8;
	[tilespmem:$0x16940] =	vst v63  }
0xc5: {  	_ = 	snop  }
0xc6: {  	[spmem:s2] =	stream.indirect.scatter.add.f32 [tilespmem:s16], [sflag:$0x4], $0x10, s21, s9, $0xb8;
	[tilespmem:$0x16940] =	vst v63  }
0xc7: {  	_ =	swait.ge [sflag:s22], $0x7D00  }
0xc8: {  	[sflag:s22] =	ssyncset.done $0x0  }
0xc9: {  	[sflag:s22] =	ssyncadd.s32 $0xFFFF8300  }
0xca: {  	[tilespmem:s14], [sflag:$0x5] =	stream.strided.gather [hbm4b:s23+s9], $0xFA0, s10, s9, $0x38;
	[tilespmem:$0x16940] =	vst v63  }
0xcb: {  	_ =	swait.ge [sflag:s5], $0xFA0  }
0xcc: {  	[sflag:s5] =	ssyncset.done $0x0  }
0xcd: {  	[sflag:s5] =	ssyncadd.s32 $0xFFFFF060  }
0xce: {  	_ =	swait.ge [sflag:s15], $0x7D00  }
0xcf: {  	[sflag:s15] =	ssyncset.done $0x0  }
0xd0: {  	[sflag:s15] =	ssyncadd.s32 $0xFFFF8300  }
0xd1: {  	[tilespmem:s16], [sflag:$0x2] =	stream.indirect.gather [spmem:s3], $0x10, s14, s9, $0xb8;
	[tilespmem:$0x16940] =	vst v63  }
0xd2: {  	_ = 	snop  }
0xd3: {  	[spmem:s2] =	stream.indirect.scatter.add.f32 [tilespmem:s12], [sflag:$0x3], $0x10, s17, s9, $0xb8;
	[tilespmem:$0x16940] =	vst v63  }
0xd4: {  	_ =	swait.ge [sflag:s18], $0x7D00  }
0xd5: {  	[sflag:s18] =	ssyncset.done $0x0  }
0xd6: {  	[sflag:s18] =	ssyncadd.s32 $0xFFFF8300  }
0xd7: {  	[tilespmem:s11], [sflag:$0x5] =	stream.strided.gather [hbm4b:s24+s9], $0xFA0, s10, s9, $0x38;
	[tilespmem:$0x16940] =	vst v63  }
0xd8: {  	_ =	swait.ge [sflag:s5], $0xFA0  }
0xd9: {  	[sflag:s5] =	ssyncset.done $0x0  }
0xda: {  	[sflag:s5] =	ssyncadd.s32 $0xFFFFF060  }
0xdb: {  	_ =	swait.ge [sflag:s20], $0x7D00  }
0xdc: {  	[sflag:s20] =	ssyncset.done $0x0  }
0xdd: {  	[sflag:s20] =	ssyncadd.s32 $0xFFFF8300  }
0xde: {  	[tilespmem:s12], [sflag:$0x1] =	stream.indirect.gather [spmem:s3], $0x10, s11, s9, $0xb8;
	[tilespmem:$0x16940] =	vst v63  }
0xdf: {  	_ = 	snop  }
0xe0: {  	[spmem:s2] =	stream.indirect.scatter.add.f32 [tilespmem:s16], [sflag:$0x4], $0x10, s21, s9, $0xb8;
	[tilespmem:$0x16940] =	vst v63  }
0xe1: {  	_ =	swait.ge [sflag:s22], $0x7D00  }
0xe2: {  	[sflag:s22] =	ssyncset.done $0x0  }
0xe3: {  	[sflag:s22] =	ssyncadd.s32 $0xFFFF8300  }
0xe4: {  	[tilespmem:s14], [sflag:$0x5] =	stream.strided.gather [hbm4b:s25+s9], $0xFA0, s10, s9, $0x38;
	[tilespmem:$0x16940] =	vst v63  }
0xe5: {  	_ =	swait.ge [sflag:s5], $0xFA0  }
0xe6: {  	[sflag:s5] =	ssyncset.done $0x0  }
0xe7: {  	[sflag:s5] =	ssyncadd.s32 $0xFFFFF060  }
0xe8: {  	_ =	swait.ge [sflag:s15], $0x7D00  }
0xe9: {  	[sflag:s15] =	ssyncset.done $0x0  }
0xea: {  	[sflag:s15] =	ssyncadd.s32 $0xFFFF8300  }
0xeb: {  	[tilespmem:s16], [sflag:$0x2] =	stream.indirect.gather [spmem:s3], $0x10, s14, s9, $0xb8;
	[tilespmem:$0x16940] =	vst v63  }
0xec: {  	_ = 	snop  }
0xed: {  	[spmem:s2] =	stream.indirect.scatter.add.f32 [tilespmem:s12], [sflag:$0x3], $0x10, s17, s9, $0xb8;
	[tilespmem:$0x16940] =	vst v63  }
0xee: {  	_ =	swait.ge [sflag:s18], $0x7D00  }
0xef: {  	[sflag:s18] =	ssyncset.done $0x0  }
0xf0: {  	[sflag:s18] =	ssyncadd.s32 $0xFFFF8300  }
0xf1: {  	[tilespmem:s11], [sflag:$0x5] =	stream.strided.gather [hbm4b:s26+s9], $0xFA0, s10, s9, $0x38;
	[tilespmem:$0x16940] =	vst v63  }
0xf2: {  	_ =	swait.ge [sflag:s5], $0xFA0  }
0xf3: {  	[sflag:s5] =	ssyncset.done $0x0  }
0xf4: {  	[sflag:s5] =	ssyncadd.s32 $0xFFFFF060  }
0xf5: {  	_ =	swait.ge [sflag:s20], $0x7D00  }
0xf6: {  	[sflag:s20] =	ssyncset.done $0x0  }
0xf7: {  	[sflag:s20] =	ssyncadd.s32 $0xFFFF8300  }
0xf8: {  	[tilespmem:s12], [sflag:$0x1] =	stream.indirect.gather [spmem:s3], $0x10, s11, s9, $0xb8;
	[tilespmem:$0x16940] =	vst v63  }
0xf9: {  	_ = 	snop  }
0xfa: {  	[spmem:s2] =	stream.indirect.scatter.add.f32 [tilespmem:s16], [sflag:$0x4], $0x10, s21, s9, $0xb8;
	[tilespmem:$0x16940] =	vst v63  }
0xfb: {  	_ =	swait.ge [sflag:s22], $0x7D00  }
0xfc: {  	[sflag:s22] =	ssyncset.done $0x0  }
0xfd: {  	[sflag:s22] =	ssyncadd.s32 $0xFFFF8300  }
0xfe: {  	[tilespmem:s14], [sflag:$0x5] =	stream.strided.gather [hbm4b:s28+s9], $0xFA0, s10, s9, $0x38;
	[tilespmem:$0x16940] =	vst v63  }
0xff: {  	_ =	swait.ge [sflag:s5], $0xFA0  }
0x100: {  	[sflag:s5] =	ssyncset.done $0x0  }
0x101: {  	[sflag:s5] =	ssyncadd.s32 $0xFFFFF060  }
0x102: {  	_ =	swait.ge [sflag:s15], $0x7D00  }
0x103: {  	[sflag:s15] =	ssyncset.done $0x0  }
0x104: {  	[sflag:s15] =	ssyncadd.s32 $0xFFFF8300  }
0x105: {  	[tilespmem:s16], [sflag:$0x2] =	stream.indirect.gather [spmem:s3], $0x10, s14, s9, $0xb8;
	[tilespmem:$0x16940] =	vst v63  }
0x106: {  	_ = 	snop  }
0x107: {  	[spmem:s2] =	stream.indirect.scatter.add.f32 [tilespmem:s12], [sflag:$0x3], $0x10, s17, s9, $0xb8;
	[tilespmem:$0x16940] =	vst v63  }
0x108: {  	_ =	swait.ge [sflag:s18], $0x7D00  }
0x109: {  	[sflag:s18] =	ssyncset.done $0x0  }
0x10a: {  	[sflag:s18] =	ssyncadd.s32 $0xFFFF8300  }
0x10b: {  	[tilespmem:s11], [sflag:$0x5] =	stream.strided.gather [hbm4b:s29+s9], $0xFA0, s10, s9, $0x38;
	[tilespmem:$0x16940] =	vst v63  }
0x10c: {  	_ =	swait.ge [sflag:s5], $0xFA0  }
0x10d: {  	[sflag:s5] =	ssyncset.done $0x0  }
0x10e: {  	[sflag:s5] =	ssyncadd.s32 $0xFFFFF060  }
0x10f: {  	_ =	swait.ge [sflag:s20], $0x7D00  }
0x110: {  	[sflag:s20] =	ssyncset.done $0x0  }
0x111: {  	[sflag:s20] =	ssyncadd.s32 $0xFFFF8300  }
0x112: {  	[tilespmem:s12], [sflag:$0x1] =	stream.indirect.gather [spmem:s3], $0x10, s11, s9, $0xb8;
	[tilespmem:$0x16940] =	vst v63  }
0x113: {  	_ = 	snop  }
0x114: {  	[spmem:s2] =	stream.indirect.scatter.add.f32 [tilespmem:s16], [sflag:$0x4], $0x10, s21, s9, $0xb8;
	[tilespmem:$0x16940] =	vst v63  }
0x115: {  	_ =	swait.ge [sflag:s22], $0x7D00  }
0x116: {  	[sflag:s22] =	ssyncset.done $0x0  }
0x117: {  	[sflag:s22] =	ssyncadd.s32 $0xFFFF8300  }
0x118: {  	[tilespmem:s14], [sflag:$0x5] =	stream.strided.gather [hbm4b:s30+s9], $0xFA0, s10, s9, $0x38;
	[tilespmem:$0x16940] =	vst v63  }
0x119: {  	_ =	swait.ge [sflag:s5], $0xFA0  }
0x11a: {  	[sflag:s5] =	ssyncset.done $0x0  }
0x11b: {  	[sflag:s5] =	ssyncadd.s32 $0xFFFFF060  }
0x11c: {  	_ =	swait.ge [sflag:s15], $0x7D00  }
0x11d: {  	[sflag:s15] =	ssyncset.done $0x0  }
0x11e: {  	[sflag:s15] =	ssyncadd.s32 $0xFFFF8300  }
0x11f: {  	[tilespmem:s16], [sflag:$0x2] =	stream.indirect.gather [spmem:s3], $0x10, s14, s9, $0xb8;
	[tilespmem:$0x16940] =	vst v63  }
0x120: {  	_ = 	snop  }
0x121: {  	[spmem:s2] =	stream.indirect.scatter.add.f32 [tilespmem:s12], [sflag:$0x3], $0x10, s17, s9, $0xb8;
	[tilespmem:$0x16940] =	vst v63  }
0x122: {  	_ =	swait.ge [sflag:s20], $0x7D00  }
0x123: {  	[sflag:s20] =	ssyncset.done $0x0  }
0x124: {  	[sflag:s20] =	ssyncadd.s32 $0xFFFF8300  }
0x125: {  	[spmem:s2] =	stream.indirect.scatter.add.f32 [tilespmem:s16], [sflag:$0x4], $0x10, s21, s9, $0xb8;
	[tilespmem:$0x16940] =	vst v63  }
0x126: {  	_ =	swait.ge [sflag:s22], $0x7D00  }
0x127: {  	[sflag:s22] =	ssyncset.done $0x0  }
0x128: {  	[sflag:s22] =	ssyncadd.s32 $0xFFFF8300  }
0x129: {  	p0 =	sne.s32 s1, $0x1;
	_ =	swait.ge [sflag:s18], $0x7D00  }
.Ltmp1:
0x12a: {  	[sflag:s18] =	ssyncset.done $0x0;
	(pc) =	sbr.rel @p0 .LBB2_1-.Ltmp1, $4  }
0x12b: {  	[sflag:s18] =	ssyncadd.s32 $0xFFFF8300  }
0x12c: {  	[bflag:$0x0] =	sbarrier.arrive $0xFFFF  }
0x12d: {  	[hbm:s31], [sflag:s4] =	dma.local [spmem:s6], $0x500  }
0x12e: {  	s1 =	sadd.s32 $0xFFFFFFFF, s1;
	_ =	swait.ge [sflag:s5], $0x500  }
.LBB2_2:
0x12f: {  	[sflag:s5] =	ssyncset.done $0x0  }
0x130: {  	[sflag:s5] =	ssyncadd.s32 $0xFFFFFB00  }
0x131: {  	_ =	sfence.sel $0x180000  }
0x132: {  	[bflag:$0x0] =	sbarrier.arrive $0xFFFF  }
0x133: {  	_ =	strace $0x9000004A  }
0x134: {  	s0 =	stileid.u32;
	[bflag:$0x2] =	sbarrier.arrive $0xFFFF  }
0x135: {  	p0 =	sne.s32 s0, $0x0;
	s0 =	rddreg [dreg:$0x3]  }
0x136: {  	s0 =	sadd.s32 @!p0 $0x100000, s0  }
0x137: {  	[sflag:s0] =	ssyncadd.tile.s32 @!p0 $0x1;
	_ =	shalt  }
.Lfunc_end2:
_tile_overlayer_lowered:
.L_overlay_start_2:
0x138: {  	(tag) =	ssettag $0x2  }
0x139: {  	s0 =	rddreg [dreg:$0x0];
	s2 =	stileid.u32  }
0x13a: {  	s1 =	rddreg [dreg:$0x1];
	p0 =	sne.s32 s2, $0x0  }
0x13b: {  	s3 =	rddreg [dreg:$0x2];
	[bflag:$0x3] =	sbarrier.arrive $0xFFFF;
	s2 =	simm.s32 @!p0 $0x1C05  }
0x13c: {  	[timem:s3], [sflag:s2] =	dma.local @!p0 [hbm:s0], s1  }
0x13d: {  	s0 =	simm.s32 @!p0 $0x5  }
0x13e: {  	_ =	swait.ge @!p0 [sflag:s0], s1  }
0x13f: {  	s1 =	ssub.s32 @!p0 $0x0, s1;
	[sflag:s0] =	ssyncset.done @!p0 $0x0  }
0x140: {  	[sflag:s0] =	ssyncadd.s32 @!p0 s1  }
0x141: {  	[bflag:$0x3] =	sbarrier.arrive $0xFFFF  }
0x142: {  	_ =	shalt  }

// kernel: kernel.14.cloned.1.call-start
scs
__scs_entry_jumppad:
0x0: {  	(pc) =	sbr.rel $0x88, $3  }
0x1: {  	(tag) =	ssettag $0x0;
	lr =	simm.s32 $0x1  }
0x2: {  	[smem:$0x3F99] =	sst lr;
	_ =	strace $0xD0000000  }
0x3: {  	_ = 	snop  }
0x4: {  	_ = 	snop  }
0x5: {  	_ = 	snop  }
0x6: {  	_ = 	snop  }
0x7: {  	_ = 	snop  }
__scs_overlays_trampoline_lowered:
0x8: {  	[smem:$0x3FA8] =	sst s0  }
0x9: {  	[smem:$0x3FA9] =	sst s1  }
0xa: {  	[smem:$0x3FAA] =	sst s2  }
0xb: {  	[smem:$0x3FAB] =	sst s3  }
0xc: {  	[smem:$0x3FAC] =	sst s4  }
0xd: {  	[smem:$0x3FAD] =	sst s5  }
0xe: {  	[smem:$0x3FAE] =	sst s6  }
0xf: {  	[smem:$0x3FAF] =	sst s7  }
0x10: {  	[smem:$0x3FB0] =	sst s8  }
0x11: {  	[smem:$0x3FB1] =	sst s9;
	s0 =	simm.s32 @!p0 $0x0  }
0x12: {  	s1 =	sld [smem:$0x3F97];
	s0 =	simm.s32 @p0 $0x1  }
0x13: {  	[smem:$0x3FB2] =	sst s0;
	s0 =	simm.s32 @!p1 $0x0  }
0x14: {  	s2 =	sld [smem:$0x3F96];
	s0 =	simm.s32 @p1 $0x1  }
0x15: {  	[smem:$0x3FB3] =	sst s0;
	s0 =	simm.s32 @!p2 $0x0  }
0x16: {  	s3 =	sld [smem:$0x3FDB];
	s0 =	simm.s32 @p2 $0x1  }
0x17: {  	s4 =	simm.s32 $0x1BF5;
	[smem:$0x3FB5] =	sst s0  }
0x18: {  	s0 =	sld [smem:$0x3F98];
	_ =	swait.ge [sflag:s4], $0x0  }
0x19: {  	s7 =	sld [smem:$0x3F99]  }
0x1a: {  	s8 =	sadd.s32 $0xFFFFE003, lr  }
0x1b: {  	s9 =	sadd.s32 $0xFFFFFEF7, lr;
	s5 =	simm.s32 $0xFFFFFFFF;
	p2 =	slt.u32 s8, $0xFFFFF086  }
0x1c: {  	p1 =	slt.u32 s9, $0xF7A;
	s5 =	simm.s32 @!p2 $0x0  }
0x1d: {  	s5 =	simm.s32 @p1 $0x1;
	p0 =	seq.s32 s7, s2  }
0x1e: {  	s7 =	smul.u32 @!p0 $0xF7A, s2;
	p2 =	seq.s32 @!p0 s5, $0x0  }
0x1f: {  	s9 =	smul.u32 $0xF7A, s1;
	s8 =	simm.s32 @!p0 $0x1BF5;
	p2 =	por !p2, p0  }
0x20: {  	[sflag:s8] =	ssyncset.s32 @!p0 $0xFFFFF086;
	s6 =	sadd.s32 @!p0 s3, s7;
	s7 =	simm.s32 @!p0 $0x108  }
0x21: {  	s3 =	sadd.s32 s3, s9;
	s6 =	sadd.s32 @!p0 $0x88, s6;
	s7 =	simm.s32 @p2 $0x1082  }
0x22: {  	[simem:s7], [sflag:s8] =	dma.local @!p0 [hbm:s6], $0xF7A  }
0x23: {  	s9 =	sor.u32 $0xD0000000, s2;
	s6 =	simm.s32 $0x108;
	_ =	swait.ge @!p0 [sflag:s8], $0x0  }
0x24: {  	s3 =	sadd.s32 $0x88, s3;
	s6 =	simm.s32 @!p1 $0x1082;
	[sflag:s4] =	ssyncset.s32 $0xFFFFF086  }
0x25: {  	[simem:s6], [sflag:s4] =	dma.local [hbm:s3], $0xF7A  }
0x26: {  	[smem:$0x3F99] =	sst s1;
	(tag) =	ssettag s2;
	_ =	strace s9  }
0x27: {  	s1 =	sld [smem:$0x3FA9]  }
0x28: {  	s2 =	sld [smem:$0x3FAA]  }
0x29: {  	s4 =	sld [smem:$0x3FAC]  }
0x2a: {  	p0 =	seq.s32 s5, $0x0;
	s5 =	sld [smem:$0x3FAD]  }
0x2b: {  	s6 =	sld [smem:$0x3FAE]  }
0x2c: {  	s7 =	sld [smem:$0x3FAF]  }
0x2d: {  	s3 =	simm.s32 $0x108;
	s8 =	sld [smem:$0x3FB0]  }
0x2e: {  	s3 =	simm.s32 @!p0 $0x1082;
	s9 =	sld [smem:$0x3FB1]  }
0x2f: {  	lr =	sadd.s32 s0, s3;
	s0 =	sld [smem:$0x3FA8]  }
0x30: {  	s3 =	sld [smem:$0x3FAB]  }
0x31: {  	[smem:$0x3FB4] =	sst s10  }
0x32: {  	s10 =	sld [smem:$0x3FB2];
	_ =	sdelay $0x3  }
0x33: {  	p0 =	seq.s32 s10, $0x1;
	s10 =	sld [smem:$0x3FB4];
	_ =	sdelay $0x3  }
0x34: {  	[smem:$0x3FB4] =	sst s10  }
0x35: {  	s10 =	sld [smem:$0x3FB3];
	_ =	sdelay $0x3  }
0x36: {  	p1 =	seq.s32 s10, $0x1;
	s10 =	sld [smem:$0x3FB4];
	_ =	sdelay $0x3  }
0x37: {  	[smem:$0x3FB4] =	sst s10  }
0x38: {  	s10 =	sld [smem:$0x3FB5]  }
0x39: {  	_ = 	snop;
	(pc) =	sbr.ind lr, $3  }
0x3a: {  	_ = 	snop  }
0x3b: {  	_ = 	snop  }
0x3c: {  	p2 =	seq.s32 s10, $0x1;
	s10 =	sld [smem:$0x3FB4]  }
0x3d: {  	_ =	shalt  }
0x3e: {  	_ =	shalt  }
0x3f: {  	_ =	shalt  }
0x40: {  	_ =	shalt  }
0x41: {  	_ =	shalt  }
0x42: {  	_ =	shalt  }
0x43: {  	_ =	shalt  }
0x44: {  	_ =	shalt  }
0x45: {  	_ =	shalt  }
0x46: {  	_ =	shalt  }
0x47: {  	_ =	shalt  }
0x48: {  	_ =	shalt  }
0x49: {  	_ =	shalt  }
0x4a: {  	_ =	shalt  }
0x4b: {  	_ =	shalt  }
0x4c: {  	_ =	shalt  }
0x4d: {  	_ =	shalt  }
0x4e: {  	_ =	shalt  }
0x4f: {  	_ =	shalt  }
0x50: {  	_ =	shalt  }
0x51: {  	_ =	shalt  }
0x52: {  	_ =	shalt  }
0x53: {  	_ =	shalt  }
0x54: {  	_ =	shalt  }
0x55: {  	_ =	shalt  }
0x56: {  	_ =	shalt  }
0x57: {  	_ =	shalt  }
0x58: {  	_ =	shalt  }
0x59: {  	_ =	shalt  }
0x5a: {  	_ =	shalt  }
0x5b: {  	_ =	shalt  }
0x5c: {  	_ =	shalt  }
0x5d: {  	_ =	shalt  }
0x5e: {  	_ =	shalt  }
0x5f: {  	_ =	shalt  }
0x60: {  	_ =	shalt  }
0x61: {  	_ =	shalt  }
0x62: {  	_ =	shalt  }
0x63: {  	_ =	shalt  }
0x64: {  	_ =	shalt  }
0x65: {  	_ =	shalt  }
0x66: {  	_ =	shalt  }
0x67: {  	_ =	shalt  }
0x68: {  	_ =	shalt  }
0x69: {  	_ =	shalt  }
0x6a: {  	_ =	shalt  }
0x6b: {  	_ =	shalt  }
0x6c: {  	_ =	shalt  }
0x6d: {  	_ =	shalt  }
0x6e: {  	_ =	shalt  }
0x6f: {  	_ =	shalt  }
0x70: {  	_ =	shalt  }
0x71: {  	_ =	shalt  }
0x72: {  	_ =	shalt  }
0x73: {  	_ =	shalt  }
0x74: {  	_ =	shalt  }
0x75: {  	_ =	shalt  }
0x76: {  	_ =	shalt  }
0x77: {  	_ =	shalt  }
0x78: {  	_ =	shalt  }
0x79: {  	_ =	shalt  }
0x7a: {  	_ =	shalt  }
0x7b: {  	_ =	shalt  }
0x7c: {  	_ =	shalt  }
0x7d: {  	_ =	shalt  }
0x7e: {  	_ =	shalt  }
0x7f: {  	_ =	shalt  }
0x80: {  	_ =	shalt  }
0x81: {  	_ =	shalt  }
0x82: {  	_ =	shalt  }
0x83: {  	_ =	shalt  }
0x84: {  	_ =	shalt  }
0x85: {  	_ =	shalt  }
0x86: {  	_ =	shalt  }
0x87: {  	_ =	shalt  }
.Lfunc_end0:
.L_simem_size_0:
called_computation.2_lowered:
.L_overlay_start_0:
0x88: {  	s2 =	sld [smem:$0x3FD9]  }
0x89: {  	s3 =	sld [smem:$0x3FFE];
	_ =	sdelay $0x1  }
0x8a: {  	s1 =	srdreg.scid  }
0x8b: {  	s0 =	sand.u32 $0x1, s1  }
0x8c: {  	s16 =	sshll.u32 s0, $0xA;
	s2 =	sadd.s32 s3, s2  }
0x8d: {  	s2 =	sadd.s32 s2, s16  }
0x8e: {  	[smem:$0x3FC0] =	sst s2  }
0x8f: {  	_ = 	snop  }
0x90: {  	(tm) =	ssettm $0x1  }
0x91: {  	s17 =	sld [smem:$0x3FFB];
	_ =	sdelay $0x3  }
0x92: {  	_ =	strace s17  }
0x93: {  	s2 =	sld [smem:$0x3FFC];
	_ =	sdelay $0x3  }
0x94: {  	_ =	strace s2  }
0x95: {  	s2 =	sld [smem:$0x3FFD];
	_ =	sdelay $0x3  }
0x96: {  	_ =	strace s2  }
0x97: {  	_ =	strace $0x8FFFFFFF  }
0x98: {  	s18 =	sld [smem:$0x3FDB];
	_ =	sdelay $0x1  }
0x99: {  	s19 =	simm.s32 $_scs_section_size  }
0x9a: {  	s4 =	simm.s32 $_size__tile_overlayer_lowered;
	s5 =	simm.s32 $_tile_overlayer_lowered  }
0x9b: {  	s22 =	simm.s32 $0x1BFF;
	s21 =	sshll.u32 s5, $0x1;
	s2 =	sadd.s32 s19, s18  }
0x9c: {  	s6 =	simm.s32 $0x0;
	s20 =	sshll.u32 s4, $0x1;
	s4 =	sadd.s32 s21, s2  }
0x9d: {  	[timem:s6], [sflag:s22] =	dma.local [hbm:s4], s20  }
0x9e: {  	_ =	swait.ge [sflag:s22], s20  }
0x9f: {  	s3 =	ssub.s32 $0x0, s20;
	[sflag:s22] =	ssyncset.done $0x0  }
0xa0: {  	[sflag:s22] =	ssyncadd.s32 s3;
	_ =	sdelay $0x1  }
0xa1: {  	s23 =	simm.s32 $0x1B8B  }
0xa2: {  	_ =	swait.ge [sflag:s23], $0x1  }
0xa3: {  	[sflag:s23] =	ssyncset.done $0x0  }
0xa4: {  	s25 =	simm.s32 $0x1B8E;
	s24 =	sld [smem:$0x3FFE];
	[sflag:s23] =	ssyncadd.s32 $0xFFFFFFFF  }
0xa5: {  	s26 =	simm.s32 $execute0_lowered;
	[smem:$0x3FD2] =	sst s25  }
0xa6: {  	s4 =	sshll.u32 s26, $0x1;
	_ =	strace $0x8000004C;
	[dreg:$0x1] =	wrdreg $0xFFFFFFFF  }
0xa7: {  	s28 =	simm.s32 $_size_execute0_lowered;
	s2 =	sadd.s32 s2, s4;
	[dreg:$0x0] =	wrdreg $0x0  }
0xa8: {  	s4 =	sshll.u32 s28, $0x1;
	[dreg:$0x2] =	wrdreg s2  }
0xa9: {  	[dreg:$0x3] =	wrdreg s4  }
0xaa: {  	[dreg:$0x4] =	wrdreg $0xC0  }
0xab: {  	_ =	task [dreg:s6], $0x5FFFF  }
0xac: {  	[dreg:$0x1] =	wrdreg $0xFFFFFFFF  }
0xad: {  	[dreg:$0x0] =	wrdreg $0x60  }
0xae: {  	[dreg:$0x2] =	wrdreg s24  }
0xaf: {  	[dreg:$0x3] =	wrdreg $0x14000  }
0xb0: {  	[dreg:$0x4] =	wrdreg $0x0  }
0xb1: {  	[dreg:$0x5] =	wrdreg $0x9  }
0xb2: {  	_ =	task.clear_ibuf [dreg:s6], $0x6FFFF;
	_ =	strace $0x9000004C  }
0xb3: {  	s29 =	simm.s32 $0x9;
	_ =	strace $0x8000004E  }
0xb4: {  	_ =	swait.ge [sflag:s29], $0x1  }
0xb5: {  	[sflag:s29] =	ssyncadd.s32 $0xFFFFFFFF  }
0xb6: {  	_ =	strace $0x9000004E  }
0xb7: {  	_ =	sfence  }
0xb8: {  	s30 =	sld [smem:$0x0];
	_ =	sdelay $0x2  }
0xb9: {  	s31 =	sshll.u32 s1, $0xD;
	s1 =	sshrl.u32 s1, $0x2  }
0xba: {  	s3 =	sand.u32 $0x4000, s31;
	s1 =	sadd.s32 s1, s30  }
0xbb: {  	s0 =	sor.u32 s3, s0;
	s1 =	sshll.u32 s1, $0x11  }
0xbc: {  	s0 =	sor.u32 s1, s0  }
0xbd: {  	s0 =	sadd.s32 $0x8F2B, s0  }
0xbe: {  	[sflag:s0] =	ssyncadd.remote.s32 $0x1  }
0xbf: {  	_ =	sfence.sel $0xFFFF  }
0xc0: {  	[dreg:$0x0] =	wrdreg $0xFFFFFFFF;
	(pc) =	sbr.abs _section_cstart, $3  }
0xc1: {  	[dreg:$0x1] =	wrdreg $0xFFFFFFFF  }
0xc2: {  	_ =	task.clear_ibuf [dreg:s6], $0x2FFFF;
	_ =	strace $0x9FFFFFFF  }
0xc3: {  	(tm) =	ssettm $0x7FFFFFFF  }
tec
execute0_lowered:
.L_overlay_start_1:
0x0: {  	(tag) =	ssettag $0x1  }
0x1: {  	s26 =	rddreg [dreg:$0x0]  }
0x2: {  	s2 =	rddreg [dreg:$0x1]  }
0x3: {  	s3 =	rddreg [dreg:$0x2]  }
0x4: {  	s0 =	stileid.u32;
	s1 =	rddreg [dreg:$0x3]  }
0x5: {  	s4 =	simm.s32 $0x0;
	s5 =	srdreg.scid;
	s28 =	smul.u32 $0x1400, s0  }
0x6: {  	[smem:$0x7FF] =	sst s4;
	s29 =	sand.u32 $0x1, s5;
	s25 =	sshll.u32 s0, $0x6  }
0x7: {  	_ =	strace $0x8000004D;
	s9 =	sshll.u32 s29, $0x4;
	s24 =	sshrl.u32 s28, $0x3  }
0x8: {  	s5 =	sor.u32 $0x1C05, s25;
	s6 =	sadd.s32 s28, s2;
	s8 =	sadd.s32 s24, s26  }
0x9: {  	s7 =	sshrl.u32 s6, $0x3;
	s6 =	simm.s32 $0x5;
	s4 =	sadd.s32 $0x2A400, s8  }
0xa: {  	[spmem:s7], [sflag:s5] =	dma.local [hbm:s4], $0x280  }
0xb: {  	s9 =	sor.u32 s0, s9;
	_ =	swait.ge [sflag:s6], $0x280  }
0xc: {  	s30 =	sadd.s32 s28, s3;
	s25 =	smul.u32 $0x4E20, s9;
	[sflag:s6] =	ssyncset.done $0x0  }
0xd: {  	s9 =	sshrl.u32 s30, $0x3;
	s8 =	sadd.s32 $0x2CC00, s8;
	[sflag:s6] =	ssyncadd.s32 $0xFFFFFD80  }
0xe: {  	[spmem:s9], [sflag:s5] =	dma.local [hbm:s8], $0x280  }
0xf: {  	_ =	swait.ge [sflag:s6], $0x280  }
0x10: {  	s11 =	simm.s32 $0x1388;
	s12 =	simm.s32 $0x9C400;
	[sflag:s6] =	ssyncset.done $0x0  }
0x11: {  	s30 =	sadd.s32 $0x2200, s26;
	s10 =	sshrl.u32 s25, $0x3;
	[sflag:s6] =	ssyncadd.s32 $0xFFFFFD80  }
0x12: {  	s13 =	simm.s32 $0x2800;
	s10 =	sadd.s32 s30, s10;
	[bflag:$0x0] =	sbarrier.arrive $0xFFFF  }
0x13: {  	[tilespmem:s13], [sflag:$0x5] =	stream.strided.gather [hbm4b:s10+s11], $0x2710, s12, s11, $0x38;
	[tilespmem:$0x1AEA0] =	vst v63  }
0x14: {  	_ =	swait.ge [sflag:s6], $0x2710  }
0x15: {  	s14 =	sadd.s32 $0x1388, s25;
	[sflag:s6] =	ssyncset.done $0x0  }
0x16: {  	s15 =	sshrl.u32 s14, $0x3;
	s14 =	simm.s32 $0x7620;
	[sflag:s6] =	ssyncadd.s32 $0xFFFFD8F0  }
0x17: {  	[tilespmem:s14], [sflag:$0x1] =	stream.indirect.gather [spmem:s3], $0x8, s13, s11, $0xb8;
	[tilespmem:$0x1AEA0] =	vst v63  }
0x18: {  	s16 =	simm.s32 $0x4F10;
	s15 =	sadd.s32 s30, s15  }
0x19: {  	[tilespmem:s16], [sflag:$0x5] =	stream.strided.gather [hbm4b:s15+s11], $0x2710, s12, s11, $0x38;
	[tilespmem:$0x1AEA0] =	vst v63  }
0x1a: {  	_ =	swait.ge [sflag:s6], $0x2710  }
0x1b: {  	[sflag:s6] =	ssyncset.done $0x0  }
0x1c: {  	s17 =	simm.s32 $0x1;
	[sflag:s6] =	ssyncadd.s32 $0xFFFFD8F0  }
0x1d: {  	_ =	swait.ge [sflag:s17], $0x9C40  }
0x1e: {  	[sflag:s17] =	ssyncset.done $0x0  }
0x1f: {  	s18 =	simm.s32 $0x11260;
	[sflag:s17] =	ssyncadd.s32 $0xFFFF63C0  }
0x20: {  	[tilespmem:s18], [sflag:$0x2] =	stream.indirect.gather [spmem:s3], $0x8, s16, s11, $0xb8;
	[tilespmem:$0x1AEA0] =	vst v63  }
0x21: {  	s19 =	simm.s32 $0x3B88;
	s20 =	simm.s32 $0x3  }
0x22: {  	[spmem:s2] =	stream.indirect.scatter.add.f32 [tilespmem:s14], [sflag:$0x3], $0x8, s19, s11, $0xb8;
	[tilespmem:$0x1AEA0] =	vst v63  }
0x23: {  	_ =	swait.ge [sflag:s20], $0x9C40  }
0x24: {  	[sflag:s20] =	ssyncset.done $0x0  }
0x25: {  	s21 =	sadd.s32 $0x4E2, s10;
	[sflag:s20] =	ssyncadd.s32 $0xFFFF63C0  }
0x26: {  	[tilespmem:s13], [sflag:$0x5] =	stream.strided.gather [hbm4b:s21+s11], $0x2710, s12, s11, $0x38;
	[tilespmem:$0x1AEA0] =	vst v63  }
0x27: {  	_ =	swait.ge [sflag:s6], $0x2710  }
0x28: {  	[sflag:s6] =	ssyncset.done $0x0  }
0x29: {  	s22 =	simm.s32 $0x2;
	[sflag:s6] =	ssyncadd.s32 $0xFFFFD8F0  }
0x2a: {  	_ =	swait.ge [sflag:s22], $0x9C40  }
0x2b: {  	[sflag:s22] =	ssyncset.done $0x0  }
0x2c: {  	[sflag:s22] =	ssyncadd.s32 $0xFFFF63C0  }
0x2d: {  	[tilespmem:s14], [sflag:$0x1] =	stream.indirect.gather [spmem:s3], $0x8, s13, s11, $0xb8;
	[tilespmem:$0x1AEA0] =	vst v63  }
0x2e: {  	s23 =	simm.s32 $0x6298;
	s24 =	simm.s32 $0x4  }
0x2f: {  	[spmem:s2] =	stream.indirect.scatter.add.f32 [tilespmem:s18], [sflag:$0x4], $0x8, s23, s11, $0xb8;
	[tilespmem:$0x1AEA0] =	vst v63  }
0x30: {  	s25 =	sadd.s32 $0x3A98, s25;
	_ =	swait.ge [sflag:s24], $0x9C40  }
0x31: {  	s25 =	sshrl.u32 s25, $0x3;
	[sflag:s24] =	ssyncset.done $0x0  }
0x32: {  	s25 =	sadd.s32 s30, s25;
	[sflag:s24] =	ssyncadd.s32 $0xFFFF63C0  }
0x33: {  	[tilespmem:s16], [sflag:$0x5] =	stream.strided.gather [hbm4b:s25+s11], $0x2710, s12, s11, $0x38;
	[tilespmem:$0x1AEA0] =	vst v63  }
0x34: {  	_ =	swait.ge [sflag:s6], $0x2710  }
0x35: {  	[sflag:s6] =	ssyncset.done $0x0  }
0x36: {  	[sflag:s6] =	ssyncadd.s32 $0xFFFFD8F0  }
0x37: {  	_ =	swait.ge [sflag:s17], $0x9C40  }
0x38: {  	[sflag:s17] =	ssyncset.done $0x0  }
0x39: {  	[sflag:s17] =	ssyncadd.s32 $0xFFFF63C0  }
0x3a: {  	[tilespmem:s18], [sflag:$0x2] =	stream.indirect.gather [spmem:s3], $0x8, s16, s11, $0xb8;
	[tilespmem:$0x1AEA0] =	vst v63  }
0x3b: {  	_ = 	snop  }
0x3c: {  	[spmem:s2] =	stream.indirect.scatter.add.f32 [tilespmem:s14], [sflag:$0x3], $0x8, s19, s11, $0xb8;
	[tilespmem:$0x1AEA0] =	vst v63  }
0x3d: {  	_ =	swait.ge [sflag:s22], $0x9C40  }
0x3e: {  	[sflag:s22] =	ssyncset.done $0x0  }
0x3f: {  	s31 =	smul.u32 $0x14000, s29;
	[sflag:s22] =	ssyncadd.s32 $0xFFFF63C0  }
0x40: {  	[spmem:s2] =	stream.indirect.scatter.add.f32 [tilespmem:s18], [sflag:$0x4], $0x8, s23, s11, $0xb8;
	[tilespmem:$0x1AEA0] =	vst v63  }
0x41: {  	s29 =	ssub.s32 $0x2, s29;
	s28 =	sadd.s32 s28, s31;
	_ =	swait.ge [sflag:s24], $0x9C40  }
0x42: {  	s31 =	sshrl.u32 s29, $0x1;
	s28 =	sshrl.u32 s28, $0x3;
	[sflag:s24] =	ssyncset.done $0x0  }
0x43: {  	s26 =	sadd.s32 s28, s26;
	s28 =	ssub.s32 s29, s31;
	[sflag:s24] =	ssyncadd.s32 $0xFFFF63C0  }
0x44: {  	s28 =	smax.u32 s28, $0x1;
	_ =	swait.ge [sflag:s20], $0x9C40  }
0x45: {  	p0 =	sne.s32 s28, $0x1;
	[sflag:s20] =	ssyncset.done $0x0  }
.Ltmp0:
0x46: {  	[sflag:s20] =	ssyncadd.s32 $0xFFFF63C0;
	(pc) =	sbr.rel @!p0 .LBB2_2-.Ltmp0, $4  }
0x47: {  	s26 =	sadd.s32 $0x2F400, s26;
	[bflag:$0x0] =	sbarrier.arrive $0xFFFF  }
0x48: {  	[hbm:s26], [sflag:s5] =	dma.local [spmem:s7], $0x280  }
0x49: {  	_ =	swait.ge [sflag:s6], $0x280  }
0x4a: {  	s28 =	sadd.s32 $0xFFFFFFFF, s28;
	[sflag:s6] =	ssyncset.done $0x0  }
.LBB2_1:
0x4b: {  	p0 =	sne.s32 s28, $0x1;
	s28 =	sadd.s32 $0xFFFFFFFF, s28;
	[sflag:s6] =	ssyncadd.s32 $0xFFFFFD80  }
0x4c: {  	[spmem:s7], [sflag:s5] =	dma.local [hbm:s4], $0x280  }
0x4d: {  	_ =	swait.ge [sflag:s6], $0x280  }
0x4e: {  	[sflag:s6] =	ssyncset.done $0x0  }
0x4f: {  	[sflag:s6] =	ssyncadd.s32 $0xFFFFFD80  }
0x50: {  	[spmem:s9], [sflag:s5] =	dma.local [hbm:s8], $0x280  }
0x51: {  	_ =	swait.ge [sflag:s6], $0x280  }
0x52: {  	[sflag:s6] =	ssyncset.done $0x0  }
0x53: {  	[sflag:s6] =	ssyncadd.s32 $0xFFFFFD80  }
0x54: {  	[bflag:$0x0] =	sbarrier.arrive $0xFFFF  }
0x55: {  	[tilespmem:s13], [sflag:$0x5] =	stream.strided.gather [hbm4b:s10+s11], $0x2710, s12, s11, $0x38;
	[tilespmem:$0x1AEA0] =	vst v63  }
0x56: {  	_ =	swait.ge [sflag:s6], $0x2710  }
0x57: {  	[sflag:s6] =	ssyncset.done $0x0  }
0x58: {  	[sflag:s6] =	ssyncadd.s32 $0xFFFFD8F0  }
0x59: {  	[tilespmem:s14], [sflag:$0x1] =	stream.indirect.gather [spmem:s3], $0x8, s13, s11, $0xb8;
	[tilespmem:$0x1AEA0] =	vst v63  }
0x5a: {  	_ = 	snop  }
0x5b: {  	[tilespmem:s16], [sflag:$0x5] =	stream.strided.gather [hbm4b:s15+s11], $0x2710, s12, s11, $0x38;
	[tilespmem:$0x1AEA0] =	vst v63  }
0x5c: {  	_ =	swait.ge [sflag:s6], $0x2710  }
0x5d: {  	[sflag:s6] =	ssyncset.done $0x0  }
0x5e: {  	[sflag:s6] =	ssyncadd.s32 $0xFFFFD8F0  }
0x5f: {  	_ =	swait.ge [sflag:s17], $0x9C40  }
0x60: {  	[sflag:s17] =	ssyncset.done $0x0  }
0x61: {  	[sflag:s17] =	ssyncadd.s32 $0xFFFF63C0  }
0x62: {  	[tilespmem:s18], [sflag:$0x2] =	stream.indirect.gather [spmem:s3], $0x8, s16, s11, $0xb8;
	[tilespmem:$0x1AEA0] =	vst v63  }
0x63: {  	_ = 	snop  }
0x64: {  	[spmem:s2] =	stream.indirect.scatter.add.f32 [tilespmem:s14], [sflag:$0x3], $0x8, s19, s11, $0xb8;
	[tilespmem:$0x1AEA0] =	vst v63  }
0x65: {  	_ =	swait.ge [sflag:s20], $0x9C40  }
0x66: {  	[sflag:s20] =	ssyncset.done $0x0  }
0x67: {  	[sflag:s20] =	ssyncadd.s32 $0xFFFF63C0  }
0x68: {  	[tilespmem:s13], [sflag:$0x5] =	stream.strided.gather [hbm4b:s21+s11], $0x2710, s12, s11, $0x38;
	[tilespmem:$0x1AEA0] =	vst v63  }
0x69: {  	_ =	swait.ge [sflag:s6], $0x2710  }
0x6a: {  	[sflag:s6] =	ssyncset.done $0x0  }
0x6b: {  	[sflag:s6] =	ssyncadd.s32 $0xFFFFD8F0  }
0x6c: {  	_ =	swait.ge [sflag:s22], $0x9C40  }
0x6d: {  	[sflag:s22] =	ssyncset.done $0x0  }
0x6e: {  	[sflag:s22] =	ssyncadd.s32 $0xFFFF63C0  }
0x6f: {  	[tilespmem:s14], [sflag:$0x1] =	stream.indirect.gather [spmem:s3], $0x8, s13, s11, $0xb8;
	[tilespmem:$0x1AEA0] =	vst v63  }
0x70: {  	_ = 	snop  }
0x71: {  	[spmem:s2] =	stream.indirect.scatter.add.f32 [tilespmem:s18], [sflag:$0x4], $0x8, s23, s11, $0xb8;
	[tilespmem:$0x1AEA0] =	vst v63  }
0x72: {  	_ =	swait.ge [sflag:s24], $0x9C40  }
0x73: {  	[sflag:s24] =	ssyncset.done $0x0  }
0x74: {  	[sflag:s24] =	ssyncadd.s32 $0xFFFF63C0  }
0x75: {  	[tilespmem:s16], [sflag:$0x5] =	stream.strided.gather [hbm4b:s25+s11], $0x2710, s12, s11, $0x38;
	[tilespmem:$0x1AEA0] =	vst v63  }
0x76: {  	_ =	swait.ge [sflag:s6], $0x2710  }
0x77: {  	[sflag:s6] =	ssyncset.done $0x0  }
0x78: {  	[sflag:s6] =	ssyncadd.s32 $0xFFFFD8F0  }
0x79: {  	_ =	swait.ge [sflag:s17], $0x9C40  }
0x7a: {  	[sflag:s17] =	ssyncset.done $0x0  }
0x7b: {  	[sflag:s17] =	ssyncadd.s32 $0xFFFF63C0  }
0x7c: {  	[tilespmem:s18], [sflag:$0x2] =	stream.indirect.gather [spmem:s3], $0x8, s16, s11, $0xb8;
	[tilespmem:$0x1AEA0] =	vst v63  }
0x7d: {  	_ = 	snop  }
0x7e: {  	[spmem:s2] =	stream.indirect.scatter.add.f32 [tilespmem:s14], [sflag:$0x3], $0x8, s19, s11, $0xb8;
	[tilespmem:$0x1AEA0] =	vst v63  }
0x7f: {  	_ =	swait.ge [sflag:s22], $0x9C40  }
0x80: {  	[sflag:s22] =	ssyncset.done $0x0  }
0x81: {  	[sflag:s22] =	ssyncadd.s32 $0xFFFF63C0  }
0x82: {  	[spmem:s2] =	stream.indirect.scatter.add.f32 [tilespmem:s18], [sflag:$0x4], $0x8, s23, s11, $0xb8;
	[tilespmem:$0x1AEA0] =	vst v63  }
0x83: {  	_ =	swait.ge [sflag:s24], $0x9C40  }
0x84: {  	[sflag:s24] =	ssyncset.done $0x0  }
0x85: {  	[sflag:s24] =	ssyncadd.s32 $0xFFFF63C0  }
0x86: {  	_ =	swait.ge [sflag:s20], $0x9C40  }
0x87: {  	[sflag:s20] =	ssyncset.done $0x0  }
.Ltmp1:
0x88: {  	[sflag:s20] =	ssyncadd.s32 $0xFFFF63C0;
	(pc) =	sbr.rel @p0 .LBB2_1-.Ltmp1, $4  }
0x89: {  	[bflag:$0x0] =	sbarrier.arrive $0xFFFF  }
0x8a: {  	[hbm:s26], [sflag:s5] =	dma.local [spmem:s7], $0x280  }
0x8b: {  	_ =	swait.ge [sflag:s6], $0x280  }
0x8c: {  	[sflag:s6] =	ssyncset.done $0x0  }
.LBB2_2:
0x8d: {  	[sflag:s6] =	ssyncadd.s32 $0xFFFFFD80  }
0x8e: {  	_ =	sfence.sel $0x180000  }
0x8f: {  	[bflag:$0x0] =	sbarrier.arrive $0xFFFF  }
0x90: {  	p0 =	sne.s32 s0, $0x0;
	_ =	strace $0x9000004D  }
0x91: {  	s0 =	sadd.s32 @!p0 $0x100000, s1;
	[bflag:$0x2] =	sbarrier.arrive $0xFFFF  }
0x92: {  	[sflag:s0] =	ssyncadd.tile.s32 @!p0 $0x1;
	_ =	shalt  }
.Lfunc_end2:
_tile_overlayer_lowered:
.L_overlay_start_2:
0x93: {  	(tag) =	ssettag $0x2  }
0x94: {  	s0 =	rddreg [dreg:$0x0];
	s2 =	stileid.u32  }
0x95: {  	s1 =	rddreg [dreg:$0x1];
	p0 =	sne.s32 s2, $0x0  }
0x96: {  	s3 =	rddreg [dreg:$0x2];
	[bflag:$0x3] =	sbarrier.arrive $0xFFFF;
	s2 =	simm.s32 @!p0 $0x1C05  }
0x97: {  	[timem:s3], [sflag:s2] =	dma.local @!p0 [hbm:s0], s1  }
0x98: {  	s0 =	simm.s32 @!p0 $0x5  }
0x99: {  	_ =	swait.ge @!p0 [sflag:s0], s1  }
0x9a: {  	s1 =	ssub.s32 @!p0 $0x0, s1;
	[sflag:s0] =	ssyncset.done @!p0 $0x0  }
0x9b: {  	[sflag:s0] =	ssyncadd.s32 @!p0 s1  }
0x9c: {  	[bflag:$0x3] =	sbarrier.arrive $0xFFFF  }
0x9d: {  	_ =	shalt  }

// kernel: kernel.8.cloned.1.call-start
scs
__scs_entry_jumppad:
0x0: {  	(pc) =	sbr.rel $0x88, $3  }
0x1: {  	(tag) =	ssettag $0x0;
	lr =	simm.s32 $0x1  }
0x2: {  	[smem:$0x3F99] =	sst lr;
	_ =	strace $0xD0000000  }
0x3: {  	_ = 	snop  }
0x4: {  	_ = 	snop  }
0x5: {  	_ = 	snop  }
0x6: {  	_ = 	snop  }
0x7: {  	_ = 	snop  }
__scs_overlays_trampoline_lowered:
0x8: {  	[smem:$0x3FA8] =	sst s0  }
0x9: {  	[smem:$0x3FA9] =	sst s1  }
0xa: {  	[smem:$0x3FAA] =	sst s2  }
0xb: {  	[smem:$0x3FAB] =	sst s3  }
0xc: {  	[smem:$0x3FAC] =	sst s4  }
0xd: {  	[smem:$0x3FAD] =	sst s5  }
0xe: {  	[smem:$0x3FAE] =	sst s6  }
0xf: {  	[smem:$0x3FAF] =	sst s7  }
0x10: {  	[smem:$0x3FB0] =	sst s8  }
0x11: {  	[smem:$0x3FB1] =	sst s9;
	s0 =	simm.s32 @!p0 $0x0  }
0x12: {  	s1 =	sld [smem:$0x3F97];
	s0 =	simm.s32 @p0 $0x1  }
0x13: {  	[smem:$0x3FB2] =	sst s0;
	s0 =	simm.s32 @!p1 $0x0  }
0x14: {  	s2 =	sld [smem:$0x3F96];
	s0 =	simm.s32 @p1 $0x1  }
0x15: {  	[smem:$0x3FB3] =	sst s0;
	s0 =	simm.s32 @!p2 $0x0  }
0x16: {  	s3 =	sld [smem:$0x3FDB];
	s0 =	simm.s32 @p2 $0x1  }
0x17: {  	s4 =	simm.s32 $0x1BF5;
	[smem:$0x3FB5] =	sst s0  }
0x18: {  	s0 =	sld [smem:$0x3F98];
	_ =	swait.ge [sflag:s4], $0x0  }
0x19: {  	s7 =	sld [smem:$0x3F99]  }
0x1a: {  	s8 =	sadd.s32 $0xFFFFE003, lr  }
0x1b: {  	s9 =	sadd.s32 $0xFFFFFEF7, lr;
	s5 =	simm.s32 $0xFFFFFFFF;
	p2 =	slt.u32 s8, $0xFFFFF086  }
0x1c: {  	p1 =	slt.u32 s9, $0xF7A;
	s5 =	simm.s32 @!p2 $0x0  }
0x1d: {  	s5 =	simm.s32 @p1 $0x1;
	p0 =	seq.s32 s7, s2  }
0x1e: {  	s7 =	smul.u32 @!p0 $0xF7A, s2;
	p2 =	seq.s32 @!p0 s5, $0x0  }
0x1f: {  	s9 =	smul.u32 $0xF7A, s1;
	s8 =	simm.s32 @!p0 $0x1BF5;
	p2 =	por !p2, p0  }
0x20: {  	[sflag:s8] =	ssyncset.s32 @!p0 $0xFFFFF086;
	s6 =	sadd.s32 @!p0 s3, s7;
	s7 =	simm.s32 @!p0 $0x108  }
0x21: {  	s3 =	sadd.s32 s3, s9;
	s6 =	sadd.s32 @!p0 $0x88, s6;
	s7 =	simm.s32 @p2 $0x1082  }
0x22: {  	[simem:s7], [sflag:s8] =	dma.local @!p0 [hbm:s6], $0xF7A  }
0x23: {  	s9 =	sor.u32 $0xD0000000, s2;
	s6 =	simm.s32 $0x108;
	_ =	swait.ge @!p0 [sflag:s8], $0x0  }
0x24: {  	s3 =	sadd.s32 $0x88, s3;
	s6 =	simm.s32 @!p1 $0x1082;
	[sflag:s4] =	ssyncset.s32 $0xFFFFF086  }
0x25: {  	[simem:s6], [sflag:s4] =	dma.local [hbm:s3], $0xF7A  }
0x26: {  	[smem:$0x3F99] =	sst s1;
	(tag) =	ssettag s2;
	_ =	strace s9  }
0x27: {  	s1 =	sld [smem:$0x3FA9]  }
0x28: {  	s2 =	sld [smem:$0x3FAA]  }
0x29: {  	s4 =	sld [smem:$0x3FAC]  }
0x2a: {  	p0 =	seq.s32 s5, $0x0;
	s5 =	sld [smem:$0x3FAD]  }
0x2b: {  	s6 =	sld [smem:$0x3FAE]  }
0x2c: {  	s7 =	sld [smem:$0x3FAF]  }
0x2d: {  	s3 =	simm.s32 $0x108;
	s8 =	sld [smem:$0x3FB0]  }
0x2e: {  	s3 =	simm.s32 @!p0 $0x1082;
	s9 =	sld [smem:$0x3FB1]  }
0x2f: {  	lr =	sadd.s32 s0, s3;
	s0 =	sld [smem:$0x3FA8]  }
0x30: {  	s3 =	sld [smem:$0x3FAB]  }
0x31: {  	[smem:$0x3FB4] =	sst s10  }
0x32: {  	s10 =	sld [smem:$0x3FB2];
	_ =	sdelay $0x3  }
0x33: {  	p0 =	seq.s32 s10, $0x1;
	s10 =	sld [smem:$0x3FB4];
	_ =	sdelay $0x3  }
0x34: {  	[smem:$0x3FB4] =	sst s10  }
0x35: {  	s10 =	sld [smem:$0x3FB3];
	_ =	sdelay $0x3  }
0x36: {  	p1 =	seq.s32 s10, $0x1;
	s10 =	sld [smem:$0x3FB4];
	_ =	sdelay $0x3  }
0x37: {  	[smem:$0x3FB4] =	sst s10  }
0x38: {  	s10 =	sld [smem:$0x3FB5]  }
0x39: {  	_ = 	snop;
	(pc) =	sbr.ind lr, $3  }
0x3a: {  	_ = 	snop  }
0x3b: {  	_ = 	snop  }
0x3c: {  	p2 =	seq.s32 s10, $0x1;
	s10 =	sld [smem:$0x3FB4]  }
0x3d: {  	_ =	shalt  }
0x3e: {  	_ =	shalt  }
0x3f: {  	_ =	shalt  }
0x40: {  	_ =	shalt  }
0x41: {  	_ =	shalt  }
0x42: {  	_ =	shalt  }
0x43: {  	_ =	shalt  }
0x44: {  	_ =	shalt  }
0x45: {  	_ =	shalt  }
0x46: {  	_ =	shalt  }
0x47: {  	_ =	shalt  }
0x48: {  	_ =	shalt  }
0x49: {  	_ =	shalt  }
0x4a: {  	_ =	shalt  }
0x4b: {  	_ =	shalt  }
0x4c: {  	_ =	shalt  }
0x4d: {  	_ =	shalt  }
0x4e: {  	_ =	shalt  }
0x4f: {  	_ =	shalt  }
0x50: {  	_ =	shalt  }
0x51: {  	_ =	shalt  }
0x52: {  	_ =	shalt  }
0x53: {  	_ =	shalt  }
0x54: {  	_ =	shalt  }
0x55: {  	_ =	shalt  }
0x56: {  	_ =	shalt  }
0x57: {  	_ =	shalt  }
0x58: {  	_ =	shalt  }
0x59: {  	_ =	shalt  }
0x5a: {  	_ =	shalt  }
0x5b: {  	_ =	shalt  }
0x5c: {  	_ =	shalt  }
0x5d: {  	_ =	shalt  }
0x5e: {  	_ =	shalt  }
0x5f: {  	_ =	shalt  }
0x60: {  	_ =	shalt  }
0x61: {  	_ =	shalt  }
0x62: {  	_ =	shalt  }
0x63: {  	_ =	shalt  }
0x64: {  	_ =	shalt  }
0x65: {  	_ =	shalt  }
0x66: {  	_ =	shalt  }
0x67: {  	_ =	shalt  }
0x68: {  	_ =	shalt  }
0x69: {  	_ =	shalt  }
0x6a: {  	_ =	shalt  }
0x6b: {  	_ =	shalt  }
0x6c: {  	_ =	shalt  }
0x6d: {  	_ =	shalt  }
0x6e: {  	_ =	shalt  }
0x6f: {  	_ =	shalt  }
0x70: {  	_ =	shalt  }
0x71: {  	_ =	shalt  }
0x72: {  	_ =	shalt  }
0x73: {  	_ =	shalt  }
0x74: {  	_ =	shalt  }
0x75: {  	_ =	shalt  }
0x76: {  	_ =	shalt  }
0x77: {  	_ =	shalt  }
0x78: {  	_ =	shalt  }
0x79: {  	_ =	shalt  }
0x7a: {  	_ =	shalt  }
0x7b: {  	_ =	shalt  }
0x7c: {  	_ =	shalt  }
0x7d: {  	_ =	shalt  }
0x7e: {  	_ =	shalt  }
0x7f: {  	_ =	shalt  }
0x80: {  	_ =	shalt  }
0x81: {  	_ =	shalt  }
0x82: {  	_ =	shalt  }
0x83: {  	_ =	shalt  }
0x84: {  	_ =	shalt  }
0x85: {  	_ =	shalt  }
0x86: {  	_ =	shalt  }
0x87: {  	_ =	shalt  }
.Lfunc_end0:
.L_simem_size_0:
called_computation_lowered:
.L_overlay_start_0:
0x88: {  	s2 =	sld [smem:$0x3FD9]  }
0x89: {  	s3 =	sld [smem:$0x3FFE];
	_ =	sdelay $0x1  }
0x8a: {  	s1 =	srdreg.scid  }
0x8b: {  	s0 =	sand.u32 $0x1, s1  }
0x8c: {  	s16 =	sshll.u32 s0, $0xA;
	s2 =	sadd.s32 s3, s2  }
0x8d: {  	s2 =	sadd.s32 s2, s16  }
0x8e: {  	[smem:$0x3FC0] =	sst s2  }
0x8f: {  	_ = 	snop  }
0x90: {  	(tm) =	ssettm $0x1  }
0x91: {  	s17 =	sld [smem:$0x3FFB];
	_ =	sdelay $0x3  }
0x92: {  	_ =	strace s17  }
0x93: {  	s2 =	sld [smem:$0x3FFC];
	_ =	sdelay $0x3  }
0x94: {  	_ =	strace s2  }
0x95: {  	s2 =	sld [smem:$0x3FFD];
	_ =	sdelay $0x3  }
0x96: {  	_ =	strace s2  }
0x97: {  	_ =	strace $0x8FFFFFFF  }
0x98: {  	s18 =	sld [smem:$0x3FDB];
	_ =	sdelay $0x1  }
0x99: {  	s19 =	simm.s32 $_scs_section_size  }
0x9a: {  	s4 =	simm.s32 $_size__tile_overlayer_lowered;
	s5 =	simm.s32 $_tile_overlayer_lowered  }
0x9b: {  	s22 =	simm.s32 $0x1BFF;
	s21 =	sshll.u32 s5, $0x1;
	s2 =	sadd.s32 s19, s18  }
0x9c: {  	s6 =	simm.s32 $0x0;
	s20 =	sshll.u32 s4, $0x1;
	s4 =	sadd.s32 s21, s2  }
0x9d: {  	[timem:s6], [sflag:s22] =	dma.local [hbm:s4], s20  }
0x9e: {  	_ =	swait.ge [sflag:s22], s20  }
0x9f: {  	s3 =	ssub.s32 $0x0, s20;
	[sflag:s22] =	ssyncset.done $0x0  }
0xa0: {  	[sflag:s22] =	ssyncadd.s32 s3;
	_ =	sdelay $0x1  }
0xa1: {  	s23 =	simm.s32 $0x1B8B  }
0xa2: {  	_ =	swait.ge [sflag:s23], $0x1  }
0xa3: {  	[sflag:s23] =	ssyncset.done $0x0  }
0xa4: {  	s25 =	simm.s32 $0x1B8E;
	s24 =	sld [smem:$0x3FFE];
	[sflag:s23] =	ssyncadd.s32 $0xFFFFFFFF  }
0xa5: {  	s26 =	simm.s32 $execute0_lowered;
	[smem:$0x3FD2] =	sst s25  }
0xa6: {  	s4 =	sshll.u32 s26, $0x1;
	_ =	strace $0x80000046;
	[dreg:$0x1] =	wrdreg $0xFFFFFFFF  }
0xa7: {  	s28 =	simm.s32 $_size_execute0_lowered;
	s2 =	sadd.s32 s2, s4;
	[dreg:$0x0] =	wrdreg $0x0  }
0xa8: {  	s4 =	sshll.u32 s28, $0x1;
	[dreg:$0x2] =	wrdreg s2  }
0xa9: {  	[dreg:$0x3] =	wrdreg s4  }
0xaa: {  	[dreg:$0x4] =	wrdreg $0xC0  }
0xab: {  	_ =	task [dreg:s6], $0x5FFFF  }
0xac: {  	[dreg:$0x1] =	wrdreg $0xFFFFFFFF  }
0xad: {  	[dreg:$0x0] =	wrdreg $0x60  }
0xae: {  	[dreg:$0x2] =	wrdreg s24  }
0xaf: {  	[dreg:$0x3] =	wrdreg $0x0  }
0xb0: {  	[dreg:$0x4] =	wrdreg $0x9  }
0xb1: {  	_ =	task.clear_ibuf [dreg:s6], $0x5FFFF;
	_ =	strace $0x90000046  }
0xb2: {  	s29 =	simm.s32 $0x9;
	_ =	strace $0x80000048  }
0xb3: {  	_ =	swait.ge [sflag:s29], $0x1  }
0xb4: {  	[sflag:s29] =	ssyncadd.s32 $0xFFFFFFFF  }
0xb5: {  	_ =	strace $0x90000048  }
0xb6: {  	_ =	sfence  }
0xb7: {  	s30 =	sld [smem:$0x0];
	_ =	sdelay $0x2  }
0xb8: {  	s31 =	sshll.u32 s1, $0xD;
	s1 =	sshrl.u32 s1, $0x2  }
0xb9: {  	s3 =	sand.u32 $0x4000, s31;
	s1 =	sadd.s32 s1, s30  }
0xba: {  	s0 =	sor.u32 s3, s0;
	s1 =	sshll.u32 s1, $0x11  }
0xbb: {  	s0 =	sor.u32 s1, s0  }
0xbc: {  	s0 =	sadd.s32 $0x8F2B, s0  }
0xbd: {  	[sflag:s0] =	ssyncadd.remote.s32 $0x1  }
0xbe: {  	_ =	sfence.sel $0xFFFF  }
0xbf: {  	[dreg:$0x0] =	wrdreg $0xFFFFFFFF;
	(pc) =	sbr.abs _section_cstart, $3  }
0xc0: {  	[dreg:$0x1] =	wrdreg $0xFFFFFFFF  }
0xc1: {  	_ =	task.clear_ibuf [dreg:s6], $0x2FFFF;
	_ =	strace $0x9FFFFFFF  }
0xc2: {  	(tm) =	ssettm $0x7FFFFFFF  }
0xc3: {  	_ =	shalt  }
tec
execute0_lowered:
.L_overlay_start_1:
0x0: {  	(tag) =	ssettag $0x1  }
0x1: {  	s20 =	rddreg [dreg:$0x0]  }
0x2: {  	s2 =	rddreg [dreg:$0x1]  }
0x3: {  	s0 =	stileid.u32;
	s1 =	rddreg [dreg:$0x2]  }
0x4: {  	s3 =	simm.s32 $0x0;
	s4 =	srdreg.scid;
	s21 =	smul.u32 $0x1400, s0  }
0x5: {  	[smem:$0x7FF] =	sst s3;
	s22 =	sand.u32 $0x1, s4  }
0x6: {  	s5 =	sshll.u32 s0, $0x6;
	_ =	strace $0x80000047;
	s29 =	sshrl.u32 s21, $0x3  }
0x7: {  	s5 =	sor.u32 $0x1C03, s5;
	s6 =	sadd.s32 s21, s2;
	s4 =	sadd.s32 s29, s20  }
0x8: {  	s7 =	sshrl.u32 s6, $0x3;
	s6 =	simm.s32 $0x3;
	s4 =	sadd.s32 $0x2A400, s4  }
0x9: {  	[spmem:s7], [sflag:s5] =	dma.local [hbm:s4], $0x280  }
0xa: {  	s8 =	sshll.u32 s22, $0x4;
	_ =	swait.ge [sflag:s6], $0x280  }
0xb: {  	s9 =	simm.s32 $0x3340;
	s8 =	sor.u32 s0, s8;
	[sflag:s6] =	ssyncset.done $0x0  }
0xc: {  	s10 =	smul.u32 $0x4E20, s8;
	s8 =	sadd.s32 $0x29400, s20;
	[sflag:s6] =	ssyncadd.s32 $0xFFFFFD80  }
0xd: {  	[tilespmem:s9], [sflag:$0x3] =	stream.linear.gather [hbm4b:s8+s3], $0x7D00, $0x38;
	[tilespmem:$0xB040] =	vst v63  }
0xe: {  	_ =	swait.ge [sflag:s6], $0x7D00  }
0xf: {  	s10 =	sshrl.u32 s10, $0x3;
	[sflag:s6] =	ssyncset.done $0x0  }
0x10: {  	s19 =	sadd.s32 s10, s20;
	[sflag:s6] =	ssyncadd.s32 $0xFFFF8300  }
0x11: {  	s11 =	simm.s32 $0x1400;
	s10 =	sadd.s32 $0x15A80, s19;
	[bflag:$0x0] =	sbarrier.arrive $0xFFFF  }
0x12: {  	[tilespmem:s11], [sflag:$0x3] =	stream.linear.gather [hbm4b:s10+s3], $0xFA0, $0x38;
	[tilespmem:$0xB040] =	vst v63  }
0x13: {  	_ =	swait.ge [sflag:s6], $0xFA0  }
0x14: {  	[sflag:s6] =	ssyncset.done $0x0  }
0x15: {  	s13 =	simm.s32 $0x23A0;
	s12 =	sadd.s32 $0x15C74, s19;
	[sflag:s6] =	ssyncadd.s32 $0xFFFFF060  }
0x16: {  	[tilespmem:s13], [sflag:$0x3] =	stream.linear.gather [hbm4b:s12+s3], $0xFA0, $0x38;
	[tilespmem:$0xB040] =	vst v63  }
0x17: {  	_ =	swait.ge [sflag:s6], $0xFA0  }
0x18: {  	[sflag:s6] =	ssyncset.done $0x0  }
0x19: {  	s14 =	simm.s32 $0xFA0;
	s15 =	simm.s32 $0x1;
	[sflag:s6] =	ssyncadd.s32 $0xFFFFF060  }
0x1a: {  	[spmem:s2] =	stream.indirect.scatter.add.f32 [tilespmem:s9], [sflag:$0x1], $0x8, s11, s14, $0xb8;
	[tilespmem:$0xB040] =	vst v63  }
0x1b: {  	_ =	swait.ge [sflag:s15], $0x7D00  }
0x1c: {  	[sflag:s15] =	ssyncset.done $0x0  }
0x1d: {  	s16 =	sadd.s32 $0x15E68, s19;
	[sflag:s15] =	ssyncadd.s32 $0xFFFF8300  }
0x1e: {  	[tilespmem:s11], [sflag:$0x3] =	stream.linear.gather [hbm4b:s16+s3], $0xFA0, $0x38;
	[tilespmem:$0xB040] =	vst v63  }
0x1f: {  	_ =	swait.ge [sflag:s6], $0xFA0  }
0x20: {  	[sflag:s6] =	ssyncset.done $0x0  }
0x21: {  	s17 =	simm.s32 $0x2;
	[sflag:s6] =	ssyncadd.s32 $0xFFFFF060  }
0x22: {  	[spmem:s2] =	stream.indirect.scatter.add.f32 [tilespmem:s9], [sflag:$0x2], $0x8, s13, s14, $0xb8;
	[tilespmem:$0xB040] =	vst v63  }
0x23: {  	_ =	swait.ge [sflag:s17], $0x7D00  }
0x24: {  	[sflag:s17] =	ssyncset.done $0x0  }
0x25: {  	s18 =	sadd.s32 $0x1605C, s19;
	[sflag:s17] =	ssyncadd.s32 $0xFFFF8300  }
0x26: {  	[tilespmem:s13], [sflag:$0x3] =	stream.linear.gather [hbm4b:s18+s3], $0xFA0, $0x38;
	[tilespmem:$0xB040] =	vst v63  }
0x27: {  	_ =	swait.ge [sflag:s6], $0xFA0  }
0x28: {  	[sflag:s6] =	ssyncset.done $0x0  }
0x29: {  	[sflag:s6] =	ssyncadd.s32 $0xFFFFF060  }
0x2a: {  	[spmem:s2] =	stream.indirect.scatter.add.f32 [tilespmem:s9], [sflag:$0x1], $0x8, s11, s14, $0xb8;
	[tilespmem:$0xB040] =	vst v63  }
0x2b: {  	_ =	swait.ge [sflag:s15], $0x7D00  }
0x2c: {  	[sflag:s15] =	ssyncset.done $0x0  }
0x2d: {  	s19 =	sadd.s32 $0x16250, s19;
	[sflag:s15] =	ssyncadd.s32 $0xFFFF8300  }
0x2e: {  	[tilespmem:s11], [sflag:$0x3] =	stream.linear.gather [hbm4b:s19+s3], $0xFA0, $0x38;
	[tilespmem:$0xB040] =	vst v63  }
0x2f: {  	_ =	swait.ge [sflag:s6], $0xFA0  }
0x30: {  	[sflag:s6] =	ssyncset.done $0x0  }
0x31: {  	[sflag:s6] =	ssyncadd.s32 $0xFFFFF060  }
0x32: {  	[spmem:s2] =	stream.indirect.scatter.add.f32 [tilespmem:s9], [sflag:$0x2], $0x8, s13, s14, $0xb8;
	[tilespmem:$0xB040] =	vst v63  }
0x33: {  	s23 =	smul.u32 $0x14000, s22  }
0x34: {  	[spmem:s2] =	stream.indirect.scatter.add.f32 [tilespmem:s9], [sflag:$0x1], $0x8, s11, s14, $0xb8;
	[tilespmem:$0xB040] =	vst v63  }
0x35: {  	s22 =	ssub.s32 $0x2, s22;
	_ =	swait.ge [sflag:s15], $0x7D00  }
0x36: {  	s30 =	sshrl.u32 s22, $0x1;
	s21 =	sadd.s32 s21, s23;
	[sflag:s15] =	ssyncset.done $0x0  }
0x37: {  	s31 =	ssub.s32 s22, s30;
	s21 =	sshrl.u32 s21, $0x3;
	[sflag:s15] =	ssyncadd.s32 $0xFFFF8300  }
0x38: {  	s20 =	sadd.s32 s21, s20;
	s21 =	smax.u32 s31, $0x1;
	_ =	swait.ge [sflag:s17], $0x7D00  }
0x39: {  	p0 =	sne.s32 s21, $0x1;
	[sflag:s17] =	ssyncset.done $0x0  }
.Ltmp0:
0x3a: {  	[sflag:s17] =	ssyncadd.s32 $0xFFFF8300;
	(pc) =	sbr.rel @!p0 .LBB2_2-.Ltmp0, $4  }
0x3b: {  	s20 =	sadd.s32 $0x2CC00, s20;
	[bflag:$0x0] =	sbarrier.arrive $0xFFFF  }
0x3c: {  	[hbm:s20], [sflag:s5] =	dma.local [spmem:s7], $0x280  }
0x3d: {  	_ =	swait.ge [sflag:s6], $0x280  }
0x3e: {  	s21 =	sadd.s32 $0xFFFFFFFF, s21;
	[sflag:s6] =	ssyncset.done $0x0  }
.LBB2_1:
0x3f: {  	p0 =	sne.s32 s21, $0x1;
	s21 =	sadd.s32 $0xFFFFFFFF, s21;
	[sflag:s6] =	ssyncadd.s32 $0xFFFFFD80  }
0x40: {  	[spmem:s7], [sflag:s5] =	dma.local [hbm:s4], $0x280  }
0x41: {  	_ =	swait.ge [sflag:s6], $0x280  }
0x42: {  	[sflag:s6] =	ssyncset.done $0x0  }
0x43: {  	[sflag:s6] =	ssyncadd.s32 $0xFFFFFD80  }
0x44: {  	[tilespmem:s9], [sflag:$0x3] =	stream.linear.gather [hbm4b:s8+s3], $0x7D00, $0x38;
	[tilespmem:$0xB040] =	vst v63  }
0x45: {  	_ =	swait.ge [sflag:s6], $0x7D00  }
0x46: {  	[sflag:s6] =	ssyncset.done $0x0  }
0x47: {  	[sflag:s6] =	ssyncadd.s32 $0xFFFF8300  }
0x48: {  	[bflag:$0x0] =	sbarrier.arrive $0xFFFF  }
0x49: {  	[tilespmem:s11], [sflag:$0x3] =	stream.linear.gather [hbm4b:s10+s3], $0xFA0, $0x38;
	[tilespmem:$0xB040] =	vst v63  }
0x4a: {  	_ =	swait.ge [sflag:s6], $0xFA0  }
0x4b: {  	[sflag:s6] =	ssyncset.done $0x0  }
0x4c: {  	[sflag:s6] =	ssyncadd.s32 $0xFFFFF060  }
0x4d: {  	[tilespmem:s13], [sflag:$0x3] =	stream.linear.gather [hbm4b:s12+s3], $0xFA0, $0x38;
	[tilespmem:$0xB040] =	vst v63  }
0x4e: {  	_ =	swait.ge [sflag:s6], $0xFA0  }
0x4f: {  	[sflag:s6] =	ssyncset.done $0x0  }
0x50: {  	[sflag:s6] =	ssyncadd.s32 $0xFFFFF060  }
0x51: {  	[spmem:s2] =	stream.indirect.scatter.add.f32 [tilespmem:s9], [sflag:$0x1], $0x8, s11, s14, $0xb8;
	[tilespmem:$0xB040] =	vst v63  }
0x52: {  	_ =	swait.ge [sflag:s15], $0x7D00  }
0x53: {  	[sflag:s15] =	ssyncset.done $0x0  }
0x54: {  	[sflag:s15] =	ssyncadd.s32 $0xFFFF8300  }
0x55: {  	[tilespmem:s11], [sflag:$0x3] =	stream.linear.gather [hbm4b:s16+s3], $0xFA0, $0x38;
	[tilespmem:$0xB040] =	vst v63  }
0x56: {  	_ =	swait.ge [sflag:s6], $0xFA0  }
0x57: {  	[sflag:s6] =	ssyncset.done $0x0  }
0x58: {  	[sflag:s6] =	ssyncadd.s32 $0xFFFFF060  }
0x59: {  	[spmem:s2] =	stream.indirect.scatter.add.f32 [tilespmem:s9], [sflag:$0x2], $0x8, s13, s14, $0xb8;
	[tilespmem:$0xB040] =	vst v63  }
0x5a: {  	_ =	swait.ge [sflag:s17], $0x7D00  }
0x5b: {  	[sflag:s17] =	ssyncset.done $0x0  }
0x5c: {  	[sflag:s17] =	ssyncadd.s32 $0xFFFF8300  }
0x5d: {  	[tilespmem:s13], [sflag:$0x3] =	stream.linear.gather [hbm4b:s18+s3], $0xFA0, $0x38;
	[tilespmem:$0xB040] =	vst v63  }
0x5e: {  	_ =	swait.ge [sflag:s6], $0xFA0  }
0x5f: {  	[sflag:s6] =	ssyncset.done $0x0  }
0x60: {  	[sflag:s6] =	ssyncadd.s32 $0xFFFFF060  }
0x61: {  	[spmem:s2] =	stream.indirect.scatter.add.f32 [tilespmem:s9], [sflag:$0x1], $0x8, s11, s14, $0xb8;
	[tilespmem:$0xB040] =	vst v63  }
0x62: {  	_ =	swait.ge [sflag:s15], $0x7D00  }
0x63: {  	[sflag:s15] =	ssyncset.done $0x0  }
0x64: {  	[sflag:s15] =	ssyncadd.s32 $0xFFFF8300  }
0x65: {  	[tilespmem:s11], [sflag:$0x3] =	stream.linear.gather [hbm4b:s19+s3], $0xFA0, $0x38;
	[tilespmem:$0xB040] =	vst v63  }
0x66: {  	_ =	swait.ge [sflag:s6], $0xFA0  }
0x67: {  	[sflag:s6] =	ssyncset.done $0x0  }
0x68: {  	[sflag:s6] =	ssyncadd.s32 $0xFFFFF060  }
0x69: {  	[spmem:s2] =	stream.indirect.scatter.add.f32 [tilespmem:s9], [sflag:$0x2], $0x8, s13, s14, $0xb8;
	[tilespmem:$0xB040] =	vst v63  }
0x6a: {  	_ = 	snop  }
0x6b: {  	[spmem:s2] =	stream.indirect.scatter.add.f32 [tilespmem:s9], [sflag:$0x1], $0x8, s11, s14, $0xb8;
	[tilespmem:$0xB040] =	vst v63  }
0x6c: {  	_ =	swait.ge [sflag:s15], $0x7D00  }
0x6d: {  	[sflag:s15] =	ssyncset.done $0x0  }
0x6e: {  	[sflag:s15] =	ssyncadd.s32 $0xFFFF8300  }
0x6f: {  	_ =	swait.ge [sflag:s17], $0x7D00  }
0x70: {  	[sflag:s17] =	ssyncset.done $0x0  }
.Ltmp1:
0x71: {  	[sflag:s17] =	ssyncadd.s32 $0xFFFF8300;
	(pc) =	sbr.rel @p0 .LBB2_1-.Ltmp1, $4  }
0x72: {  	[bflag:$0x0] =	sbarrier.arrive $0xFFFF  }
0x73: {  	[hbm:s20], [sflag:s5] =	dma.local [spmem:s7], $0x280  }
0x74: {  	_ =	swait.ge [sflag:s6], $0x280  }
0x75: {  	[sflag:s6] =	ssyncset.done $0x0  }
.LBB2_2:
0x76: {  	[sflag:s6] =	ssyncadd.s32 $0xFFFFFD80  }
0x77: {  	_ =	sfence.sel $0x180000  }
0x78: {  	[bflag:$0x0] =	sbarrier.arrive $0xFFFF  }
0x79: {  	p0 =	sne.s32 s0, $0x0;
	_ =	strace $0x90000047  }
0x7a: {  	s0 =	sadd.s32 @!p0 $0x100000, s1;
	[bflag:$0x2] =	sbarrier.arrive $0xFFFF  }
0x7b: {  	[sflag:s0] =	ssyncadd.tile.s32 @!p0 $0x1;
	_ =	shalt  }
.Lfunc_end2:
_tile_overlayer_lowered:
.L_overlay_start_2:
0x7c: {  	(tag) =	ssettag $0x2  }
0x7d: {  	s0 =	rddreg [dreg:$0x0];
	s2 =	stileid.u32  }
0x7e: {  	s1 =	rddreg [dreg:$0x1];
	p0 =	sne.s32 s2, $0x0  }
0x7f: {  	s3 =	rddreg [dreg:$0x2];
	[bflag:$0x3] =	sbarrier.arrive $0xFFFF;
	s2 =	simm.s32 @!p0 $0x1C03  }
0x80: {  	[timem:s3], [sflag:s2] =	dma.local @!p0 [hbm:s0], s1  }
0x81: {  	s0 =	simm.s32 @!p0 $0x3  }
0x82: {  	_ =	swait.ge @!p0 [sflag:s0], s1  }
0x83: {  	s1 =	ssub.s32 @!p0 $0x0, s1;
	[sflag:s0] =	ssyncset.done @!p0 $0x0  }
0x84: {  	[sflag:s0] =	ssyncadd.s32 @!p0 s1  }
0x85: {  	[bflag:$0x3] =	sbarrier.arrive $0xFFFF  }
0x86: {  	_ =	shalt  }

</sc_bundles>
